<compile_context>
chip_gen: v7x
topology: tpu7x:2x2x1
jax: 0.10.2.dev20260603
libtpu: 0.0.44.dev20260713+nightly
codegen_flags: <defaults>
</compile_context>

<pallas_src>
import functools

import jax
import jax.numpy as jnp
from jax import lax
from jax.experimental import pallas as pl
from jax.experimental.pallas import tpu as pltpu, tpu_sc as plsc

_LANES = 16


def kernel(item_ids, item_features):
    B = item_ids.shape[0]
    V, D = item_features.shape
    info = plsc.get_sparse_core_info()
    NC, NS = info.num_cores, info.num_subcores
    NW = NC * NS
    assert B % NW == 0 and D == 2 * _LANES
    b_per_w = B // NW
    K = 8
    n_batches = b_per_w // K

    tableT = item_features.T

    mesh = plsc.VectorSubcoreMesh(core_axis_name="c", subcore_axis_name="s")

    @functools.partial(
        pl.kernel,
        mesh=mesh,
        out_type=jax.ShapeDtypeStruct((B * D,), jnp.float32),
        scratch_types=[
            pltpu.VMEM((b_per_w + _LANES,), jnp.int32),
            pltpu.VMEM((2, K, D, 128), jnp.float32),
            pltpu.VMEM((b_per_w * D,), jnp.float32),
            pltpu.SemaphoreType.DMA,
            pltpu.SemaphoreType.DMA,
        ],
        compiler_params=pltpu.CompilerParams(
            disable_bounds_checks=True, needs_layout_passes=False
        ),
    )
    def gather_kernel(idx_hbm, table_hbm, out_hbm, idx_s, panels_v,
                      cols_v, sem0, sem1):
        wid = lax.axis_index("s") * NC + lax.axis_index("c")
        base = wid * b_per_w
        pltpu.sync_copy(idx_hbm.at[pl.ds(base, b_per_w)],
                        idx_s.at[pl.ds(0, b_per_w)])

        row0 = lax.iota(jnp.int32, _LANES)
        row1 = row0 + _LANES

        def fire(b, buf, sem):
            iv = idx_s[pl.ds(b * K, _LANES)]
            for k in range(K):
                i = iv[k]
                c = pl.multiple_of((i // 128) * 128, 128)
                pltpu.async_copy(
                    table_hbm.at[:, pl.ds(c, 128)],
                    panels_v.at[buf, k],
                    sem,
                )

        def drain(b, buf, sem):
            iv = idx_s[pl.ds(b * K, _LANES)]
            for k in range(K):
                j = b * K + k
                i = iv[k]
                c = pl.multiple_of((i // 128) * 128, 128)
                pltpu.make_async_copy(
                    table_hbm.at[:, pl.ds(c, 128)],
                    panels_v.at[buf, k],
                    sem,
                ).wait()
                lane = jnp.full((_LANES,), i % 128, jnp.int32)
                panel = panels_v.at[buf, k]
                x0 = plsc.load_gather(panel, [row0, lane])
                x1 = plsc.load_gather(panel, [row1, lane])
                off = pl.multiple_of(j * D, D)
                cols_v[pl.ds(off, _LANES)] = x0
                cols_v[pl.ds(off + _LANES, _LANES)] = x1

        fire(0, 0, sem0)

        def loop_body(b, _):
            @pl.when(b % 2 == 0)
            def _even():
                @pl.when(b + 1 < n_batches)
                def _():
                    fire(b + 1, 1, sem1)
                drain(b, 0, sem0)

            @pl.when(b % 2 == 1)
            def _odd():
                @pl.when(b + 1 < n_batches)
                def _():
                    fire(b + 1, 0, sem0)
                drain(b, 1, sem1)

            return _

        lax.fori_loop(0, n_batches, loop_body, 0)
        pltpu.sync_copy(cols_v, out_hbm.at[pl.ds(base * D, b_per_w * D)])

    out_flat = gather_kernel(item_ids, tableT)
    return out_flat.reshape(B, D)

# --- scband reference (transcript-rebuilt; emitter-appended) ---
"""Pipeline reference for scband-kgembedding-85229331022397 (READ-ONLY COPY).

The authoritative reference and input builder live on the scoring server;
editing this copy changes nothing except your own understanding.
"""

import jax, jax.numpy as jnp
import numpy as np

N_ITEMS = 1000000
EMBED_DIM = 32
BATCH = 16384


def setup_inputs(seed: int = 0) -> dict:
    key = jax.random.key(seed)
    k_idx, k_tab = jax.random.split(key)
    item_ids = jax.random.randint(k_idx, (BATCH,), 0, N_ITEMS, dtype=jnp.int64 if jax.config.jax_enable_x64 else jnp.int32)
    item_features = jax.random.normal(k_tab, (N_ITEMS, EMBED_DIM), dtype=jnp.float32) * 0.02
    return {"item_ids": item_ids, "item_features": item_features}


def reference(item_ids, item_features):
    # KGEmbedding without KG: plain learned item-feature embedding lookup.
    # Equivalent to nn.Embedding(n_items, kg_embedding_dim)(item_ids).
    return jnp.take(item_features, item_ids, axis=0)

if __name__ == "__main__":
    import jax
    _d = setup_inputs()
    print(jax.jit(kernel)(*tuple(_d.values())))

</pallas_src>

<mosaic_0001>
#map = affine_map<(d0, d1) -> (0)>
#map1 = affine_map<(d0, d1) -> (0, 0)>
module attributes {stable_mosaic.version = 14 : i64} {
  func.func @gather_kernel(%arg0: i32, %arg1: i32, %arg2: memref<16384xi32, #tpu.memory_space<hbm>>, %arg3: memref<32x1000000xf32, #tpu.memory_space<hbm>>, %arg4: memref<524288xf32, #tpu.memory_space<hbm>>, %arg5: memref<528xi32, #tpu.memory_space<vmem>>, %arg6: memref<2x8x32x128xf32, #tpu.memory_space<vmem>>, %arg7: memref<16384xf32, #tpu.memory_space<vmem>>, %arg8: memref<!tpu.dma_semaphore, #tpu.memory_space<semaphore_mem>>, %arg9: memref<!tpu.dma_semaphore, #tpu.memory_space<semaphore_mem>>) attributes {dimension_semantics = [#tpu.dimension_semantics<core_parallel>, #tpu.dimension_semantics<subcore_parallel>], iteration_bounds = array<i64: 2, 16>, scalar_prefetch = 0 : i64, scratch_operands = 5 : i64, tpu.core_type = #tpu.core_type<sc_vector_subcore>, window_params = [{transform_indices = #map}, {transform_indices = #map1}, {transform_indices = #map}]} {
    %mul3A = arith.constant 2 : i32
    %mul3A_0 = arith.muli %arg1, %mul3A : i32
    %add3A = arith.addi %mul3A_0, %arg0 : i32
    %mul3A_1 = arith.constant 512 : i32
    %mul3A_2 = arith.muli %add3A, %mul3A_1 : i32
    "tpu.region"() ({
      %run_scoped3A = tpu.sem_alloc : memref<!tpu.dma_semaphore, #tpu.memory_space<semaphore_mem>>
      %dma_start3A_346 = arith.constant 0 : i32
      %dma_start3A_347 = tpu.memref_slice %arg5[%dma_start3A_346] : memref<528xi32, #tpu.memory_space<vmem>> -> memref<512xi32, #tpu.memory_space<vmem>>
      %dma_start3A_348 = tpu.memref_slice %arg2[%mul3A_2] : memref<16384xi32, #tpu.memory_space<hbm>> -> memref<512xi32, #tpu.memory_space<hbm>>
      %dma_start3A_349 = arith.constant 0 : i32
      %dma_start3A_350 = tpu.memref_slice %arg5[%dma_start3A_349] : memref<528xi32, #tpu.memory_space<vmem>> -> memref<512xi32, #tpu.memory_space<vmem>>
      %dma_start3A_351 = tpu.memref_slice %arg2[%mul3A_2] : memref<16384xi32, #tpu.memory_space<hbm>> -> memref<512xi32, #tpu.memory_space<hbm>>
      tpu.enqueue_dma source(%dma_start3A_351 : memref<512xi32, #tpu.memory_space<hbm>>) target(%dma_start3A_350 : memref<512xi32, #tpu.memory_space<vmem>>) target_semaphore(%run_scoped3A : memref<!tpu.dma_semaphore, #tpu.memory_space<semaphore_mem>>)
      %dma_wait3A = arith.constant 0 : i32
      %dma_wait3A_352 = tpu.memref_slice %arg5[%dma_wait3A] : memref<528xi32, #tpu.memory_space<vmem>> -> memref<512xi32, #tpu.memory_space<vmem>>
      %dma_wait3A_353 = tpu.memref_slice %arg2[%mul3A_2] : memref<16384xi32, #tpu.memory_space<hbm>> -> memref<512xi32, #tpu.memory_space<hbm>>
      %dma_wait3A_354 = arith.constant 0 : i32
      %dma_wait3A_355 = tpu.memref_slice %arg5[%dma_wait3A_354] : memref<528xi32, #tpu.memory_space<vmem>> -> memref<512xi32, #tpu.memory_space<vmem>>
      %dma_wait3A_356 = tpu.memref_slice %arg2[%mul3A_2] : memref<16384xi32, #tpu.memory_space<hbm>> -> memref<512xi32, #tpu.memory_space<hbm>>
      tpu.wait_dma2 semaphore(%run_scoped3A : memref<!tpu.dma_semaphore, #tpu.memory_space<semaphore_mem>>) src(%dma_wait3A_356 : memref<512xi32, #tpu.memory_space<hbm>>) dst(%dma_wait3A_355 : memref<512xi32, #tpu.memory_space<vmem>>)
      tpu.yield
    }) : () -> ()
    %iota3A = tpu.iota {dimensions = array<i32: 0>} : vector<16xi32>
    %add3A_3 = arith.constant 16 : i32
    %add3A_4 = vector.broadcast %add3A_3 : i32 to vector<16xi32>
    %add3A_5 = arith.addi %iota3A, %add3A_4 : vector<16xi32>
    %get3A = arith.constant 0 : index
    %get3A_6 = tpu.vector_load %arg5[%get3A] {strides = array<i32>} : memref<528xi32, #tpu.memory_space<vmem>>, vector<16xi32>,
    %slice3A = vector.extract_strided_slice %get3A_6 {offsets = [0], sizes = [1], strides = [1]} : vector<16xi32> to vector<1xi32>
    %squeeze3A = vector.extract %slice3A[0] : i32 from vector<1xi32>
    %jit3A = arith.constant 128 : i32
    %div3A = arith.divsi %squeeze3A, %jit3A : i32
    %sign3A = arith.constant 0 : i32
    %sign3A_7 = arith.cmpi sgt, %squeeze3A, %sign3A : i32
    %sign3A_8 = arith.extui %sign3A_7 : i1 to i32
    %sign3A_9 = arith.constant 0 : i32
    %sign3A_10 = arith.cmpi slt, %squeeze3A, %sign3A_9 : i32
    %sign3A_11 = arith.extui %sign3A_10 : i1 to i32
    %sign3A_12 = arith.subi %sign3A_8, %sign3A_11 : i32
    %sign3A_13 = arith.constant 0 : i32
    %sign3A_14 = arith.cmpi sgt, %jit3A, %sign3A_13 : i32
    %sign3A_15 = arith.extui %sign3A_14 : i1 to i32
    %sign3A_16 = arith.constant 0 : i32
    %sign3A_17 = arith.cmpi slt, %jit3A, %sign3A_16 : i32
    %sign3A_18 = arith.extui %sign3A_17 : i1 to i32
    %sign3A_19 = arith.subi %sign3A_15, %sign3A_18 : i32
    %ne3A = arith.cmpi ne, %sign3A_12, %sign3A_19 : i32
    %rem3A = arith.remsi %squeeze3A, %jit3A : i32
    %ne3A_20 = arith.constant 0 : i32
    %ne3A_21 = arith.cmpi ne, %rem3A, %ne3A_20 : i32
    %and3A = arith.andi %ne3A, %ne3A_21 : i1
    %sub3A = arith.constant 1 : i32
    %sub3A_22 = arith.subi %div3A, %sub3A : i32
    %select_n3A = arith.select %and3A, %sub3A_22, %div3A : i32
    %mul3A_23 = arith.constant 128 : i32
    %mul3A_24 = arith.muli %select_n3A, %mul3A_23 : i32
    %multiple_of3A = tpu.assume_multiple %mul3A_24, 128 : i32
    %dma_start3A = arith.constant 0 : i32
    %dma_start3A_25 = arith.constant 0 : i32
    %dma_start3A_26 = arith.constant 0 : i32
    %dma_start3A_27 = arith.constant 0 : i32
    %dma_start3A_28 = tpu.memref_slice %arg6[%dma_start3A, %dma_start3A_25, %dma_start3A_26, %dma_start3A_27] : memref<2x8x32x128xf32, #tpu.memory_space<vmem>> -> memref<1x1x32x128xf32, #tpu.memory_space<vmem>>
    %dma_start3A_29 = tpu.memref_squeeze %dma_start3A_28 : memref<1x1x32x128xf32, #tpu.memory_space<vmem>> -> memref<32x128xf32, #tpu.memory_space<vmem>>
    %dma_start3A_30 = arith.constant 0 : i32
    %dma_start3A_31 = tpu.memref_slice %arg3[%dma_start3A_30, %multiple_of3A] : memref<32x1000000xf32, #tpu.memory_space<hbm>> -> memref<32x128xf32, #tpu.memory_space<hbm>>
    %dma_start3A_32 = arith.constant 0 : i32
    %dma_start3A_33 = arith.constant 0 : i32
    %dma_start3A_34 = tpu.memref_slice %arg6[%dma_start3A, %dma_start3A_25, %dma_start3A_32, %dma_start3A_33] : memref<2x8x32x128xf32, #tpu.memory_space<vmem>> -> memref<1x1x32x128xf32, #tpu.memory_space<vmem>>
    %dma_start3A_35 = tpu.memref_squeeze %dma_start3A_34 : memref<1x1x32x128xf32, #tpu.memory_space<vmem>> -> memref<32x128xf32, #tpu.memory_space<vmem>>
    %dma_start3A_36 = arith.constant 0 : i32
    %dma_start3A_37 = tpu.memref_slice %arg3[%dma_start3A_36, %multiple_of3A] : memref<32x1000000xf32, #tpu.memory_space<hbm>> -> memref<32x128xf32, #tpu.memory_space<hbm>>
    tpu.enqueue_dma source(%dma_start3A_37 : memref<32x128xf32, #tpu.memory_space<hbm>>) target(%dma_start3A_35 : memref<32x128xf32, #tpu.memory_space<vmem>>) target_semaphore(%arg8 : memref<!tpu.dma_semaphore, #tpu.memory_space<semaphore_mem>>)
    %slice3A_38 = vector.extract_strided_slice %get3A_6 {offsets = [1], sizes = [1], strides = [1]} : vector<16xi32> to vector<1xi32>
    %squeeze3A_39 = vector.extract %slice3A_38[0] : i32 from vector<1xi32>
    %jit3A_40 = arith.constant 128 : i32
    %div3A_41 = arith.divsi %squeeze3A_39, %jit3A_40 : i32
    %sign3A_42 = arith.constant 0 : i32
    %sign3A_43 = arith.cmpi sgt, %squeeze3A_39, %sign3A_42 : i32
    %sign3A_44 = arith.extui %sign3A_43 : i1 to i32
    %sign3A_45 = arith.constant 0 : i32
    %sign3A_46 = arith.cmpi slt, %squeeze3A_39, %sign3A_45 : i32
    %sign3A_47 = arith.extui %sign3A_46 : i1 to i32
    %sign3A_48 = arith.subi %sign3A_44, %sign3A_47 : i32
    %sign3A_49 = arith.constant 0 : i32
    %sign3A_50 = arith.cmpi sgt, %jit3A_40, %sign3A_49 : i32
    %sign3A_51 = arith.extui %sign3A_50 : i1 to i32
    %sign3A_52 = arith.constant 0 : i32
    %sign3A_53 = arith.cmpi slt, %jit3A_40, %sign3A_52 : i32
    %sign3A_54 = arith.extui %sign3A_53 : i1 to i32
    %sign3A_55 = arith.subi %sign3A_51, %sign3A_54 : i32
    %ne3A_56 = arith.cmpi ne, %sign3A_48, %sign3A_55 : i32
    %rem3A_57 = arith.remsi %squeeze3A_39, %jit3A_40 : i32
    %ne3A_58 = arith.constant 0 : i32
    %ne3A_59 = arith.cmpi ne, %rem3A_57, %ne3A_58 : i32
    %and3A_60 = arith.andi %ne3A_56, %ne3A_59 : i1
    %sub3A_61 = arith.constant 1 : i32
    %sub3A_62 = arith.subi %div3A_41, %sub3A_61 : i32
    %select_n3A_63 = arith.select %and3A_60, %sub3A_62, %div3A_41 : i32
    %mul3A_64 = arith.constant 128 : i32
    %mul3A_65 = arith.muli %select_n3A_63, %mul3A_64 : i32
    %multiple_of3A_66 = tpu.assume_multiple %mul3A_65, 128 : i32
    %dma_start3A_67 = arith.constant 0 : i32
    %dma_start3A_68 = arith.constant 1 : i32
    %dma_start3A_69 = arith.constant 0 : i32
    %dma_start3A_70 = arith.constant 0 : i32
    %dma_start3A_71 = tpu.memref_slice %arg6[%dma_start3A_67, %dma_start3A_68, %dma_start3A_69, %dma_start3A_70] : memref<2x8x32x128xf32, #tpu.memory_space<vmem>> -> memref<1x1x32x128xf32, #tpu.memory_space<vmem>>
    %dma_start3A_72 = tpu.memref_squeeze %dma_start3A_71 : memref<1x1x32x128xf32, #tpu.memory_space<vmem>> -> memref<32x128xf32, #tpu.memory_space<vmem>>
    %dma_start3A_73 = arith.constant 0 : i32
    %dma_start3A_74 = tpu.memref_slice %arg3[%dma_start3A_73, %multiple_of3A_66] : memref<32x1000000xf32, #tpu.memory_space<hbm>> -> memref<32x128xf32, #tpu.memory_space<hbm>>
    %dma_start3A_75 = arith.constant 0 : i32
    %dma_start3A_76 = arith.constant 0 : i32
    %dma_start3A_77 = tpu.memref_slice %arg6[%dma_start3A_67, %dma_start3A_68, %dma_start3A_75, %dma_start3A_76] : memref<2x8x32x128xf32, #tpu.memory_space<vmem>> -> memref<1x1x32x128xf32, #tpu.memory_space<vmem>>
    %dma_start3A_78 = tpu.memref_squeeze %dma_start3A_77 : memref<1x1x32x128xf32, #tpu.memory_space<vmem>> -> memref<32x128xf32, #tpu.memory_space<vmem>>
    %dma_start3A_79 = arith.constant 0 : i32
    %dma_start3A_80 = tpu.memref_slice %arg3[%dma_start3A_79, %multiple_of3A_66] : memref<32x1000000xf32, #tpu.memory_space<hbm>> -> memref<32x128xf32, #tpu.memory_space<hbm>>
    tpu.enqueue_dma source(%dma_start3A_80 : memref<32x128xf32, #tpu.memory_space<hbm>>) target(%dma_start3A_78 : memref<32x128xf32, #tpu.memory_space<vmem>>) target_semaphore(%arg8 : memref<!tpu.dma_semaphore, #tpu.memory_space<semaphore_mem>>)
    %slice3A_81 = vector.extract_strided_slice %get3A_6 {offsets = [2], sizes = [1], strides = [1]} : vector<16xi32> to vector<1xi32>
    %squeeze3A_82 = vector.extract %slice3A_81[0] : i32 from vector<1xi32>
    %jit3A_83 = arith.constant 128 : i32
    %div3A_84 = arith.divsi %squeeze3A_82, %jit3A_83 : i32
    %sign3A_85 = arith.constant 0 : i32
    %sign3A_86 = arith.cmpi sgt, %squeeze3A_82, %sign3A_85 : i32
    %sign3A_87 = arith.extui %sign3A_86 : i1 to i32
    %sign3A_88 = arith.constant 0 : i32
    %sign3A_89 = arith.cmpi slt, %squeeze3A_82, %sign3A_88 : i32
    %sign3A_90 = arith.extui %sign3A_89 : i1 to i32
    %sign3A_91 = arith.subi %sign3A_87, %sign3A_90 : i32
    %sign3A_92 = arith.constant 0 : i32
    %sign3A_93 = arith.cmpi sgt, %jit3A_83, %sign3A_92 : i32
    %sign3A_94 = arith.extui %sign3A_93 : i1 to i32
    %sign3A_95 = arith.constant 0 : i32
    %sign3A_96 = arith.cmpi slt, %jit3A_83, %sign3A_95 : i32
    %sign3A_97 = arith.extui %sign3A_96 : i1 to i32
    %sign3A_98 = arith.subi %sign3A_94, %sign3A_97 : i32
    %ne3A_99 = arith.cmpi ne, %sign3A_91, %sign3A_98 : i32
    %rem3A_100 = arith.remsi %squeeze3A_82, %jit3A_83 : i32
    %ne3A_101 = arith.constant 0 : i32
    %ne3A_102 = arith.cmpi ne, %rem3A_100, %ne3A_101 : i32
    %and3A_103 = arith.andi %ne3A_99, %ne3A_102 : i1
    %sub3A_104 = arith.constant 1 : i32
    %sub3A_105 = arith.subi %div3A_84, %sub3A_104 : i32
    %select_n3A_106 = arith.select %and3A_103, %sub3A_105, %div3A_84 : i32
    %mul3A_107 = arith.constant 128 : i32
    %mul3A_108 = arith.muli %select_n3A_106, %mul3A_107 : i32
    %multiple_of3A_109 = tpu.assume_multiple %mul3A_108, 128 : i32
    %dma_start3A_110 = arith.constant 0 : i32
    %dma_start3A_111 = arith.constant 2 : i32
    %dma_start3A_112 = arith.constant 0 : i32
    %dma_start3A_113 = arith.constant 0 : i32
    %dma_start3A_114 = tpu.memref_slice %arg6[%dma_start3A_110, %dma_start3A_111, %dma_start3A_112, %dma_start3A_113] : memref<2x8x32x128xf32, #tpu.memory_space<vmem>> -> memref<1x1x32x128xf32, #tpu.memory_space<vmem>>
    %dma_start3A_115 = tpu.memref_squeeze %dma_start3A_114 : memref<1x1x32x128xf32, #tpu.memory_space<vmem>> -> memref<32x128xf32, #tpu.memory_space<vmem>>
    %dma_start3A_116 = arith.constant 0 : i32
    %dma_start3A_117 = tpu.memref_slice %arg3[%dma_start3A_116, %multiple_of3A_109] : memref<32x1000000xf32, #tpu.memory_space<hbm>> -> memref<32x128xf32, #tpu.memory_space<hbm>>
    %dma_start3A_118 = arith.constant 0 : i32
    %dma_start3A_119 = arith.constant 0 : i32
    %dma_start3A_120 = tpu.memref_slice %arg6[%dma_start3A_110, %dma_start3A_111, %dma_start3A_118, %dma_start3A_119] : memref<2x8x32x128xf32, #tpu.memory_space<vmem>> -> memref<1x1x32x128xf32, #tpu.memory_space<vmem>>
    %dma_start3A_121 = tpu.memref_squeeze %dma_start3A_120 : memref<1x1x32x128xf32, #tpu.memory_space<vmem>> -> memref<32x128xf32, #tpu.memory_space<vmem>>
    %dma_start3A_122 = arith.constant 0 : i32
    %dma_start3A_123 = tpu.memref_slice %arg3[%dma_start3A_122, %multiple_of3A_109] : memref<32x1000000xf32, #tpu.memory_space<hbm>> -> memref<32x128xf32, #tpu.memory_space<hbm>>
    tpu.enqueue_dma source(%dma_start3A_123 : memref<32x128xf32, #tpu.memory_space<hbm>>) target(%dma_start3A_121 : memref<32x128xf32, #tpu.memory_space<vmem>>) target_semaphore(%arg8 : memref<!tpu.dma_semaphore, #tpu.memory_space<semaphore_mem>>)
    %slice3A_124 = vector.extract_strided_slice %get3A_6 {offsets = [3], sizes = [1], strides = [1]} : vector<16xi32> to vector<1xi32>
    %squeeze3A_125 = vector.extract %slice3A_124[0] : i32 from vector<1xi32>
    %jit3A_126 = arith.constant 128 : i32
    %div3A_127 = arith.divsi %squeeze3A_125, %jit3A_126 : i32
    %sign3A_128 = arith.constant 0 : i32
    %sign3A_129 = arith.cmpi sgt, %squeeze3A_125, %sign3A_128 : i32
    %sign3A_130 = arith.extui %sign3A_129 : i1 to i32
    %sign3A_131 = arith.constant 0 : i32
    %sign3A_132 = arith.cmpi slt, %squeeze3A_125, %sign3A_131 : i32
    %sign3A_133 = arith.extui %sign3A_132 : i1 to i32
    %sign3A_134 = arith.subi %sign3A_130, %sign3A_133 : i32
    %sign3A_135 = arith.constant 0 : i32
    %sign3A_136 = arith.cmpi sgt, %jit3A_126, %sign3A_135 : i32
    %sign3A_137 = arith.extui %sign3A_136 : i1 to i32
    %sign3A_138 = arith.constant 0 : i32
    %sign3A_139 = arith.cmpi slt, %jit3A_126, %sign3A_138 : i32
    %sign3A_140 = arith.extui %sign3A_139 : i1 to i32
    %sign3A_141 = arith.subi %sign3A_137, %sign3A_140 : i32
    %ne3A_142 = arith.cmpi ne, %sign3A_134, %sign3A_141 : i32
    %rem3A_143 = arith.remsi %squeeze3A_125, %jit3A_126 : i32
    %ne3A_144 = arith.constant 0 : i32
    %ne3A_145 = arith.cmpi ne, %rem3A_143, %ne3A_144 : i32
    %and3A_146 = arith.andi %ne3A_142, %ne3A_145 : i1
    %sub3A_147 = arith.constant 1 : i32
    %sub3A_148 = arith.subi %div3A_127, %sub3A_147 : i32
    %select_n3A_149 = arith.select %and3A_146, %sub3A_148, %div3A_127 : i32
    %mul3A_150 = arith.constant 128 : i32
    %mul3A_151 = arith.muli %select_n3A_149, %mul3A_150 : i32
    %multiple_of3A_152 = tpu.assume_multiple %mul3A_151, 128 : i32
    %dma_start3A_153 = arith.constant 0 : i32
    %dma_start3A_154 = arith.constant 3 : i32
    %dma_start3A_155 = arith.constant 0 : i32
    %dma_start3A_156 = arith.constant 0 : i32
    %dma_start3A_157 = tpu.memref_slice %arg6[%dma_start3A_153, %dma_start3A_154, %dma_start3A_155, %dma_start3A_156] : memref<2x8x32x128xf32, #tpu.memory_space<vmem>> -> memref<1x1x32x128xf32, #tpu.memory_space<vmem>>
    %dma_start3A_158 = tpu.memref_squeeze %dma_start3A_157 : memref<1x1x32x128xf32, #tpu.memory_space<vmem>> -> memref<32x128xf32, #tpu.memory_space<vmem>>
    %dma_start3A_159 = arith.constant 0 : i32
    %dma_start3A_160 = tpu.memref_slice %arg3[%dma_start3A_159, %multiple_of3A_152] : memref<32x1000000xf32, #tpu.memory_space<hbm>> -> memref<32x128xf32, #tpu.memory_space<hbm>>
    %dma_start3A_161 = arith.constant 0 : i32
    %dma_start3A_162 = arith.constant 0 : i32
    %dma_start3A_163 = tpu.memref_slice %arg6[%dma_start3A_153, %dma_start3A_154, %dma_start3A_161, %dma_start3A_162] : memref<2x8x32x128xf32, #tpu.memory_space<vmem>> -> memref<1x1x32x128xf32, #tpu.memory_space<vmem>>
    %dma_start3A_164 = tpu.memref_squeeze %dma_start3A_163 : memref<1x1x32x128xf32, #tpu.memory_space<vmem>> -> memref<32x128xf32, #tpu.memory_space<vmem>>
    %dma_start3A_165 = arith.constant 0 : i32
    %dma_start3A_166 = tpu.memref_slice %arg3[%dma_start3A_165, %multiple_of3A_152] : memref<32x1000000xf32, #tpu.memory_space<hbm>> -> memref<32x128xf32, #tpu.memory_space<hbm>>
    tpu.enqueue_dma source(%dma_start3A_166 : memref<32x128xf32, #tpu.memory_space<hbm>>) target(%dma_start3A_164 : memref<32x128xf32, #tpu.memory_space<vmem>>) target_semaphore(%arg8 : memref<!tpu.dma_semaphore, #tpu.memory_space<semaphore_mem>>)
    %slice3A_167 = vector.extract_strided_slice %get3A_6 {offsets = [4], sizes = [1], strides = [1]} : vector<16xi32> to vector<1xi32>
    %squeeze3A_168 = vector.extract %slice3A_167[0] : i32 from vector<1xi32>
    %jit3A_169 = arith.constant 128 : i32
    %div3A_170 = arith.divsi %squeeze3A_168, %jit3A_169 : i32
    %sign3A_171 = arith.constant 0 : i32
    %sign3A_172 = arith.cmpi sgt, %squeeze3A_168, %sign3A_171 : i32
    %sign3A_173 = arith.extui %sign3A_172 : i1 to i32
    %sign3A_174 = arith.constant 0 : i32
    %sign3A_175 = arith.cmpi slt, %squeeze3A_168, %sign3A_174 : i32
    %sign3A_176 = arith.extui %sign3A_175 : i1 to i32
    %sign3A_177 = arith.subi %sign3A_173, %sign3A_176 : i32
    %sign3A_178 = arith.constant 0 : i32
    %sign3A_179 = arith.cmpi sgt, %jit3A_169, %sign3A_178 : i32
    %sign3A_180 = arith.extui %sign3A_179 : i1 to i32
    %sign3A_181 = arith.constant 0 : i32
    %sign3A_182 = arith.cmpi slt, %jit3A_169, %sign3A_181 : i32
    %sign3A_183 = arith.extui %sign3A_182 : i1 to i32
    %sign3A_184 = arith.subi %sign3A_180, %sign3A_183 : i32
    %ne3A_185 = arith.cmpi ne, %sign3A_177, %sign3A_184 : i32
    %rem3A_186 = arith.remsi %squeeze3A_168, %jit3A_169 : i32
    %ne3A_187 = arith.constant 0 : i32
    %ne3A_188 = arith.cmpi ne, %rem3A_186, %ne3A_187 : i32
    %and3A_189 = arith.andi %ne3A_185, %ne3A_188 : i1
    %sub3A_190 = arith.constant 1 : i32
    %sub3A_191 = arith.subi %div3A_170, %sub3A_190 : i32
    %select_n3A_192 = arith.select %and3A_189, %sub3A_191, %div3A_170 : i32
    %mul3A_193 = arith.constant 128 : i32
    %mul3A_194 = arith.muli %select_n3A_192, %mul3A_193 : i32
    %multiple_of3A_195 = tpu.assume_multiple %mul3A_194, 128 : i32
    %dma_start3A_196 = arith.constant 0 : i32
    %dma_start3A_197 = arith.constant 4 : i32
    %dma_start3A_198 = arith.constant 0 : i32
    %dma_start3A_199 = arith.constant 0 : i32
    %dma_start3A_200 = tpu.memref_slice %arg6[%dma_start3A_196, %dma_start3A_197, %dma_start3A_198, %dma_start3A_199] : memref<2x8x32x128xf32, #tpu.memory_space<vmem>> -> memref<1x1x32x128xf32, #tpu.memory_space<vmem>>
    %dma_start3A_201 = tpu.memref_squeeze %dma_start3A_200 : memref<1x1x32x128xf32, #tpu.memory_space<vmem>> -> memref<32x128xf32, #tpu.memory_space<vmem>>
    %dma_start3A_202 = arith.constant 0 : i32
    %dma_start3A_203 = tpu.memref_slice %arg3[%dma_start3A_202, %multiple_of3A_195] : memref<32x1000000xf32, #tpu.memory_space<hbm>> -> memref<32x128xf32, #tpu.memory_space<hbm>>
    %dma_start3A_204 = arith.constant 0 : i32
    %dma_start3A_205 = arith.constant 0 : i32
    %dma_start3A_206 = tpu.memref_slice %arg6[%dma_start3A_196, %dma_start3A_197, %dma_start3A_204, %dma_start3A_205] : memref<2x8x32x128xf32, #tpu.memory_space<vmem>> -> memref<1x1x32x128xf32, #tpu.memory_space<vmem>>
    %dma_start3A_207 = tpu.memref_squeeze %dma_start3A_206 : memref<1x1x32x128xf32, #tpu.memory_space<vmem>> -> memref<32x128xf32, #tpu.memory_space<vmem>>
    %dma_start3A_208 = arith.constant 0 : i32
    %dma_start3A_209 = tpu.memref_slice %arg3[%dma_start3A_208, %multiple_of3A_195] : memref<32x1000000xf32, #tpu.memory_space<hbm>> -> memref<32x128xf32, #tpu.memory_space<hbm>>
    tpu.enqueue_dma source(%dma_start3A_209 : memref<32x128xf32, #tpu.memory_space<hbm>>) target(%dma_start3A_207 : memref<32x128xf32, #tpu.memory_space<vmem>>) target_semaphore(%arg8 : memref<!tpu.dma_semaphore, #tpu.memory_space<semaphore_mem>>)
    %slice3A_210 = vector.extract_strided_slice %get3A_6 {offsets = [5], sizes = [1], strides = [1]} : vector<16xi32> to vector<1xi32>
    %squeeze3A_211 = vector.extract %slice3A_210[0] : i32 from vector<1xi32>
    %jit3A_212 = arith.constant 128 : i32
    %div3A_213 = arith.divsi %squeeze3A_211, %jit3A_212 : i32
    %sign3A_214 = arith.constant 0 : i32
    %sign3A_215 = arith.cmpi sgt, %squeeze3A_211, %sign3A_214 : i32
    %sign3A_216 = arith.extui %sign3A_215 : i1 to i32
    %sign3A_217 = arith.constant 0 : i32
    %sign3A_218 = arith.cmpi slt, %squeeze3A_211, %sign3A_217 : i32
    %sign3A_219 = arith.extui %sign3A_218 : i1 to i32
    %sign3A_220 = arith.subi %sign3A_216, %sign3A_219 : i32
    %sign3A_221 = arith.constant 0 : i32
    %sign3A_222 = arith.cmpi sgt, %jit3A_212, %sign3A_221 : i32
    %sign3A_223 = arith.extui %sign3A_222 : i1 to i32
    %sign3A_224 = arith.constant 0 : i32
    %sign3A_225 = arith.cmpi slt, %jit3A_212, %sign3A_224 : i32
    %sign3A_226 = arith.extui %sign3A_225 : i1 to i32
    %sign3A_227 = arith.subi %sign3A_223, %sign3A_226 : i32
    %ne3A_228 = arith.cmpi ne, %sign3A_220, %sign3A_227 : i32
    %rem3A_229 = arith.remsi %squeeze3A_211, %jit3A_212 : i32
    %ne3A_230 = arith.constant 0 : i32
    %ne3A_231 = arith.cmpi ne, %rem3A_229, %ne3A_230 : i32
    %and3A_232 = arith.andi %ne3A_228, %ne3A_231 : i1
    %sub3A_233 = arith.constant 1 : i32
    %sub3A_234 = arith.subi %div3A_213, %sub3A_233 : i32
    %select_n3A_235 = arith.select %and3A_232, %sub3A_234, %div3A_213 : i32
    %mul3A_236 = arith.constant 128 : i32
    %mul3A_237 = arith.muli %select_n3A_235, %mul3A_236 : i32
    %multiple_of3A_238 = tpu.assume_multiple %mul3A_237, 128 : i32
    %dma_start3A_239 = arith.constant 0 : i32
    %dma_start3A_240 = arith.constant 5 : i32
    %dma_start3A_241 = arith.constant 0 : i32
    %dma_start3A_242 = arith.constant 0 : i32
    %dma_start3A_243 = tpu.memref_slice %arg6[%dma_start3A_239, %dma_start3A_240, %dma_start3A_241, %dma_start3A_242] : memref<2x8x32x128xf32, #tpu.memory_space<vmem>> -> memref<1x1x32x128xf32, #tpu.memory_space<vmem>>
    %dma_start3A_244 = tpu.memref_squeeze %dma_start3A_243 : memref<1x1x32x128xf32, #tpu.memory_space<vmem>> -> memref<32x128xf32, #tpu.memory_space<vmem>>
    %dma_start3A_245 = arith.constant 0 : i32
    %dma_start3A_246 = tpu.memref_slice %arg3[%dma_start3A_245, %multiple_of3A_238] : memref<32x1000000xf32, #tpu.memory_space<hbm>> -> memref<32x128xf32, #tpu.memory_space<hbm>>
    %dma_start3A_247 = arith.constant 0 : i32
    %dma_start3A_248 = arith.constant 0 : i32
    %dma_start3A_249 = tpu.memref_slice %arg6[%dma_start3A_239, %dma_start3A_240, %dma_start3A_247, %dma_start3A_248] : memref<2x8x32x128xf32, #tpu.memory_space<vmem>> -> memref<1x1x32x128xf32, #tpu.memory_space<vmem>>
    %dma_start3A_250 = tpu.memref_squeeze %dma_start3A_249 : memref<1x1x32x128xf32, #tpu.memory_space<vmem>> -> memref<32x128xf32, #tpu.memory_space<vmem>>
    %dma_start3A_251 = arith.constant 0 : i32
    %dma_start3A_252 = tpu.memref_slice %arg3[%dma_start3A_251, %multiple_of3A_238] : memref<32x1000000xf32, #tpu.memory_space<hbm>> -> memref<32x128xf32, #tpu.memory_space<hbm>>
    tpu.enqueue_dma source(%dma_start3A_252 : memref<32x128xf32, #tpu.memory_space<hbm>>) target(%dma_start3A_250 : memref<32x128xf32, #tpu.memory_space<vmem>>) target_semaphore(%arg8 : memref<!tpu.dma_semaphore, #tpu.memory_space<semaphore_mem>>)
    %slice3A_253 = vector.extract_strided_slice %get3A_6 {offsets = [6], sizes = [1], strides = [1]} : vector<16xi32> to vector<1xi32>
    %squeeze3A_254 = vector.extract %slice3A_253[0] : i32 from vector<1xi32>
    %jit3A_255 = arith.constant 128 : i32
    %div3A_256 = arith.divsi %squeeze3A_254, %jit3A_255 : i32
    %sign3A_257 = arith.constant 0 : i32
    %sign3A_258 = arith.cmpi sgt, %squeeze3A_254, %sign3A_257 : i32
    %sign3A_259 = arith.extui %sign3A_258 : i1 to i32
    %sign3A_260 = arith.constant 0 : i32
    %sign3A_261 = arith.cmpi slt, %squeeze3A_254, %sign3A_260 : i32
    %sign3A_262 = arith.extui %sign3A_261 : i1 to i32
    %sign3A_263 = arith.subi %sign3A_259, %sign3A_262 : i32
    %sign3A_264 = arith.constant 0 : i32
    %sign3A_265 = arith.cmpi sgt, %jit3A_255, %sign3A_264 : i32
    %sign3A_266 = arith.extui %sign3A_265 : i1 to i32
    %sign3A_267 = arith.constant 0 : i32
    %sign3A_268 = arith.cmpi slt, %jit3A_255, %sign3A_267 : i32
    %sign3A_269 = arith.extui %sign3A_268 : i1 to i32
    %sign3A_270 = arith.subi %sign3A_266, %sign3A_269 : i32
    %ne3A_271 = arith.cmpi ne, %sign3A_263, %sign3A_270 : i32
    %rem3A_272 = arith.remsi %squeeze3A_254, %jit3A_255 : i32
    %ne3A_273 = arith.constant 0 : i32
    %ne3A_274 = arith.cmpi ne, %rem3A_272, %ne3A_273 : i32
    %and3A_275 = arith.andi %ne3A_271, %ne3A_274 : i1
    %sub3A_276 = arith.constant 1 : i32
    %sub3A_277 = arith.subi %div3A_256, %sub3A_276 : i32
    %select_n3A_278 = arith.select %and3A_275, %sub3A_277, %div3A_256 : i32
    %mul3A_279 = arith.constant 128 : i32
    %mul3A_280 = arith.muli %select_n3A_278, %mul3A_279 : i32
    %multiple_of3A_281 = tpu.assume_multiple %mul3A_280, 128 : i32
    %dma_start3A_282 = arith.constant 0 : i32
    %dma_start3A_283 = arith.constant 6 : i32
    %dma_start3A_284 = arith.constant 0 : i32
    %dma_start3A_285 = arith.constant 0 : i32
    %dma_start3A_286 = tpu.memref_slice %arg6[%dma_start3A_282, %dma_start3A_283, %dma_start3A_284, %dma_start3A_285] : memref<2x8x32x128xf32, #tpu.memory_space<vmem>> -> memref<1x1x32x128xf32, #tpu.memory_space<vmem>>
    %dma_start3A_287 = tpu.memref_squeeze %dma_start3A_286 : memref<1x1x32x128xf32, #tpu.memory_space<vmem>> -> memref<32x128xf32, #tpu.memory_space<vmem>>
    %dma_start3A_288 = arith.constant 0 : i32
    %dma_start3A_289 = tpu.memref_slice %arg3[%dma_start3A_288, %multiple_of3A_281] : memref<32x1000000xf32, #tpu.memory_space<hbm>> -> memref<32x128xf32, #tpu.memory_space<hbm>>
    %dma_start3A_290 = arith.constant 0 : i32
    %dma_start3A_291 = arith.constant 0 : i32
    %dma_start3A_292 = tpu.memref_slice %arg6[%dma_start3A_282, %dma_start3A_283, %dma_start3A_290, %dma_start3A_291] : memref<2x8x32x128xf32, #tpu.memory_space<vmem>> -> memref<1x1x32x128xf32, #tpu.memory_space<vmem>>
    %dma_start3A_293 = tpu.memref_squeeze %dma_start3A_292 : memref<1x1x32x128xf32, #tpu.memory_space<vmem>> -> memref<32x128xf32, #tpu.memory_space<vmem>>
    %dma_start3A_294 = arith.constant 0 : i32
    %dma_start3A_295 = tpu.memref_slice %arg3[%dma_start3A_294, %multiple_of3A_281] : memref<32x1000000xf32, #tpu.memory_space<hbm>> -> memref<32x128xf32, #tpu.memory_space<hbm>>
    tpu.enqueue_dma source(%dma_start3A_295 : memref<32x128xf32, #tpu.memory_space<hbm>>) target(%dma_start3A_293 : memref<32x128xf32, #tpu.memory_space<vmem>>) target_semaphore(%arg8 : memref<!tpu.dma_semaphore, #tpu.memory_space<semaphore_mem>>)
    %slice3A_296 = vector.extract_strided_slice %get3A_6 {offsets = [7], sizes = [1], strides = [1]} : vector<16xi32> to vector<1xi32>
    %squeeze3A_297 = vector.extract %slice3A_296[0] : i32 from vector<1xi32>
    %jit3A_298 = arith.constant 128 : i32
    %div3A_299 = arith.divsi %squeeze3A_297, %jit3A_298 : i32
    %sign3A_300 = arith.constant 0 : i32
    %sign3A_301 = arith.cmpi sgt, %squeeze3A_297, %sign3A_300 : i32
    %sign3A_302 = arith.extui %sign3A_301 : i1 to i32
    %sign3A_303 = arith.constant 0 : i32
    %sign3A_304 = arith.cmpi slt, %squeeze3A_297, %sign3A_303 : i32
    %sign3A_305 = arith.extui %sign3A_304 : i1 to i32
    %sign3A_306 = arith.subi %sign3A_302, %sign3A_305 : i32
    %sign3A_307 = arith.constant 0 : i32
    %sign3A_308 = arith.cmpi sgt, %jit3A_298, %sign3A_307 : i32
    %sign3A_309 = arith.extui %sign3A_308 : i1 to i32
    %sign3A_310 = arith.constant 0 : i32
    %sign3A_311 = arith.cmpi slt, %jit3A_298, %sign3A_310 : i32
    %sign3A_312 = arith.extui %sign3A_311 : i1 to i32
    %sign3A_313 = arith.subi %sign3A_309, %sign3A_312 : i32
    %ne3A_314 = arith.cmpi ne, %sign3A_306, %sign3A_313 : i32
    %rem3A_315 = arith.remsi %squeeze3A_297, %jit3A_298 : i32
    %ne3A_316 = arith.constant 0 : i32
    %ne3A_317 = arith.cmpi ne, %rem3A_315, %ne3A_316 : i32
    %and3A_318 = arith.andi %ne3A_314, %ne3A_317 : i1
    %sub3A_319 = arith.constant 1 : i32
    %sub3A_320 = arith.subi %div3A_299, %sub3A_319 : i32
    %select_n3A_321 = arith.select %and3A_318, %sub3A_320, %div3A_299 : i32
    %mul3A_322 = arith.constant 128 : i32
    %mul3A_323 = arith.muli %select_n3A_321, %mul3A_322 : i32
    %multiple_of3A_324 = tpu.assume_multiple %mul3A_323, 128 : i32
    %dma_start3A_325 = arith.constant 0 : i32
    %dma_start3A_326 = arith.constant 7 : i32
    %dma_start3A_327 = arith.constant 0 : i32
    %dma_start3A_328 = arith.constant 0 : i32
    %dma_start3A_329 = tpu.memref_slice %arg6[%dma_start3A_325, %dma_start3A_326, %dma_start3A_327, %dma_start3A_328] : memref<2x8x32x128xf32, #tpu.memory_space<vmem>> -> memref<1x1x32x128xf32, #tpu.memory_space<vmem>>
    %dma_start3A_330 = tpu.memref_squeeze %dma_start3A_329 : memref<1x1x32x128xf32, #tpu.memory_space<vmem>> -> memref<32x128xf32, #tpu.memory_space<vmem>>
    %dma_start3A_331 = arith.constant 0 : i32
    %dma_start3A_332 = tpu.memref_slice %arg3[%dma_start3A_331, %multiple_of3A_324] : memref<32x1000000xf32, #tpu.memory_space<hbm>> -> memref<32x128xf32, #tpu.memory_space<hbm>>
    %dma_start3A_333 = arith.constant 0 : i32
    %dma_start3A_334 = arith.constant 0 : i32
    %dma_start3A_335 = tpu.memref_slice %arg6[%dma_start3A_325, %dma_start3A_326, %dma_start3A_333, %dma_start3A_334] : memref<2x8x32x128xf32, #tpu.memory_space<vmem>> -> memref<1x1x32x128xf32, #tpu.memory_space<vmem>>
    %dma_start3A_336 = tpu.memref_squeeze %dma_start3A_335 : memref<1x1x32x128xf32, #tpu.memory_space<vmem>> -> memref<32x128xf32, #tpu.memory_space<vmem>>
    %dma_start3A_337 = arith.constant 0 : i32
    %dma_start3A_338 = tpu.memref_slice %arg3[%dma_start3A_337, %multiple_of3A_324] : memref<32x1000000xf32, #tpu.memory_space<hbm>> -> memref<32x128xf32, #tpu.memory_space<hbm>>
    tpu.enqueue_dma source(%dma_start3A_338 : memref<32x128xf32, #tpu.memory_space<hbm>>) target(%dma_start3A_336 : memref<32x128xf32, #tpu.memory_space<vmem>>) target_semaphore(%arg8 : memref<!tpu.dma_semaphore, #tpu.memory_space<semaphore_mem>>)
    %scan3A = arith.constant 0 : i32
    %scan3A_339 = arith.constant 0 : i32
    %scan3A_340 = arith.constant 64 : i32
    %scan3A_341 = arith.addi %scan3A_339, %scan3A_340 : i32
    %scan3A_342 = arith.constant 1 : i32
    scf.for %scan3A_346 = %scan3A_339 to %scan3A_341 step %scan3A_342  : i32 {
      %jit3A_347 = arith.constant 2 : i32
      %eq3A = arith.constant 0 : i32
      %eq3A_348 = arith.cmpi eq, %jit3A_347, %eq3A : i32
      %jit3A_349 = arith.constant 1 : i32
      %select_n3A_350 = arith.select %eq3A_348, %jit3A_349, %jit3A_347 : i32
      %rem3A_351 = arith.remsi %scan3A_346, %select_n3A_350 : i32
      %ne3A_352 = arith.constant 0 : i32
      %ne3A_353 = arith.cmpi ne, %rem3A_351, %ne3A_352 : i32
      %lt3A = arith.constant 0 : i32
      %lt3A_354 = arith.cmpi slt, %rem3A_351, %lt3A : i32
      %lt3A_355 = arith.constant 0 : i32
      %lt3A_356 = arith.cmpi slt, %select_n3A_350, %lt3A_355 : i32
      %ne3A_357 = arith.xori %lt3A_354, %lt3A_356 : i1
      %and3A_358 = arith.andi %ne3A_357, %ne3A_353 : i1
      %add3A_359 = arith.addi %rem3A_351, %select_n3A_350 : i32
      %select_n3A_360 = arith.select %and3A_358, %add3A_359, %rem3A_351 : i32
      %eq3A_361 = arith.constant 0 : i32
      %eq3A_362 = arith.cmpi eq, %select_n3A_360, %eq3A_361 : i32
      %convert_element_type3A = arith.extui %eq3A_362 : i1 to i32
      %cond3A = arith.constant 0 : i32
      %cond3A_363 = arith.cmpi ne, %convert_element_type3A, %cond3A : i32
      scf.if %cond3A_363 {
        %add3A_385 = arith.constant 1 : i32
        %add3A_386 = arith.addi %scan3A_346, %add3A_385 : i32
        %lt3A_387 = arith.constant 64 : i32
        %lt3A_388 = arith.cmpi slt, %add3A_386, %lt3A_387 : i32
        %convert_element_type3A_389 = arith.extui %lt3A_388 : i1 to i32
        %cond3A_390 = arith.constant 0 : i32
        %cond3A_391 = arith.cmpi ne, %convert_element_type3A_389, %cond3A_390 : i32
        scf.if %cond3A_391 {
          %add3A_1088 = arith.constant 1 : i32
          %add3A_1089 = arith.addi %scan3A_346, %add3A_1088 : i32
          %mul3A_1090 = arith.constant 8 : i32
          %mul3A_1091 = arith.muli %add3A_1089, %mul3A_1090 : i32
          %get3A_1092 = arith.index_cast %mul3A_1091 : i32 to index
          %get3A_1093 = tpu.vector_load %arg5[%get3A_1092] {strides = array<i32>} : memref<528xi32, #tpu.memory_space<vmem>>, vector<16xi32>,
          %slice3A_1094 = vector.extract_strided_slice %get3A_1093 {offsets = [0], sizes = [1], strides = [1]} : vector<16xi32> to vector<1xi32>
          %squeeze3A_1095 = vector.extract %slice3A_1094[0] : i32 from vector<1xi32>
          %jit3A_1096 = arith.constant 128 : i32
          %div3A_1097 = arith.divsi %squeeze3A_1095, %jit3A_1096 : i32
          %sign3A_1098 = arith.constant 0 : i32
          %sign3A_1099 = arith.cmpi sgt, %squeeze3A_1095, %sign3A_1098 : i32
          %sign3A_1100 = arith.extui %sign3A_1099 : i1 to i32
          %sign3A_1101 = arith.constant 0 : i32
          %sign3A_1102 = arith.cmpi slt, %squeeze3A_1095, %sign3A_1101 : i32
          %sign3A_1103 = arith.extui %sign3A_1102 : i1 to i32
          %sign3A_1104 = arith.subi %sign3A_1100, %sign3A_1103 : i32
          %sign3A_1105 = arith.constant 0 : i32
          %sign3A_1106 = arith.cmpi sgt, %jit3A_1096, %sign3A_1105 : i32
          %sign3A_1107 = arith.extui %sign3A_1106 : i1 to i32
          %sign3A_1108 = arith.constant 0 : i32
          %sign3A_1109 = arith.cmpi slt, %jit3A_1096, %sign3A_1108 : i32
          %sign3A_1110 = arith.extui %sign3A_1109 : i1 to i32
          %sign3A_1111 = arith.subi %sign3A_1107, %sign3A_1110 : i32
          %ne3A_1112 = arith.cmpi ne, %sign3A_1104, %sign3A_1111 : i32
          %rem3A_1113 = arith.remsi %squeeze3A_1095, %jit3A_1096 : i32
          %ne3A_1114 = arith.constant 0 : i32
          %ne3A_1115 = arith.cmpi ne, %rem3A_1113, %ne3A_1114 : i32
          %and3A_1116 = arith.andi %ne3A_1112, %ne3A_1115 : i1
          %sub3A_1117 = arith.constant 1 : i32
          %sub3A_1118 = arith.subi %div3A_1097, %sub3A_1117 : i32
          %select_n3A_1119 = arith.select %and3A_1116, %sub3A_1118, %div3A_1097 : i32
          %mul3A_1120 = arith.constant 128 : i32
          %mul3A_1121 = arith.muli %select_n3A_1119, %mul3A_1120 : i32
          %multiple_of3A_1122 = tpu.assume_multiple %mul3A_1121, 128 : i32
          %dma_start3A_1123 = arith.constant 1 : i32
          %dma_start3A_1124 = arith.constant 0 : i32
          %dma_start3A_1125 = arith.constant 0 : i32
          %dma_start3A_1126 = arith.constant 0 : i32
          %dma_start3A_1127 = tpu.memref_slice %arg6[%dma_start3A_1123, %dma_start3A_1124, %dma_start3A_1125, %dma_start3A_1126] : memref<2x8x32x128xf32, #tpu.memory_space<vmem>> -> memref<1x1x32x128xf32, #tpu.memory_space<vmem>>
          %dma_start3A_1128 = tpu.memref_squeeze %dma_start3A_1127 : memref<1x1x32x128xf32, #tpu.memory_space<vmem>> -> memref<32x128xf32, #tpu.memory_space<vmem>>
          %dma_start3A_1129 = arith.constant 0 : i32
          %dma_start3A_1130 = tpu.memref_slice %arg3[%dma_start3A_1129, %multiple_of3A_1122] : memref<32x1000000xf32, #tpu.memory_space<hbm>> -> memref<32x128xf32, #tpu.memory_space<hbm>>
          %dma_start3A_1131 = arith.constant 0 : i32
          %dma_start3A_1132 = arith.constant 0 : i32
          %dma_start3A_1133 = tpu.memref_slice %arg6[%dma_start3A_1123, %dma_start3A_1124, %dma_start3A_1131, %dma_start3A_1132] : memref<2x8x32x128xf32, #tpu.memory_space<vmem>> -> memref<1x1x32x128xf32, #tpu.memory_space<vmem>>
          %dma_start3A_1134 = tpu.memref_squeeze %dma_start3A_1133 : memref<1x1x32x128xf32, #tpu.memory_space<vmem>> -> memref<32x128xf32, #tpu.memory_space<vmem>>
          %dma_start3A_1135 = arith.constant 0 : i32
          %dma_start3A_1136 = tpu.memref_slice %arg3[%dma_start3A_1135, %multiple_of3A_1122] : memref<32x1000000xf32, #tpu.memory_space<hbm>> -> memref<32x128xf32, #tpu.memory_space<hbm>>
          tpu.enqueue_dma source(%dma_start3A_1136 : memref<32x128xf32, #tpu.memory_space<hbm>>) target(%dma_start3A_1134 : memref<32x128xf32, #tpu.memory_space<vmem>>) target_semaphore(%arg9 : memref<!tpu.dma_semaphore, #tpu.memory_space<semaphore_mem>>)
          %slice3A_1137 = vector.extract_strided_slice %get3A_1093 {offsets = [1], sizes = [1], strides = [1]} : vector<16xi32> to vector<1xi32>
          %squeeze3A_1138 = vector.extract %slice3A_1137[0] : i32 from vector<1xi32>
          %jit3A_1139 = arith.constant 128 : i32
          %div3A_1140 = arith.divsi %squeeze3A_1138, %jit3A_1139 : i32
          %sign3A_1141 = arith.constant 0 : i32
          %sign3A_1142 = arith.cmpi sgt, %squeeze3A_1138, %sign3A_1141 : i32
          %sign3A_1143 = arith.extui %sign3A_1142 : i1 to i32
          %sign3A_1144 = arith.constant 0 : i32
          %sign3A_1145 = arith.cmpi slt, %squeeze3A_1138, %sign3A_1144 : i32
          %sign3A_1146 = arith.extui %sign3A_1145 : i1 to i32
          %sign3A_1147 = arith.subi %sign3A_1143, %sign3A_1146 : i32
          %sign3A_1148 = arith.constant 0 : i32
          %sign3A_1149 = arith.cmpi sgt, %jit3A_1139, %sign3A_1148 : i32
          %sign3A_1150 = arith.extui %sign3A_1149 : i1 to i32
          %sign3A_1151 = arith.constant 0 : i32
          %sign3A_1152 = arith.cmpi slt, %jit3A_1139, %sign3A_1151 : i32
          %sign3A_1153 = arith.extui %sign3A_1152 : i1 to i32
          %sign3A_1154 = arith.subi %sign3A_1150, %sign3A_1153 : i32
          %ne3A_1155 = arith.cmpi ne, %sign3A_1147, %sign3A_1154 : i32
          %rem3A_1156 = arith.remsi %squeeze3A_1138, %jit3A_1139 : i32
          %ne3A_1157 = arith.constant 0 : i32
          %ne3A_1158 = arith.cmpi ne, %rem3A_1156, %ne3A_1157 : i32
          %and3A_1159 = arith.andi %ne3A_1155, %ne3A_1158 : i1
          %sub3A_1160 = arith.constant 1 : i32
          %sub3A_1161 = arith.subi %div3A_1140, %sub3A_1160 : i32
          %select_n3A_1162 = arith.select %and3A_1159, %sub3A_1161, %div3A_1140 : i32
          %mul3A_1163 = arith.constant 128 : i32
          %mul3A_1164 = arith.muli %select_n3A_1162, %mul3A_1163 : i32
          %multiple_of3A_1165 = tpu.assume_multiple %mul3A_1164, 128 : i32
          %dma_start3A_1166 = arith.constant 1 : i32
          %dma_start3A_1167 = arith.constant 1 : i32
          %dma_start3A_1168 = arith.constant 0 : i32
          %dma_start3A_1169 = arith.constant 0 : i32
          %dma_start3A_1170 = tpu.memref_slice %arg6[%dma_start3A_1166, %dma_start3A_1167, %dma_start3A_1168, %dma_start3A_1169] : memref<2x8x32x128xf32, #tpu.memory_space<vmem>> -> memref<1x1x32x128xf32, #tpu.memory_space<vmem>>
          %dma_start3A_1171 = tpu.memref_squeeze %dma_start3A_1170 : memref<1x1x32x128xf32, #tpu.memory_space<vmem>> -> memref<32x128xf32, #tpu.memory_space<vmem>>
          %dma_start3A_1172 = arith.constant 0 : i32
          %dma_start3A_1173 = tpu.memref_slice %arg3[%dma_start3A_1172, %multiple_of3A_1165] : memref<32x1000000xf32, #tpu.memory_space<hbm>> -> memref<32x128xf32, #tpu.memory_space<hbm>>
          %dma_start3A_1174 = arith.constant 0 : i32
          %dma_start3A_1175 = arith.constant 0 : i32
          %dma_start3A_1176 = tpu.memref_slice %arg6[%dma_start3A_1166, %dma_start3A_1167, %dma_start3A_1174, %dma_start3A_1175] : memref<2x8x32x128xf32, #tpu.memory_space<vmem>> -> memref<1x1x32x128xf32, #tpu.memory_space<vmem>>
          %dma_start3A_1177 = tpu.memref_squeeze %dma_start3A_1176 : memref<1x1x32x128xf32, #tpu.memory_space<vmem>> -> memref<32x128xf32, #tpu.memory_space<vmem>>
          %dma_start3A_1178 = arith.constant 0 : i32
          %dma_start3A_1179 = tpu.memref_slice %arg3[%dma_start3A_1178, %multiple_of3A_1165] : memref<32x1000000xf32, #tpu.memory_space<hbm>> -> memref<32x128xf32, #tpu.memory_space<hbm>>
          tpu.enqueue_dma source(%dma_start3A_1179 : memref<32x128xf32, #tpu.memory_space<hbm>>) target(%dma_start3A_1177 : memref<32x128xf32, #tpu.memory_space<vmem>>) target_semaphore(%arg9 : memref<!tpu.dma_semaphore, #tpu.memory_space<semaphore_mem>>)
          %slice3A_1180 = vector.extract_strided_slice %get3A_1093 {offsets = [2], sizes = [1], strides = [1]} : vector<16xi32> to vector<1xi32>
          %squeeze3A_1181 = vector.extract %slice3A_1180[0] : i32 from vector<1xi32>
          %jit3A_1182 = arith.constant 128 : i32
          %div3A_1183 = arith.divsi %squeeze3A_1181, %jit3A_1182 : i32
          %sign3A_1184 = arith.constant 0 : i32
          %sign3A_1185 = arith.cmpi sgt, %squeeze3A_1181, %sign3A_1184 : i32
          %sign3A_1186 = arith.extui %sign3A_1185 : i1 to i32
          %sign3A_1187 = arith.constant 0 : i32
          %sign3A_1188 = arith.cmpi slt, %squeeze3A_1181, %sign3A_1187 : i32
          %sign3A_1189 = arith.extui %sign3A_1188 : i1 to i32
          %sign3A_1190 = arith.subi %sign3A_1186, %sign3A_1189 : i32
          %sign3A_1191 = arith.constant 0 : i32
          %sign3A_1192 = arith.cmpi sgt, %jit3A_1182, %sign3A_1191 : i32
          %sign3A_1193 = arith.extui %sign3A_1192 : i1 to i32
          %sign3A_1194 = arith.constant 0 : i32
          %sign3A_1195 = arith.cmpi slt, %jit3A_1182, %sign3A_1194 : i32
          %sign3A_1196 = arith.extui %sign3A_1195 : i1 to i32
          %sign3A_1197 = arith.subi %sign3A_1193, %sign3A_1196 : i32
          %ne3A_1198 = arith.cmpi ne, %sign3A_1190, %sign3A_1197 : i32
          %rem3A_1199 = arith.remsi %squeeze3A_1181, %jit3A_1182 : i32
          %ne3A_1200 = arith.constant 0 : i32
          %ne3A_1201 = arith.cmpi ne, %rem3A_1199, %ne3A_1200 : i32
          %and3A_1202 = arith.andi %ne3A_1198, %ne3A_1201 : i1
          %sub3A_1203 = arith.constant 1 : i32
          %sub3A_1204 = arith.subi %div3A_1183, %sub3A_1203 : i32
          %select_n3A_1205 = arith.select %and3A_1202, %sub3A_1204, %div3A_1183 : i32
          %mul3A_1206 = arith.constant 128 : i32
          %mul3A_1207 = arith.muli %select_n3A_1205, %mul3A_1206 : i32
          %multiple_of3A_1208 = tpu.assume_multiple %mul3A_1207, 128 : i32
          %dma_start3A_1209 = arith.constant 1 : i32
          %dma_start3A_1210 = arith.constant 2 : i32
          %dma_start3A_1211 = arith.constant 0 : i32
          %dma_start3A_1212 = arith.constant 0 : i32
          %dma_start3A_1213 = tpu.memref_slice %arg6[%dma_start3A_1209, %dma_start3A_1210, %dma_start3A_1211, %dma_start3A_1212] : memref<2x8x32x128xf32, #tpu.memory_space<vmem>> -> memref<1x1x32x128xf32, #tpu.memory_space<vmem>>
          %dma_start3A_1214 = tpu.memref_squeeze %dma_start3A_1213 : memref<1x1x32x128xf32, #tpu.memory_space<vmem>> -> memref<32x128xf32, #tpu.memory_space<vmem>>
          %dma_start3A_1215 = arith.constant 0 : i32
          %dma_start3A_1216 = tpu.memref_slice %arg3[%dma_start3A_1215, %multiple_of3A_1208] : memref<32x1000000xf32, #tpu.memory_space<hbm>> -> memref<32x128xf32, #tpu.memory_space<hbm>>
          %dma_start3A_1217 = arith.constant 0 : i32
          %dma_start3A_1218 = arith.constant 0 : i32
          %dma_start3A_1219 = tpu.memref_slice %arg6[%dma_start3A_1209, %dma_start3A_1210, %dma_start3A_1217, %dma_start3A_1218] : memref<2x8x32x128xf32, #tpu.memory_space<vmem>> -> memref<1x1x32x128xf32, #tpu.memory_space<vmem>>
          %dma_start3A_1220 = tpu.memref_squeeze %dma_start3A_1219 : memref<1x1x32x128xf32, #tpu.memory_space<vmem>> -> memref<32x128xf32, #tpu.memory_space<vmem>>
          %dma_start3A_1221 = arith.constant 0 : i32
          %dma_start3A_1222 = tpu.memref_slice %arg3[%dma_start3A_1221, %multiple_of3A_1208] : memref<32x1000000xf32, #tpu.memory_space<hbm>> -> memref<32x128xf32, #tpu.memory_space<hbm>>
          tpu.enqueue_dma source(%dma_start3A_1222 : memref<32x128xf32, #tpu.memory_space<hbm>>) target(%dma_start3A_1220 : memref<32x128xf32, #tpu.memory_space<vmem>>) target_semaphore(%arg9 : memref<!tpu.dma_semaphore, #tpu.memory_space<semaphore_mem>>)
          %slice3A_1223 = vector.extract_strided_slice %get3A_1093 {offsets = [3], sizes = [1], strides = [1]} : vector<16xi32> to vector<1xi32>
          %squeeze3A_1224 = vector.extract %slice3A_1223[0] : i32 from vector<1xi32>
          %jit3A_1225 = arith.constant 128 : i32
          %div3A_1226 = arith.divsi %squeeze3A_1224, %jit3A_1225 : i32
          %sign3A_1227 = arith.constant 0 : i32
          %sign3A_1228 = arith.cmpi sgt, %squeeze3A_1224, %sign3A_1227 : i32
          %sign3A_1229 = arith.extui %sign3A_1228 : i1 to i32
          %sign3A_1230 = arith.constant 0 : i32
          %sign3A_1231 = arith.cmpi slt, %squeeze3A_1224, %sign3A_1230 : i32
          %sign3A_1232 = arith.extui %sign3A_1231 : i1 to i32
          %sign3A_1233 = arith.subi %sign3A_1229, %sign3A_1232 : i32
          %sign3A_1234 = arith.constant 0 : i32
          %sign3A_1235 = arith.cmpi sgt, %jit3A_1225, %sign3A_1234 : i32
          %sign3A_1236 = arith.extui %sign3A_1235 : i1 to i32
          %sign3A_1237 = arith.constant 0 : i32
          %sign3A_1238 = arith.cmpi slt, %jit3A_1225, %sign3A_1237 : i32
          %sign3A_1239 = arith.extui %sign3A_1238 : i1 to i32
          %sign3A_1240 = arith.subi %sign3A_1236, %sign3A_1239 : i32
          %ne3A_1241 = arith.cmpi ne, %sign3A_1233, %sign3A_1240 : i32
          %rem3A_1242 = arith.remsi %squeeze3A_1224, %jit3A_1225 : i32
          %ne3A_1243 = arith.constant 0 : i32
          %ne3A_1244 = arith.cmpi ne, %rem3A_1242, %ne3A_1243 : i32
          %and3A_1245 = arith.andi %ne3A_1241, %ne3A_1244 : i1
          %sub3A_1246 = arith.constant 1 : i32
          %sub3A_1247 = arith.subi %div3A_1226, %sub3A_1246 : i32
          %select_n3A_1248 = arith.select %and3A_1245, %sub3A_1247, %div3A_1226 : i32
          %mul3A_1249 = arith.constant 128 : i32
          %mul3A_1250 = arith.muli %select_n3A_1248, %mul3A_1249 : i32
          %multiple_of3A_1251 = tpu.assume_multiple %mul3A_1250, 128 : i32
          %dma_start3A_1252 = arith.constant 1 : i32
          %dma_start3A_1253 = arith.constant 3 : i32
          %dma_start3A_1254 = arith.constant 0 : i32
          %dma_start3A_1255 = arith.constant 0 : i32
          %dma_start3A_1256 = tpu.memref_slice %arg6[%dma_start3A_1252, %dma_start3A_1253, %dma_start3A_1254, %dma_start3A_1255] : memref<2x8x32x128xf32, #tpu.memory_space<vmem>> -> memref<1x1x32x128xf32, #tpu.memory_space<vmem>>
          %dma_start3A_1257 = tpu.memref_squeeze %dma_start3A_1256 : memref<1x1x32x128xf32, #tpu.memory_space<vmem>> -> memref<32x128xf32, #tpu.memory_space<vmem>>
          %dma_start3A_1258 = arith.constant 0 : i32
          %dma_start3A_1259 = tpu.memref_slice %arg3[%dma_start3A_1258, %multiple_of3A_1251] : memref<32x1000000xf32, #tpu.memory_space<hbm>> -> memref<32x128xf32, #tpu.memory_space<hbm>>
          %dma_start3A_1260 = arith.constant 0 : i32
          %dma_start3A_1261 = arith.constant 0 : i32
          %dma_start3A_1262 = tpu.memref_slice %arg6[%dma_start3A_1252, %dma_start3A_1253, %dma_start3A_1260, %dma_start3A_1261] : memref<2x8x32x128xf32, #tpu.memory_space<vmem>> -> memref<1x1x32x128xf32, #tpu.memory_space<vmem>>
          %dma_start3A_1263 = tpu.memref_squeeze %dma_start3A_1262 : memref<1x1x32x128xf32, #tpu.memory_space<vmem>> -> memref<32x128xf32, #tpu.memory_space<vmem>>
          %dma_start3A_1264 = arith.constant 0 : i32
          %dma_start3A_1265 = tpu.memref_slice %arg3[%dma_start3A_1264, %multiple_of3A_1251] : memref<32x1000000xf32, #tpu.memory_space<hbm>> -> memref<32x128xf32, #tpu.memory_space<hbm>>
          tpu.enqueue_dma source(%dma_start3A_1265 : memref<32x128xf32, #tpu.memory_space<hbm>>) target(%dma_start3A_1263 : memref<32x128xf32, #tpu.memory_space<vmem>>) target_semaphore(%arg9 : memref<!tpu.dma_semaphore, #tpu.memory_space<semaphore_mem>>)
          %slice3A_1266 = vector.extract_strided_slice %get3A_1093 {offsets = [4], sizes = [1], strides = [1]} : vector<16xi32> to vector<1xi32>
          %squeeze3A_1267 = vector.extract %slice3A_1266[0] : i32 from vector<1xi32>
          %jit3A_1268 = arith.constant 128 : i32
          %div3A_1269 = arith.divsi %squeeze3A_1267, %jit3A_1268 : i32
          %sign3A_1270 = arith.constant 0 : i32
          %sign3A_1271 = arith.cmpi sgt, %squeeze3A_1267, %sign3A_1270 : i32
          %sign3A_1272 = arith.extui %sign3A_1271 : i1 to i32
          %sign3A_1273 = arith.constant 0 : i32
          %sign3A_1274 = arith.cmpi slt, %squeeze3A_1267, %sign3A_1273 : i32
          %sign3A_1275 = arith.extui %sign3A_1274 : i1 to i32
          %sign3A_1276 = arith.subi %sign3A_1272, %sign3A_1275 : i32
          %sign3A_1277 = arith.constant 0 : i32
          %sign3A_1278 = arith.cmpi sgt, %jit3A_1268, %sign3A_1277 : i32
          %sign3A_1279 = arith.extui %sign3A_1278 : i1 to i32
          %sign3A_1280 = arith.constant 0 : i32
          %sign3A_1281 = arith.cmpi slt, %jit3A_1268, %sign3A_1280 : i32
          %sign3A_1282 = arith.extui %sign3A_1281 : i1 to i32
          %sign3A_1283 = arith.subi %sign3A_1279, %sign3A_1282 : i32
          %ne3A_1284 = arith.cmpi ne, %sign3A_1276, %sign3A_1283 : i32
          %rem3A_1285 = arith.remsi %squeeze3A_1267, %jit3A_1268 : i32
          %ne3A_1286 = arith.constant 0 : i32
          %ne3A_1287 = arith.cmpi ne, %rem3A_1285, %ne3A_1286 : i32
          %and3A_1288 = arith.andi %ne3A_1284, %ne3A_1287 : i1
          %sub3A_1289 = arith.constant 1 : i32
          %sub3A_1290 = arith.subi %div3A_1269, %sub3A_1289 : i32
          %select_n3A_1291 = arith.select %and3A_1288, %sub3A_1290, %div3A_1269 : i32
          %mul3A_1292 = arith.constant 128 : i32
          %mul3A_1293 = arith.muli %select_n3A_1291, %mul3A_1292 : i32
          %multiple_of3A_1294 = tpu.assume_multiple %mul3A_1293, 128 : i32
          %dma_start3A_1295 = arith.constant 1 : i32
          %dma_start3A_1296 = arith.constant 4 : i32
          %dma_start3A_1297 = arith.constant 0 : i32
          %dma_start3A_1298 = arith.constant 0 : i32
          %dma_start3A_1299 = tpu.memref_slice %arg6[%dma_start3A_1295, %dma_start3A_1296, %dma_start3A_1297, %dma_start3A_1298] : memref<2x8x32x128xf32, #tpu.memory_space<vmem>> -> memref<1x1x32x128xf32, #tpu.memory_space<vmem>>
          %dma_start3A_1300 = tpu.memref_squeeze %dma_start3A_1299 : memref<1x1x32x128xf32, #tpu.memory_space<vmem>> -> memref<32x128xf32, #tpu.memory_space<vmem>>
          %dma_start3A_1301 = arith.constant 0 : i32
          %dma_start3A_1302 = tpu.memref_slice %arg3[%dma_start3A_1301, %multiple_of3A_1294] : memref<32x1000000xf32, #tpu.memory_space<hbm>> -> memref<32x128xf32, #tpu.memory_space<hbm>>
          %dma_start3A_1303 = arith.constant 0 : i32
          %dma_start3A_1304 = arith.constant 0 : i32
          %dma_start3A_1305 = tpu.memref_slice %arg6[%dma_start3A_1295, %dma_start3A_1296, %dma_start3A_1303, %dma_start3A_1304] : memref<2x8x32x128xf32, #tpu.memory_space<vmem>> -> memref<1x1x32x128xf32, #tpu.memory_space<vmem>>
          %dma_start3A_1306 = tpu.memref_squeeze %dma_start3A_1305 : memref<1x1x32x128xf32, #tpu.memory_space<vmem>> -> memref<32x128xf32, #tpu.memory_space<vmem>>
          %dma_start3A_1307 = arith.constant 0 : i32
          %dma_start3A_1308 = tpu.memref_slice %arg3[%dma_start3A_1307, %multiple_of3A_1294] : memref<32x1000000xf32, #tpu.memory_space<hbm>> -> memref<32x128xf32, #tpu.memory_space<hbm>>
          tpu.enqueue_dma source(%dma_start3A_1308 : memref<32x128xf32, #tpu.memory_space<hbm>>) target(%dma_start3A_1306 : memref<32x128xf32, #tpu.memory_space<vmem>>) target_semaphore(%arg9 : memref<!tpu.dma_semaphore, #tpu.memory_space<semaphore_mem>>)
          %slice3A_1309 = vector.extract_strided_slice %get3A_1093 {offsets = [5], sizes = [1], strides = [1]} : vector<16xi32> to vector<1xi32>
          %squeeze3A_1310 = vector.extract %slice3A_1309[0] : i32 from vector<1xi32>
          %jit3A_1311 = arith.constant 128 : i32
          %div3A_1312 = arith.divsi %squeeze3A_1310, %jit3A_1311 : i32
          %sign3A_1313 = arith.constant 0 : i32
          %sign3A_1314 = arith.cmpi sgt, %squeeze3A_1310, %sign3A_1313 : i32
          %sign3A_1315 = arith.extui %sign3A_1314 : i1 to i32
          %sign3A_1316 = arith.constant 0 : i32
          %sign3A_1317 = arith.cmpi slt, %squeeze3A_1310, %sign3A_1316 : i32
          %sign3A_1318 = arith.extui %sign3A_1317 : i1 to i32
          %sign3A_1319 = arith.subi %sign3A_1315, %sign3A_1318 : i32
          %sign3A_1320 = arith.constant 0 : i32
          %sign3A_1321 = arith.cmpi sgt, %jit3A_1311, %sign3A_1320 : i32
          %sign3A_1322 = arith.extui %sign3A_1321 : i1 to i32
          %sign3A_1323 = arith.constant 0 : i32
          %sign3A_1324 = arith.cmpi slt, %jit3A_1311, %sign3A_1323 : i32
          %sign3A_1325 = arith.extui %sign3A_1324 : i1 to i32
          %sign3A_1326 = arith.subi %sign3A_1322, %sign3A_1325 : i32
          %ne3A_1327 = arith.cmpi ne, %sign3A_1319, %sign3A_1326 : i32
          %rem3A_1328 = arith.remsi %squeeze3A_1310, %jit3A_1311 : i32
          %ne3A_1329 = arith.constant 0 : i32
          %ne3A_1330 = arith.cmpi ne, %rem3A_1328, %ne3A_1329 : i32
          %and3A_1331 = arith.andi %ne3A_1327, %ne3A_1330 : i1
          %sub3A_1332 = arith.constant 1 : i32
          %sub3A_1333 = arith.subi %div3A_1312, %sub3A_1332 : i32
          %select_n3A_1334 = arith.select %and3A_1331, %sub3A_1333, %div3A_1312 : i32
          %mul3A_1335 = arith.constant 128 : i32
          %mul3A_1336 = arith.muli %select_n3A_1334, %mul3A_1335 : i32
          %multiple_of3A_1337 = tpu.assume_multiple %mul3A_1336, 128 : i32
          %dma_start3A_1338 = arith.constant 1 : i32
          %dma_start3A_1339 = arith.constant 5 : i32
          %dma_start3A_1340 = arith.constant 0 : i32
          %dma_start3A_1341 = arith.constant 0 : i32
          %dma_start3A_1342 = tpu.memref_slice %arg6[%dma_start3A_1338, %dma_start3A_1339, %dma_start3A_1340, %dma_start3A_1341] : memref<2x8x32x128xf32, #tpu.memory_space<vmem>> -> memref<1x1x32x128xf32, #tpu.memory_space<vmem>>
          %dma_start3A_1343 = tpu.memref_squeeze %dma_start3A_1342 : memref<1x1x32x128xf32, #tpu.memory_space<vmem>> -> memref<32x128xf32, #tpu.memory_space<vmem>>
          %dma_start3A_1344 = arith.constant 0 : i32
          %dma_start3A_1345 = tpu.memref_slice %arg3[%dma_start3A_1344, %multiple_of3A_1337] : memref<32x1000000xf32, #tpu.memory_space<hbm>> -> memref<32x128xf32, #tpu.memory_space<hbm>>
          %dma_start3A_1346 = arith.constant 0 : i32
          %dma_start3A_1347 = arith.constant 0 : i32
          %dma_start3A_1348 = tpu.memref_slice %arg6[%dma_start3A_1338, %dma_start3A_1339, %dma_start3A_1346, %dma_start3A_1347] : memref<2x8x32x128xf32, #tpu.memory_space<vmem>> -> memref<1x1x32x128xf32, #tpu.memory_space<vmem>>
          %dma_start3A_1349 = tpu.memref_squeeze %dma_start3A_1348 : memref<1x1x32x128xf32, #tpu.memory_space<vmem>> -> memref<32x128xf32, #tpu.memory_space<vmem>>
          %dma_start3A_1350 = arith.constant 0 : i32
          %dma_start3A_1351 = tpu.memref_slice %arg3[%dma_start3A_1350, %multiple_of3A_1337] : memref<32x1000000xf32, #tpu.memory_space<hbm>> -> memref<32x128xf32, #tpu.memory_space<hbm>>
          tpu.enqueue_dma source(%dma_start3A_1351 : memref<32x128xf32, #tpu.memory_space<hbm>>) target(%dma_start3A_1349 : memref<32x128xf32, #tpu.memory_space<vmem>>) target_semaphore(%arg9 : memref<!tpu.dma_semaphore, #tpu.memory_space<semaphore_mem>>)
          %slice3A_1352 = vector.extract_strided_slice %get3A_1093 {offsets = [6], sizes = [1], strides = [1]} : vector<16xi32> to vector<1xi32>
          %squeeze3A_1353 = vector.extract %slice3A_1352[0] : i32 from vector<1xi32>
          %jit3A_1354 = arith.constant 128 : i32
          %div3A_1355 = arith.divsi %squeeze3A_1353, %jit3A_1354 : i32
          %sign3A_1356 = arith.constant 0 : i32
          %sign3A_1357 = arith.cmpi sgt, %squeeze3A_1353, %sign3A_1356 : i32
          %sign3A_1358 = arith.extui %sign3A_1357 : i1 to i32
          %sign3A_1359 = arith.constant 0 : i32
          %sign3A_1360 = arith.cmpi slt, %squeeze3A_1353, %sign3A_1359 : i32
          %sign3A_1361 = arith.extui %sign3A_1360 : i1 to i32
          %sign3A_1362 = arith.subi %sign3A_1358, %sign3A_1361 : i32
          %sign3A_1363 = arith.constant 0 : i32
          %sign3A_1364 = arith.cmpi sgt, %jit3A_1354, %sign3A_1363 : i32
          %sign3A_1365 = arith.extui %sign3A_1364 : i1 to i32
          %sign3A_1366 = arith.constant 0 : i32
          %sign3A_1367 = arith.cmpi slt, %jit3A_1354, %sign3A_1366 : i32
          %sign3A_1368 = arith.extui %sign3A_1367 : i1 to i32
          %sign3A_1369 = arith.subi %sign3A_1365, %sign3A_1368 : i32
          %ne3A_1370 = arith.cmpi ne, %sign3A_1362, %sign3A_1369 : i32
          %rem3A_1371 = arith.remsi %squeeze3A_1353, %jit3A_1354 : i32
          %ne3A_1372 = arith.constant 0 : i32
          %ne3A_1373 = arith.cmpi ne, %rem3A_1371, %ne3A_1372 : i32
          %and3A_1374 = arith.andi %ne3A_1370, %ne3A_1373 : i1
          %sub3A_1375 = arith.constant 1 : i32
          %sub3A_1376 = arith.subi %div3A_1355, %sub3A_1375 : i32
          %select_n3A_1377 = arith.select %and3A_1374, %sub3A_1376, %div3A_1355 : i32
          %mul3A_1378 = arith.constant 128 : i32
          %mul3A_1379 = arith.muli %select_n3A_1377, %mul3A_1378 : i32
          %multiple_of3A_1380 = tpu.assume_multiple %mul3A_1379, 128 : i32
          %dma_start3A_1381 = arith.constant 1 : i32
          %dma_start3A_1382 = arith.constant 6 : i32
          %dma_start3A_1383 = arith.constant 0 : i32
          %dma_start3A_1384 = arith.constant 0 : i32
          %dma_start3A_1385 = tpu.memref_slice %arg6[%dma_start3A_1381, %dma_start3A_1382, %dma_start3A_1383, %dma_start3A_1384] : memref<2x8x32x128xf32, #tpu.memory_space<vmem>> -> memref<1x1x32x128xf32, #tpu.memory_space<vmem>>
          %dma_start3A_1386 = tpu.memref_squeeze %dma_start3A_1385 : memref<1x1x32x128xf32, #tpu.memory_space<vmem>> -> memref<32x128xf32, #tpu.memory_space<vmem>>
          %dma_start3A_1387 = arith.constant 0 : i32
          %dma_start3A_1388 = tpu.memref_slice %arg3[%dma_start3A_1387, %multiple_of3A_1380] : memref<32x1000000xf32, #tpu.memory_space<hbm>> -> memref<32x128xf32, #tpu.memory_space<hbm>>
          %dma_start3A_1389 = arith.constant 0 : i32
          %dma_start3A_1390 = arith.constant 0 : i32
          %dma_start3A_1391 = tpu.memref_slice %arg6[%dma_start3A_1381, %dma_start3A_1382, %dma_start3A_1389, %dma_start3A_1390] : memref<2x8x32x128xf32, #tpu.memory_space<vmem>> -> memref<1x1x32x128xf32, #tpu.memory_space<vmem>>
          %dma_start3A_1392 = tpu.memref_squeeze %dma_start3A_1391 : memref<1x1x32x128xf32, #tpu.memory_space<vmem>> -> memref<32x128xf32, #tpu.memory_space<vmem>>
          %dma_start3A_1393 = arith.constant 0 : i32
          %dma_start3A_1394 = tpu.memref_slice %arg3[%dma_start3A_1393, %multiple_of3A_1380] : memref<32x1000000xf32, #tpu.memory_space<hbm>> -> memref<32x128xf32, #tpu.memory_space<hbm>>
          tpu.enqueue_dma source(%dma_start3A_1394 : memref<32x128xf32, #tpu.memory_space<hbm>>) target(%dma_start3A_1392 : memref<32x128xf32, #tpu.memory_space<vmem>>) target_semaphore(%arg9 : memref<!tpu.dma_semaphore, #tpu.memory_space<semaphore_mem>>)
          %slice3A_1395 = vector.extract_strided_slice %get3A_1093 {offsets = [7], sizes = [1], strides = [1]} : vector<16xi32> to vector<1xi32>
          %squeeze3A_1396 = vector.extract %slice3A_1395[0] : i32 from vector<1xi32>
          %jit3A_1397 = arith.constant 128 : i32
          %div3A_1398 = arith.divsi %squeeze3A_1396, %jit3A_1397 : i32
          %sign3A_1399 = arith.constant 0 : i32
          %sign3A_1400 = arith.cmpi sgt, %squeeze3A_1396, %sign3A_1399 : i32
          %sign3A_1401 = arith.extui %sign3A_1400 : i1 to i32
          %sign3A_1402 = arith.constant 0 : i32
          %sign3A_1403 = arith.cmpi slt, %squeeze3A_1396, %sign3A_1402 : i32
          %sign3A_1404 = arith.extui %sign3A_1403 : i1 to i32
          %sign3A_1405 = arith.subi %sign3A_1401, %sign3A_1404 : i32
          %sign3A_1406 = arith.constant 0 : i32
          %sign3A_1407 = arith.cmpi sgt, %jit3A_1397, %sign3A_1406 : i32
          %sign3A_1408 = arith.extui %sign3A_1407 : i1 to i32
          %sign3A_1409 = arith.constant 0 : i32
          %sign3A_1410 = arith.cmpi slt, %jit3A_1397, %sign3A_1409 : i32
          %sign3A_1411 = arith.extui %sign3A_1410 : i1 to i32
          %sign3A_1412 = arith.subi %sign3A_1408, %sign3A_1411 : i32
          %ne3A_1413 = arith.cmpi ne, %sign3A_1405, %sign3A_1412 : i32
          %rem3A_1414 = arith.remsi %squeeze3A_1396, %jit3A_1397 : i32
          %ne3A_1415 = arith.constant 0 : i32
          %ne3A_1416 = arith.cmpi ne, %rem3A_1414, %ne3A_1415 : i32
          %and3A_1417 = arith.andi %ne3A_1413, %ne3A_1416 : i1
          %sub3A_1418 = arith.constant 1 : i32
          %sub3A_1419 = arith.subi %div3A_1398, %sub3A_1418 : i32
          %select_n3A_1420 = arith.select %and3A_1417, %sub3A_1419, %div3A_1398 : i32
          %mul3A_1421 = arith.constant 128 : i32
          %mul3A_1422 = arith.muli %select_n3A_1420, %mul3A_1421 : i32
          %multiple_of3A_1423 = tpu.assume_multiple %mul3A_1422, 128 : i32
          %dma_start3A_1424 = arith.constant 1 : i32
          %dma_start3A_1425 = arith.constant 7 : i32
          %dma_start3A_1426 = arith.constant 0 : i32
          %dma_start3A_1427 = arith.constant 0 : i32
          %dma_start3A_1428 = tpu.memref_slice %arg6[%dma_start3A_1424, %dma_start3A_1425, %dma_start3A_1426, %dma_start3A_1427] : memref<2x8x32x128xf32, #tpu.memory_space<vmem>> -> memref<1x1x32x128xf32, #tpu.memory_space<vmem>>
          %dma_start3A_1429 = tpu.memref_squeeze %dma_start3A_1428 : memref<1x1x32x128xf32, #tpu.memory_space<vmem>> -> memref<32x128xf32, #tpu.memory_space<vmem>>
          %dma_start3A_1430 = arith.constant 0 : i32
          %dma_start3A_1431 = tpu.memref_slice %arg3[%dma_start3A_1430, %multiple_of3A_1423] : memref<32x1000000xf32, #tpu.memory_space<hbm>> -> memref<32x128xf32, #tpu.memory_space<hbm>>
          %dma_start3A_1432 = arith.constant 0 : i32
          %dma_start3A_1433 = arith.constant 0 : i32
          %dma_start3A_1434 = tpu.memref_slice %arg6[%dma_start3A_1424, %dma_start3A_1425, %dma_start3A_1432, %dma_start3A_1433] : memref<2x8x32x128xf32, #tpu.memory_space<vmem>> -> memref<1x1x32x128xf32, #tpu.memory_space<vmem>>
          %dma_start3A_1435 = tpu.memref_squeeze %dma_start3A_1434 : memref<1x1x32x128xf32, #tpu.memory_space<vmem>> -> memref<32x128xf32, #tpu.memory_space<vmem>>
          %dma_start3A_1436 = arith.constant 0 : i32
          %dma_start3A_1437 = tpu.memref_slice %arg3[%dma_start3A_1436, %multiple_of3A_1423] : memref<32x1000000xf32, #tpu.memory_space<hbm>> -> memref<32x128xf32, #tpu.memory_space<hbm>>
          tpu.enqueue_dma source(%dma_start3A_1437 : memref<32x128xf32, #tpu.memory_space<hbm>>) target(%dma_start3A_1435 : memref<32x128xf32, #tpu.memory_space<vmem>>) target_semaphore(%arg9 : memref<!tpu.dma_semaphore, #tpu.memory_space<semaphore_mem>>)
        } else {
        }
        %mul3A_392 = arith.constant 8 : i32
        %mul3A_393 = arith.muli %scan3A_346, %mul3A_392 : i32
        %get3A_394 = arith.index_cast %mul3A_393 : i32 to index
        %get3A_395 = tpu.vector_load %arg5[%get3A_394] {strides = array<i32>} : memref<528xi32, #tpu.memory_space<vmem>>, vector<16xi32>,
        %mul3A_396 = arith.constant 8 : i32
        %mul3A_397 = arith.muli %scan3A_346, %mul3A_396 : i32
        %add3A_398 = arith.constant 0 : i32
        %add3A_399 = arith.addi %mul3A_397, %add3A_398 : i32
        %slice3A_400 = vector.extract_strided_slice %get3A_395 {offsets = [0], sizes = [1], strides = [1]} : vector<16xi32> to vector<1xi32>
        %squeeze3A_401 = vector.extract %slice3A_400[0] : i32 from vector<1xi32>
        %jit3A_402 = arith.constant 128 : i32
        %div3A_403 = arith.divsi %squeeze3A_401, %jit3A_402 : i32
        %sign3A_404 = arith.constant 0 : i32
        %sign3A_405 = arith.cmpi sgt, %squeeze3A_401, %sign3A_404 : i32
        %sign3A_406 = arith.extui %sign3A_405 : i1 to i32
        %sign3A_407 = arith.constant 0 : i32
        %sign3A_408 = arith.cmpi slt, %squeeze3A_401, %sign3A_407 : i32
        %sign3A_409 = arith.extui %sign3A_408 : i1 to i32
        %sign3A_410 = arith.subi %sign3A_406, %sign3A_409 : i32
        %sign3A_411 = arith.constant 0 : i32
        %sign3A_412 = arith.cmpi sgt, %jit3A_402, %sign3A_411 : i32
        %sign3A_413 = arith.extui %sign3A_412 : i1 to i32
        %sign3A_414 = arith.constant 0 : i32
        %sign3A_415 = arith.cmpi slt, %jit3A_402, %sign3A_414 : i32
        %sign3A_416 = arith.extui %sign3A_415 : i1 to i32
        %sign3A_417 = arith.subi %sign3A_413, %sign3A_416 : i32
        %ne3A_418 = arith.cmpi ne, %sign3A_410, %sign3A_417 : i32
        %rem3A_419 = arith.remsi %squeeze3A_401, %jit3A_402 : i32
        %ne3A_420 = arith.constant 0 : i32
        %ne3A_421 = arith.cmpi ne, %rem3A_419, %ne3A_420 : i32
        %and3A_422 = arith.andi %ne3A_418, %ne3A_421 : i1
        %sub3A_423 = arith.constant 1 : i32
        %sub3A_424 = arith.subi %div3A_403, %sub3A_423 : i32
        %select_n3A_425 = arith.select %and3A_422, %sub3A_424, %div3A_403 : i32
        %mul3A_426 = arith.constant 128 : i32
        %mul3A_427 = arith.muli %select_n3A_425, %mul3A_426 : i32
        %multiple_of3A_428 = tpu.assume_multiple %mul3A_427, 128 : i32
        %dma_wait3A = arith.constant 0 : i32
        %dma_wait3A_429 = arith.constant 0 : i32
        %dma_wait3A_430 = arith.constant 0 : i32
        %dma_wait3A_431 = arith.constant 0 : i32
        %dma_wait3A_432 = tpu.memref_slice %arg6[%dma_wait3A, %dma_wait3A_429, %dma_wait3A_430, %dma_wait3A_431] : memref<2x8x32x128xf32, #tpu.memory_space<vmem>> -> memref<1x1x32x128xf32, #tpu.memory_space<vmem>>
        %dma_wait3A_433 = tpu.memref_squeeze %dma_wait3A_432 : memref<1x1x32x128xf32, #tpu.memory_space<vmem>> -> memref<32x128xf32, #tpu.memory_space<vmem>>
        %dma_wait3A_434 = arith.constant 0 : i32
        %dma_wait3A_435 = tpu.memref_slice %arg3[%dma_wait3A_434, %multiple_of3A_428] : memref<32x1000000xf32, #tpu.memory_space<hbm>> -> memref<32x128xf32, #tpu.memory_space<hbm>>
        %dma_wait3A_436 = arith.constant 0 : i32
        %dma_wait3A_437 = arith.constant 0 : i32
        %dma_wait3A_438 = tpu.memref_slice %arg6[%dma_wait3A, %dma_wait3A_429, %dma_wait3A_436, %dma_wait3A_437] : memref<2x8x32x128xf32, #tpu.memory_space<vmem>> -> memref<1x1x32x128xf32, #tpu.memory_space<vmem>>
        %dma_wait3A_439 = tpu.memref_squeeze %dma_wait3A_438 : memref<1x1x32x128xf32, #tpu.memory_space<vmem>> -> memref<32x128xf32, #tpu.memory_space<vmem>>
        %dma_wait3A_440 = arith.constant 0 : i32
        %dma_wait3A_441 = tpu.memref_slice %arg3[%dma_wait3A_440, %multiple_of3A_428] : memref<32x1000000xf32, #tpu.memory_space<hbm>> -> memref<32x128xf32, #tpu.memory_space<hbm>>
        tpu.wait_dma2 semaphore(%arg8 : memref<!tpu.dma_semaphore, #tpu.memory_space<semaphore_mem>>) src(%dma_wait3A_441 : memref<32x128xf32, #tpu.memory_space<hbm>>) dst(%dma_wait3A_439 : memref<32x128xf32, #tpu.memory_space<vmem>>)
        %jit3A_442 = arith.constant 128 : i32
        %eq3A_443 = arith.constant 0 : i32
        %eq3A_444 = arith.cmpi eq, %jit3A_442, %eq3A_443 : i32
        %jit3A_445 = arith.constant 1 : i32
        %select_n3A_446 = arith.select %eq3A_444, %jit3A_445, %jit3A_442 : i32
        %rem3A_447 = arith.remsi %squeeze3A_401, %select_n3A_446 : i32
        %ne3A_448 = arith.constant 0 : i32
        %ne3A_449 = arith.cmpi ne, %rem3A_447, %ne3A_448 : i32
        %lt3A_450 = arith.constant 0 : i32
        %lt3A_451 = arith.cmpi slt, %rem3A_447, %lt3A_450 : i32
        %lt3A_452 = arith.constant 0 : i32
        %lt3A_453 = arith.cmpi slt, %select_n3A_446, %lt3A_452 : i32
        %ne3A_454 = arith.xori %lt3A_451, %lt3A_453 : i1
        %and3A_455 = arith.andi %ne3A_454, %ne3A_449 : i1
        %add3A_456 = arith.addi %rem3A_447, %select_n3A_446 : i32
        %select_n3A_457 = arith.select %and3A_455, %add3A_456, %rem3A_447 : i32
        %broadcast_in_dim3A = vector.broadcast %select_n3A_457 : i32 to vector<16xi32>
        %gather3A = arith.constant 0 : i32
        %gather3A_458 = arith.constant 0 : i32
        %gather3A_459 = arith.constant 0 : i32
        %gather3A_460 = arith.constant 0 : i32
        %gather3A_461 = tpu.memref_slice %arg6[%gather3A, %gather3A_458, %gather3A_459, %gather3A_460] : memref<2x8x32x128xf32, #tpu.memory_space<vmem>> -> memref<1x1x32x128xf32, #tpu.memory_space<vmem>>
        %gather3A_462 = tpu.memref_squeeze %gather3A_461 : memref<1x1x32x128xf32, #tpu.memory_space<vmem>> -> memref<32x128xf32, #tpu.memory_space<vmem>>
        %gather3A_463 = tpu.vector_load_idx %gather3A_462[%iota3A, %broadcast_in_dim3A] : memref<32x128xf32, #tpu.memory_space<vmem>>[vector<16xi32>, vector<16xi32>], vector<16xf32>,
        %gather3A_464 = arith.constant 0 : i32
        %gather3A_465 = arith.constant 0 : i32
        %gather3A_466 = arith.constant 0 : i32
        %gather3A_467 = arith.constant 0 : i32
        %gather3A_468 = tpu.memref_slice %arg6[%gather3A_464, %gather3A_465, %gather3A_466, %gather3A_467] : memref<2x8x32x128xf32, #tpu.memory_space<vmem>> -> memref<1x1x32x128xf32, #tpu.memory_space<vmem>>
        %gather3A_469 = tpu.memref_squeeze %gather3A_468 : memref<1x1x32x128xf32, #tpu.memory_space<vmem>> -> memref<32x128xf32, #tpu.memory_space<vmem>>
        %gather3A_470 = tpu.vector_load_idx %gather3A_469[%add3A_5, %broadcast_in_dim3A] : memref<32x128xf32, #tpu.memory_space<vmem>>[vector<16xi32>, vector<16xi32>], vector<16xf32>,
        %mul3A_471 = arith.constant 32 : i32
        %mul3A_472 = arith.muli %add3A_399, %mul3A_471 : i32
        %multiple_of3A_473 = tpu.assume_multiple %mul3A_472, 32 : i32
        %swap3A = arith.index_cast %multiple_of3A_473 : i32 to index
        %swap3A_474 = tpu.vector_load %arg7[%swap3A] {strides = array<i32>} : memref<16384xf32, #tpu.memory_space<vmem>>, vector<16xf32>,
        tpu.vector_store %arg7[%swap3A], %gather3A_463 {strides = array<i32>} : memref<16384xf32, #tpu.memory_space<vmem>>, vector<16xf32>,
        %add3A_475 = arith.constant 16 : i32
        %add3A_476 = arith.addi %multiple_of3A_473, %add3A_475 : i32
        %swap3A_477 = arith.index_cast %add3A_476 : i32 to index
        %swap3A_478 = tpu.vector_load %arg7[%swap3A_477] {strides = array<i32>} : memref<16384xf32, #tpu.memory_space<vmem>>, vector<16xf32>,
        tpu.vector_store %arg7[%swap3A_477], %gather3A_470 {strides = array<i32>} : memref<16384xf32, #tpu.memory_space<vmem>>, vector<16xf32>,
        %mul3A_479 = arith.constant 8 : i32
        %mul3A_480 = arith.muli %scan3A_346, %mul3A_479 : i32
        %add3A_481 = arith.constant 1 : i32
        %add3A_482 = arith.addi %mul3A_480, %add3A_481 : i32
        %slice3A_483 = vector.extract_strided_slice %get3A_395 {offsets = [1], sizes = [1], strides = [1]} : vector<16xi32> to vector<1xi32>
        %squeeze3A_484 = vector.extract %slice3A_483[0] : i32 from vector<1xi32>
        %jit3A_485 = arith.constant 128 : i32
        %div3A_486 = arith.divsi %squeeze3A_484, %jit3A_485 : i32
        %sign3A_487 = arith.constant 0 : i32
        %sign3A_488 = arith.cmpi sgt, %squeeze3A_484, %sign3A_487 : i32
        %sign3A_489 = arith.extui %sign3A_488 : i1 to i32
        %sign3A_490 = arith.constant 0 : i32
        %sign3A_491 = arith.cmpi slt, %squeeze3A_484, %sign3A_490 : i32
        %sign3A_492 = arith.extui %sign3A_491 : i1 to i32
        %sign3A_493 = arith.subi %sign3A_489, %sign3A_492 : i32
        %sign3A_494 = arith.constant 0 : i32
        %sign3A_495 = arith.cmpi sgt, %jit3A_485, %sign3A_494 : i32
        %sign3A_496 = arith.extui %sign3A_495 : i1 to i32
        %sign3A_497 = arith.constant 0 : i32
        %sign3A_498 = arith.cmpi slt, %jit3A_485, %sign3A_497 : i32
        %sign3A_499 = arith.extui %sign3A_498 : i1 to i32
        %sign3A_500 = arith.subi %sign3A_496, %sign3A_499 : i32
        %ne3A_501 = arith.cmpi ne, %sign3A_493, %sign3A_500 : i32
        %rem3A_502 = arith.remsi %squeeze3A_484, %jit3A_485 : i32
        %ne3A_503 = arith.constant 0 : i32
        %ne3A_504 = arith.cmpi ne, %rem3A_502, %ne3A_503 : i32
        %and3A_505 = arith.andi %ne3A_501, %ne3A_504 : i1
        %sub3A_506 = arith.constant 1 : i32
        %sub3A_507 = arith.subi %div3A_486, %sub3A_506 : i32
        %select_n3A_508 = arith.select %and3A_505, %sub3A_507, %div3A_486 : i32
        %mul3A_509 = arith.constant 128 : i32
        %mul3A_510 = arith.muli %select_n3A_508, %mul3A_509 : i32
        %multiple_of3A_511 = tpu.assume_multiple %mul3A_510, 128 : i32
        %dma_wait3A_512 = arith.constant 0 : i32
        %dma_wait3A_513 = arith.constant 1 : i32
        %dma_wait3A_514 = arith.constant 0 : i32
        %dma_wait3A_515 = arith.constant 0 : i32
        %dma_wait3A_516 = tpu.memref_slice %arg6[%dma_wait3A_512, %dma_wait3A_513, %dma_wait3A_514, %dma_wait3A_515] : memref<2x8x32x128xf32, #tpu.memory_space<vmem>> -> memref<1x1x32x128xf32, #tpu.memory_space<vmem>>
        %dma_wait3A_517 = tpu.memref_squeeze %dma_wait3A_516 : memref<1x1x32x128xf32, #tpu.memory_space<vmem>> -> memref<32x128xf32, #tpu.memory_space<vmem>>
        %dma_wait3A_518 = arith.constant 0 : i32
        %dma_wait3A_519 = tpu.memref_slice %arg3[%dma_wait3A_518, %multiple_of3A_511] : memref<32x1000000xf32, #tpu.memory_space<hbm>> -> memref<32x128xf32, #tpu.memory_space<hbm>>
        %dma_wait3A_520 = arith.constant 0 : i32
        %dma_wait3A_521 = arith.constant 0 : i32
        %dma_wait3A_522 = tpu.memref_slice %arg6[%dma_wait3A_512, %dma_wait3A_513, %dma_wait3A_520, %dma_wait3A_521] : memref<2x8x32x128xf32, #tpu.memory_space<vmem>> -> memref<1x1x32x128xf32, #tpu.memory_space<vmem>>
        %dma_wait3A_523 = tpu.memref_squeeze %dma_wait3A_522 : memref<1x1x32x128xf32, #tpu.memory_space<vmem>> -> memref<32x128xf32, #tpu.memory_space<vmem>>
        %dma_wait3A_524 = arith.constant 0 : i32
        %dma_wait3A_525 = tpu.memref_slice %arg3[%dma_wait3A_524, %multiple_of3A_511] : memref<32x1000000xf32, #tpu.memory_space<hbm>> -> memref<32x128xf32, #tpu.memory_space<hbm>>
        tpu.wait_dma2 semaphore(%arg8 : memref<!tpu.dma_semaphore, #tpu.memory_space<semaphore_mem>>) src(%dma_wait3A_525 : memref<32x128xf32, #tpu.memory_space<hbm>>) dst(%dma_wait3A_523 : memref<32x128xf32, #tpu.memory_space<vmem>>)
        %jit3A_526 = arith.constant 128 : i32
        %eq3A_527 = arith.constant 0 : i32
        %eq3A_528 = arith.cmpi eq, %jit3A_526, %eq3A_527 : i32
        %jit3A_529 = arith.constant 1 : i32
        %select_n3A_530 = arith.select %eq3A_528, %jit3A_529, %jit3A_526 : i32
        %rem3A_531 = arith.remsi %squeeze3A_484, %select_n3A_530 : i32
        %ne3A_532 = arith.constant 0 : i32
        %ne3A_533 = arith.cmpi ne, %rem3A_531, %ne3A_532 : i32
        %lt3A_534 = arith.constant 0 : i32
        %lt3A_535 = arith.cmpi slt, %rem3A_531, %lt3A_534 : i32
        %lt3A_536 = arith.constant 0 : i32
        %lt3A_537 = arith.cmpi slt, %select_n3A_530, %lt3A_536 : i32
        %ne3A_538 = arith.xori %lt3A_535, %lt3A_537 : i1
        %and3A_539 = arith.andi %ne3A_538, %ne3A_533 : i1
        %add3A_540 = arith.addi %rem3A_531, %select_n3A_530 : i32
        %select_n3A_541 = arith.select %and3A_539, %add3A_540, %rem3A_531 : i32
        %broadcast_in_dim3A_542 = vector.broadcast %select_n3A_541 : i32 to vector<16xi32>
        %gather3A_543 = arith.constant 0 : i32
        %gather3A_544 = arith.constant 1 : i32
        %gather3A_545 = arith.constant 0 : i32
        %gather3A_546 = arith.constant 0 : i32
        %gather3A_547 = tpu.memref_slice %arg6[%gather3A_543, %gather3A_544, %gather3A_545, %gather3A_546] : memref<2x8x32x128xf32, #tpu.memory_space<vmem>> -> memref<1x1x32x128xf32, #tpu.memory_space<vmem>>
        %gather3A_548 = tpu.memref_squeeze %gather3A_547 : memref<1x1x32x128xf32, #tpu.memory_space<vmem>> -> memref<32x128xf32, #tpu.memory_space<vmem>>
        %gather3A_549 = tpu.vector_load_idx %gather3A_548[%iota3A, %broadcast_in_dim3A_542] : memref<32x128xf32, #tpu.memory_space<vmem>>[vector<16xi32>, vector<16xi32>], vector<16xf32>,
        %gather3A_550 = arith.constant 0 : i32
        %gather3A_551 = arith.constant 1 : i32
        %gather3A_552 = arith.constant 0 : i32
        %gather3A_553 = arith.constant 0 : i32
        %gather3A_554 = tpu.memref_slice %arg6[%gather3A_550, %gather3A_551, %gather3A_552, %gather3A_553] : memref<2x8x32x128xf32, #tpu.memory_space<vmem>> -> memref<1x1x32x128xf32, #tpu.memory_space<vmem>>
        %gather3A_555 = tpu.memref_squeeze %gather3A_554 : memref<1x1x32x128xf32, #tpu.memory_space<vmem>> -> memref<32x128xf32, #tpu.memory_space<vmem>>
        %gather3A_556 = tpu.vector_load_idx %gather3A_555[%add3A_5, %broadcast_in_dim3A_542] : memref<32x128xf32, #tpu.memory_space<vmem>>[vector<16xi32>, vector<16xi32>], vector<16xf32>,
        %mul3A_557 = arith.constant 32 : i32
        %mul3A_558 = arith.muli %add3A_482, %mul3A_557 : i32
        %multiple_of3A_559 = tpu.assume_multiple %mul3A_558, 32 : i32
        %swap3A_560 = arith.index_cast %multiple_of3A_559 : i32 to index
        %swap3A_561 = tpu.vector_load %arg7[%swap3A_560] {strides = array<i32>} : memref<16384xf32, #tpu.memory_space<vmem>>, vector<16xf32>,
        tpu.vector_store %arg7[%swap3A_560], %gather3A_549 {strides = array<i32>} : memref<16384xf32, #tpu.memory_space<vmem>>, vector<16xf32>,
        %add3A_562 = arith.constant 16 : i32
        %add3A_563 = arith.addi %multiple_of3A_559, %add3A_562 : i32
        %swap3A_564 = arith.index_cast %add3A_563 : i32 to index
        %swap3A_565 = tpu.vector_load %arg7[%swap3A_564] {strides = array<i32>} : memref<16384xf32, #tpu.memory_space<vmem>>, vector<16xf32>,
        tpu.vector_store %arg7[%swap3A_564], %gather3A_556 {strides = array<i32>} : memref<16384xf32, #tpu.memory_space<vmem>>, vector<16xf32>,
        %mul3A_566 = arith.constant 8 : i32
        %mul3A_567 = arith.muli %scan3A_346, %mul3A_566 : i32
        %add3A_568 = arith.constant 2 : i32
        %add3A_569 = arith.addi %mul3A_567, %add3A_568 : i32
        %slice3A_570 = vector.extract_strided_slice %get3A_395 {offsets = [2], sizes = [1], strides = [1]} : vector<16xi32> to vector<1xi32>
        %squeeze3A_571 = vector.extract %slice3A_570[0] : i32 from vector<1xi32>
        %jit3A_572 = arith.constant 128 : i32
        %div3A_573 = arith.divsi %squeeze3A_571, %jit3A_572 : i32
        %sign3A_574 = arith.constant 0 : i32
        %sign3A_575 = arith.cmpi sgt, %squeeze3A_571, %sign3A_574 : i32
        %sign3A_576 = arith.extui %sign3A_575 : i1 to i32
        %sign3A_577 = arith.constant 0 : i32
        %sign3A_578 = arith.cmpi slt, %squeeze3A_571, %sign3A_577 : i32
        %sign3A_579 = arith.extui %sign3A_578 : i1 to i32
        %sign3A_580 = arith.subi %sign3A_576, %sign3A_579 : i32
        %sign3A_581 = arith.constant 0 : i32
        %sign3A_582 = arith.cmpi sgt, %jit3A_572, %sign3A_581 : i32
        %sign3A_583 = arith.extui %sign3A_582 : i1 to i32
        %sign3A_584 = arith.constant 0 : i32
        %sign3A_585 = arith.cmpi slt, %jit3A_572, %sign3A_584 : i32
        %sign3A_586 = arith.extui %sign3A_585 : i1 to i32
        %sign3A_587 = arith.subi %sign3A_583, %sign3A_586 : i32
        %ne3A_588 = arith.cmpi ne, %sign3A_580, %sign3A_587 : i32
        %rem3A_589 = arith.remsi %squeeze3A_571, %jit3A_572 : i32
        %ne3A_590 = arith.constant 0 : i32
        %ne3A_591 = arith.cmpi ne, %rem3A_589, %ne3A_590 : i32
        %and3A_592 = arith.andi %ne3A_588, %ne3A_591 : i1
        %sub3A_593 = arith.constant 1 : i32
        %sub3A_594 = arith.subi %div3A_573, %sub3A_593 : i32
        %select_n3A_595 = arith.select %and3A_592, %sub3A_594, %div3A_573 : i32
        %mul3A_596 = arith.constant 128 : i32
        %mul3A_597 = arith.muli %select_n3A_595, %mul3A_596 : i32
        %multiple_of3A_598 = tpu.assume_multiple %mul3A_597, 128 : i32
        %dma_wait3A_599 = arith.constant 0 : i32
        %dma_wait3A_600 = arith.constant 2 : i32
        %dma_wait3A_601 = arith.constant 0 : i32
        %dma_wait3A_602 = arith.constant 0 : i32
        %dma_wait3A_603 = tpu.memref_slice %arg6[%dma_wait3A_599, %dma_wait3A_600, %dma_wait3A_601, %dma_wait3A_602] : memref<2x8x32x128xf32, #tpu.memory_space<vmem>> -> memref<1x1x32x128xf32, #tpu.memory_space<vmem>>
        %dma_wait3A_604 = tpu.memref_squeeze %dma_wait3A_603 : memref<1x1x32x128xf32, #tpu.memory_space<vmem>> -> memref<32x128xf32, #tpu.memory_space<vmem>>
        %dma_wait3A_605 = arith.constant 0 : i32
        %dma_wait3A_606 = tpu.memref_slice %arg3[%dma_wait3A_605, %multiple_of3A_598] : memref<32x1000000xf32, #tpu.memory_space<hbm>> -> memref<32x128xf32, #tpu.memory_space<hbm>>
        %dma_wait3A_607 = arith.constant 0 : i32
        %dma_wait3A_608 = arith.constant 0 : i32
        %dma_wait3A_609 = tpu.memref_slice %arg6[%dma_wait3A_599, %dma_wait3A_600, %dma_wait3A_607, %dma_wait3A_608] : memref<2x8x32x128xf32, #tpu.memory_space<vmem>> -> memref<1x1x32x128xf32, #tpu.memory_space<vmem>>
        %dma_wait3A_610 = tpu.memref_squeeze %dma_wait3A_609 : memref<1x1x32x128xf32, #tpu.memory_space<vmem>> -> memref<32x128xf32, #tpu.memory_space<vmem>>
        %dma_wait3A_611 = arith.constant 0 : i32
        %dma_wait3A_612 = tpu.memref_slice %arg3[%dma_wait3A_611, %multiple_of3A_598] : memref<32x1000000xf32, #tpu.memory_space<hbm>> -> memref<32x128xf32, #tpu.memory_space<hbm>>
        tpu.wait_dma2 semaphore(%arg8 : memref<!tpu.dma_semaphore, #tpu.memory_space<semaphore_mem>>) src(%dma_wait3A_612 : memref<32x128xf32, #tpu.memory_space<hbm>>) dst(%dma_wait3A_610 : memref<32x128xf32, #tpu.memory_space<vmem>>)
        %jit3A_613 = arith.constant 128 : i32
        %eq3A_614 = arith.constant 0 : i32
        %eq3A_615 = arith.cmpi eq, %jit3A_613, %eq3A_614 : i32
        %jit3A_616 = arith.constant 1 : i32
        %select_n3A_617 = arith.select %eq3A_615, %jit3A_616, %jit3A_613 : i32
        %rem3A_618 = arith.remsi %squeeze3A_571, %select_n3A_617 : i32
        %ne3A_619 = arith.constant 0 : i32
        %ne3A_620 = arith.cmpi ne, %rem3A_618, %ne3A_619 : i32
        %lt3A_621 = arith.constant 0 : i32
        %lt3A_622 = arith.cmpi slt, %rem3A_618, %lt3A_621 : i32
        %lt3A_623 = arith.constant 0 : i32
        %lt3A_624 = arith.cmpi slt, %select_n3A_617, %lt3A_623 : i32
        %ne3A_625 = arith.xori %lt3A_622, %lt3A_624 : i1
        %and3A_626 = arith.andi %ne3A_625, %ne3A_620 : i1
        %add3A_627 = arith.addi %rem3A_618, %select_n3A_617 : i32
        %select_n3A_628 = arith.select %and3A_626, %add3A_627, %rem3A_618 : i32
        %broadcast_in_dim3A_629 = vector.broadcast %select_n3A_628 : i32 to vector<16xi32>
        %gather3A_630 = arith.constant 0 : i32
        %gather3A_631 = arith.constant 2 : i32
        %gather3A_632 = arith.constant 0 : i32
        %gather3A_633 = arith.constant 0 : i32
        %gather3A_634 = tpu.memref_slice %arg6[%gather3A_630, %gather3A_631, %gather3A_632, %gather3A_633] : memref<2x8x32x128xf32, #tpu.memory_space<vmem>> -> memref<1x1x32x128xf32, #tpu.memory_space<vmem>>
        %gather3A_635 = tpu.memref_squeeze %gather3A_634 : memref<1x1x32x128xf32, #tpu.memory_space<vmem>> -> memref<32x128xf32, #tpu.memory_space<vmem>>
        %gather3A_636 = tpu.vector_load_idx %gather3A_635[%iota3A, %broadcast_in_dim3A_629] : memref<32x128xf32, #tpu.memory_space<vmem>>[vector<16xi32>, vector<16xi32>], vector<16xf32>,
        %gather3A_637 = arith.constant 0 : i32
        %gather3A_638 = arith.constant 2 : i32
        %gather3A_639 = arith.constant 0 : i32
        %gather3A_640 = arith.constant 0 : i32
        %gather3A_641 = tpu.memref_slice %arg6[%gather3A_637, %gather3A_638, %gather3A_639, %gather3A_640] : memref<2x8x32x128xf32, #tpu.memory_space<vmem>> -> memref<1x1x32x128xf32, #tpu.memory_space<vmem>>
        %gather3A_642 = tpu.memref_squeeze %gather3A_641 : memref<1x1x32x128xf32, #tpu.memory_space<vmem>> -> memref<32x128xf32, #tpu.memory_space<vmem>>
        %gather3A_643 = tpu.vector_load_idx %gather3A_642[%add3A_5, %broadcast_in_dim3A_629] : memref<32x128xf32, #tpu.memory_space<vmem>>[vector<16xi32>, vector<16xi32>], vector<16xf32>,
        %mul3A_644 = arith.constant 32 : i32
        %mul3A_645 = arith.muli %add3A_569, %mul3A_644 : i32
        %multiple_of3A_646 = tpu.assume_multiple %mul3A_645, 32 : i32
        %swap3A_647 = arith.index_cast %multiple_of3A_646 : i32 to index
        %swap3A_648 = tpu.vector_load %arg7[%swap3A_647] {strides = array<i32>} : memref<16384xf32, #tpu.memory_space<vmem>>, vector<16xf32>,
        tpu.vector_store %arg7[%swap3A_647], %gather3A_636 {strides = array<i32>} : memref<16384xf32, #tpu.memory_space<vmem>>, vector<16xf32>,
        %add3A_649 = arith.constant 16 : i32
        %add3A_650 = arith.addi %multiple_of3A_646, %add3A_649 : i32
        %swap3A_651 = arith.index_cast %add3A_650 : i32 to index
        %swap3A_652 = tpu.vector_load %arg7[%swap3A_651] {strides = array<i32>} : memref<16384xf32, #tpu.memory_space<vmem>>, vector<16xf32>,
        tpu.vector_store %arg7[%swap3A_651], %gather3A_643 {strides = array<i32>} : memref<16384xf32, #tpu.memory_space<vmem>>, vector<16xf32>,
        %mul3A_653 = arith.constant 8 : i32
        %mul3A_654 = arith.muli %scan3A_346, %mul3A_653 : i32
        %add3A_655 = arith.constant 3 : i32
        %add3A_656 = arith.addi %mul3A_654, %add3A_655 : i32
        %slice3A_657 = vector.extract_strided_slice %get3A_395 {offsets = [3], sizes = [1], strides = [1]} : vector<16xi32> to vector<1xi32>
        %squeeze3A_658 = vector.extract %slice3A_657[0] : i32 from vector<1xi32>
        %jit3A_659 = arith.constant 128 : i32
        %div3A_660 = arith.divsi %squeeze3A_658, %jit3A_659 : i32
        %sign3A_661 = arith.constant 0 : i32
        %sign3A_662 = arith.cmpi sgt, %squeeze3A_658, %sign3A_661 : i32
        %sign3A_663 = arith.extui %sign3A_662 : i1 to i32
        %sign3A_664 = arith.constant 0 : i32
        %sign3A_665 = arith.cmpi slt, %squeeze3A_658, %sign3A_664 : i32
        %sign3A_666 = arith.extui %sign3A_665 : i1 to i32
        %sign3A_667 = arith.subi %sign3A_663, %sign3A_666 : i32
        %sign3A_668 = arith.constant 0 : i32
        %sign3A_669 = arith.cmpi sgt, %jit3A_659, %sign3A_668 : i32
        %sign3A_670 = arith.extui %sign3A_669 : i1 to i32
        %sign3A_671 = arith.constant 0 : i32
        %sign3A_672 = arith.cmpi slt, %jit3A_659, %sign3A_671 : i32
        %sign3A_673 = arith.extui %sign3A_672 : i1 to i32
        %sign3A_674 = arith.subi %sign3A_670, %sign3A_673 : i32
        %ne3A_675 = arith.cmpi ne, %sign3A_667, %sign3A_674 : i32
        %rem3A_676 = arith.remsi %squeeze3A_658, %jit3A_659 : i32
        %ne3A_677 = arith.constant 0 : i32
        %ne3A_678 = arith.cmpi ne, %rem3A_676, %ne3A_677 : i32
        %and3A_679 = arith.andi %ne3A_675, %ne3A_678 : i1
        %sub3A_680 = arith.constant 1 : i32
        %sub3A_681 = arith.subi %div3A_660, %sub3A_680 : i32
        %select_n3A_682 = arith.select %and3A_679, %sub3A_681, %div3A_660 : i32
        %mul3A_683 = arith.constant 128 : i32
        %mul3A_684 = arith.muli %select_n3A_682, %mul3A_683 : i32
        %multiple_of3A_685 = tpu.assume_multiple %mul3A_684, 128 : i32
        %dma_wait3A_686 = arith.constant 0 : i32
        %dma_wait3A_687 = arith.constant 3 : i32
        %dma_wait3A_688 = arith.constant 0 : i32
        %dma_wait3A_689 = arith.constant 0 : i32
        %dma_wait3A_690 = tpu.memref_slice %arg6[%dma_wait3A_686, %dma_wait3A_687, %dma_wait3A_688, %dma_wait3A_689] : memref<2x8x32x128xf32, #tpu.memory_space<vmem>> -> memref<1x1x32x128xf32, #tpu.memory_space<vmem>>
        %dma_wait3A_691 = tpu.memref_squeeze %dma_wait3A_690 : memref<1x1x32x128xf32, #tpu.memory_space<vmem>> -> memref<32x128xf32, #tpu.memory_space<vmem>>
        %dma_wait3A_692 = arith.constant 0 : i32
        %dma_wait3A_693 = tpu.memref_slice %arg3[%dma_wait3A_692, %multiple_of3A_685] : memref<32x1000000xf32, #tpu.memory_space<hbm>> -> memref<32x128xf32, #tpu.memory_space<hbm>>
        %dma_wait3A_694 = arith.constant 0 : i32
        %dma_wait3A_695 = arith.constant 0 : i32
        %dma_wait3A_696 = tpu.memref_slice %arg6[%dma_wait3A_686, %dma_wait3A_687, %dma_wait3A_694, %dma_wait3A_695] : memref<2x8x32x128xf32, #tpu.memory_space<vmem>> -> memref<1x1x32x128xf32, #tpu.memory_space<vmem>>
        %dma_wait3A_697 = tpu.memref_squeeze %dma_wait3A_696 : memref<1x1x32x128xf32, #tpu.memory_space<vmem>> -> memref<32x128xf32, #tpu.memory_space<vmem>>
        %dma_wait3A_698 = arith.constant 0 : i32
        %dma_wait3A_699 = tpu.memref_slice %arg3[%dma_wait3A_698, %multiple_of3A_685] : memref<32x1000000xf32, #tpu.memory_space<hbm>> -> memref<32x128xf32, #tpu.memory_space<hbm>>
        tpu.wait_dma2 semaphore(%arg8 : memref<!tpu.dma_semaphore, #tpu.memory_space<semaphore_mem>>) src(%dma_wait3A_699 : memref<32x128xf32, #tpu.memory_space<hbm>>) dst(%dma_wait3A_697 : memref<32x128xf32, #tpu.memory_space<vmem>>)
        %jit3A_700 = arith.constant 128 : i32
        %eq3A_701 = arith.constant 0 : i32
        %eq3A_702 = arith.cmpi eq, %jit3A_700, %eq3A_701 : i32
        %jit3A_703 = arith.constant 1 : i32
        %select_n3A_704 = arith.select %eq3A_702, %jit3A_703, %jit3A_700 : i32
        %rem3A_705 = arith.remsi %squeeze3A_658, %select_n3A_704 : i32
        %ne3A_706 = arith.constant 0 : i32
        %ne3A_707 = arith.cmpi ne, %rem3A_705, %ne3A_706 : i32
        %lt3A_708 = arith.constant 0 : i32
        %lt3A_709 = arith.cmpi slt, %rem3A_705, %lt3A_708 : i32
        %lt3A_710 = arith.constant 0 : i32
        %lt3A_711 = arith.cmpi slt, %select_n3A_704, %lt3A_710 : i32
        %ne3A_712 = arith.xori %lt3A_709, %lt3A_711 : i1
        %and3A_713 = arith.andi %ne3A_712, %ne3A_707 : i1
        %add3A_714 = arith.addi %rem3A_705, %select_n3A_704 : i32
        %select_n3A_715 = arith.select %and3A_713, %add3A_714, %rem3A_705 : i32
        %broadcast_in_dim3A_716 = vector.broadcast %select_n3A_715 : i32 to vector<16xi32>
        %gather3A_717 = arith.constant 0 : i32
        %gather3A_718 = arith.constant 3 : i32
        %gather3A_719 = arith.constant 0 : i32
        %gather3A_720 = arith.constant 0 : i32
        %gather3A_721 = tpu.memref_slice %arg6[%gather3A_717, %gather3A_718, %gather3A_719, %gather3A_720] : memref<2x8x32x128xf32, #tpu.memory_space<vmem>> -> memref<1x1x32x128xf32, #tpu.memory_space<vmem>>
        %gather3A_722 = tpu.memref_squeeze %gather3A_721 : memref<1x1x32x128xf32, #tpu.memory_space<vmem>> -> memref<32x128xf32, #tpu.memory_space<vmem>>
        %gather3A_723 = tpu.vector_load_idx %gather3A_722[%iota3A, %broadcast_in_dim3A_716] : memref<32x128xf32, #tpu.memory_space<vmem>>[vector<16xi32>, vector<16xi32>], vector<16xf32>,
        %gather3A_724 = arith.constant 0 : i32
        %gather3A_725 = arith.constant 3 : i32
        %gather3A_726 = arith.constant 0 : i32
        %gather3A_727 = arith.constant 0 : i32
        %gather3A_728 = tpu.memref_slice %arg6[%gather3A_724, %gather3A_725, %gather3A_726, %gather3A_727] : memref<2x8x32x128xf32, #tpu.memory_space<vmem>> -> memref<1x1x32x128xf32, #tpu.memory_space<vmem>>
        %gather3A_729 = tpu.memref_squeeze %gather3A_728 : memref<1x1x32x128xf32, #tpu.memory_space<vmem>> -> memref<32x128xf32, #tpu.memory_space<vmem>>
        %gather3A_730 = tpu.vector_load_idx %gather3A_729[%add3A_5, %broadcast_in_dim3A_716] : memref<32x128xf32, #tpu.memory_space<vmem>>[vector<16xi32>, vector<16xi32>], vector<16xf32>,
        %mul3A_731 = arith.constant 32 : i32
        %mul3A_732 = arith.muli %add3A_656, %mul3A_731 : i32
        %multiple_of3A_733 = tpu.assume_multiple %mul3A_732, 32 : i32
        %swap3A_734 = arith.index_cast %multiple_of3A_733 : i32 to index
        %swap3A_735 = tpu.vector_load %arg7[%swap3A_734] {strides = array<i32>} : memref<16384xf32, #tpu.memory_space<vmem>>, vector<16xf32>,
        tpu.vector_store %arg7[%swap3A_734], %gather3A_723 {strides = array<i32>} : memref<16384xf32, #tpu.memory_space<vmem>>, vector<16xf32>,
        %add3A_736 = arith.constant 16 : i32
        %add3A_737 = arith.addi %multiple_of3A_733, %add3A_736 : i32
        %swap3A_738 = arith.index_cast %add3A_737 : i32 to index
        %swap3A_739 = tpu.vector_load %arg7[%swap3A_738] {strides = array<i32>} : memref<16384xf32, #tpu.memory_space<vmem>>, vector<16xf32>,
        tpu.vector_store %arg7[%swap3A_738], %gather3A_730 {strides = array<i32>} : memref<16384xf32, #tpu.memory_space<vmem>>, vector<16xf32>,
        %mul3A_740 = arith.constant 8 : i32
        %mul3A_741 = arith.muli %scan3A_346, %mul3A_740 : i32
        %add3A_742 = arith.constant 4 : i32
        %add3A_743 = arith.addi %mul3A_741, %add3A_742 : i32
        %slice3A_744 = vector.extract_strided_slice %get3A_395 {offsets = [4], sizes = [1], strides = [1]} : vector<16xi32> to vector<1xi32>
        %squeeze3A_745 = vector.extract %slice3A_744[0] : i32 from vector<1xi32>
        %jit3A_746 = arith.constant 128 : i32
        %div3A_747 = arith.divsi %squeeze3A_745, %jit3A_746 : i32
        %sign3A_748 = arith.constant 0 : i32
        %sign3A_749 = arith.cmpi sgt, %squeeze3A_745, %sign3A_748 : i32
        %sign3A_750 = arith.extui %sign3A_749 : i1 to i32
        %sign3A_751 = arith.constant 0 : i32
        %sign3A_752 = arith.cmpi slt, %squeeze3A_745, %sign3A_751 : i32
        %sign3A_753 = arith.extui %sign3A_752 : i1 to i32
        %sign3A_754 = arith.subi %sign3A_750, %sign3A_753 : i32
        %sign3A_755 = arith.constant 0 : i32
        %sign3A_756 = arith.cmpi sgt, %jit3A_746, %sign3A_755 : i32
        %sign3A_757 = arith.extui %sign3A_756 : i1 to i32
        %sign3A_758 = arith.constant 0 : i32
        %sign3A_759 = arith.cmpi slt, %jit3A_746, %sign3A_758 : i32
        %sign3A_760 = arith.extui %sign3A_759 : i1 to i32
        %sign3A_761 = arith.subi %sign3A_757, %sign3A_760 : i32
        %ne3A_762 = arith.cmpi ne, %sign3A_754, %sign3A_761 : i32
        %rem3A_763 = arith.remsi %squeeze3A_745, %jit3A_746 : i32
        %ne3A_764 = arith.constant 0 : i32
        %ne3A_765 = arith.cmpi ne, %rem3A_763, %ne3A_764 : i32
        %and3A_766 = arith.andi %ne3A_762, %ne3A_765 : i1
        %sub3A_767 = arith.constant 1 : i32
        %sub3A_768 = arith.subi %div3A_747, %sub3A_767 : i32
        %select_n3A_769 = arith.select %and3A_766, %sub3A_768, %div3A_747 : i32
        %mul3A_770 = arith.constant 128 : i32
        %mul3A_771 = arith.muli %select_n3A_769, %mul3A_770 : i32
        %multiple_of3A_772 = tpu.assume_multiple %mul3A_771, 128 : i32
        %dma_wait3A_773 = arith.constant 0 : i32
        %dma_wait3A_774 = arith.constant 4 : i32
        %dma_wait3A_775 = arith.constant 0 : i32
        %dma_wait3A_776 = arith.constant 0 : i32
        %dma_wait3A_777 = tpu.memref_slice %arg6[%dma_wait3A_773, %dma_wait3A_774, %dma_wait3A_775, %dma_wait3A_776] : memref<2x8x32x128xf32, #tpu.memory_space<vmem>> -> memref<1x1x32x128xf32, #tpu.memory_space<vmem>>
        %dma_wait3A_778 = tpu.memref_squeeze %dma_wait3A_777 : memref<1x1x32x128xf32, #tpu.memory_space<vmem>> -> memref<32x128xf32, #tpu.memory_space<vmem>>
        %dma_wait3A_779 = arith.constant 0 : i32
        %dma_wait3A_780 = tpu.memref_slice %arg3[%dma_wait3A_779, %multiple_of3A_772] : memref<32x1000000xf32, #tpu.memory_space<hbm>> -> memref<32x128xf32, #tpu.memory_space<hbm>>
        %dma_wait3A_781 = arith.constant 0 : i32
        %dma_wait3A_782 = arith.constant 0 : i32
        %dma_wait3A_783 = tpu.memref_slice %arg6[%dma_wait3A_773, %dma_wait3A_774, %dma_wait3A_781, %dma_wait3A_782] : memref<2x8x32x128xf32, #tpu.memory_space<vmem>> -> memref<1x1x32x128xf32, #tpu.memory_space<vmem>>
        %dma_wait3A_784 = tpu.memref_squeeze %dma_wait3A_783 : memref<1x1x32x128xf32, #tpu.memory_space<vmem>> -> memref<32x128xf32, #tpu.memory_space<vmem>>
        %dma_wait3A_785 = arith.constant 0 : i32
        %dma_wait3A_786 = tpu.memref_slice %arg3[%dma_wait3A_785, %multiple_of3A_772] : memref<32x1000000xf32, #tpu.memory_space<hbm>> -> memref<32x128xf32, #tpu.memory_space<hbm>>
        tpu.wait_dma2 semaphore(%arg8 : memref<!tpu.dma_semaphore, #tpu.memory_space<semaphore_mem>>) src(%dma_wait3A_786 : memref<32x128xf32, #tpu.memory_space<hbm>>) dst(%dma_wait3A_784 : memref<32x128xf32, #tpu.memory_space<vmem>>)
        %jit3A_787 = arith.constant 128 : i32
        %eq3A_788 = arith.constant 0 : i32
        %eq3A_789 = arith.cmpi eq, %jit3A_787, %eq3A_788 : i32
        %jit3A_790 = arith.constant 1 : i32
        %select_n3A_791 = arith.select %eq3A_789, %jit3A_790, %jit3A_787 : i32
        %rem3A_792 = arith.remsi %squeeze3A_745, %select_n3A_791 : i32
        %ne3A_793 = arith.constant 0 : i32
        %ne3A_794 = arith.cmpi ne, %rem3A_792, %ne3A_793 : i32
        %lt3A_795 = arith.constant 0 : i32
        %lt3A_796 = arith.cmpi slt, %rem3A_792, %lt3A_795 : i32
        %lt3A_797 = arith.constant 0 : i32
        %lt3A_798 = arith.cmpi slt, %select_n3A_791, %lt3A_797 : i32
        %ne3A_799 = arith.xori %lt3A_796, %lt3A_798 : i1
        %and3A_800 = arith.andi %ne3A_799, %ne3A_794 : i1
        %add3A_801 = arith.addi %rem3A_792, %select_n3A_791 : i32
        %select_n3A_802 = arith.select %and3A_800, %add3A_801, %rem3A_792 : i32
        %broadcast_in_dim3A_803 = vector.broadcast %select_n3A_802 : i32 to vector<16xi32>
        %gather3A_804 = arith.constant 0 : i32
        %gather3A_805 = arith.constant 4 : i32
        %gather3A_806 = arith.constant 0 : i32
        %gather3A_807 = arith.constant 0 : i32
        %gather3A_808 = tpu.memref_slice %arg6[%gather3A_804, %gather3A_805, %gather3A_806, %gather3A_807] : memref<2x8x32x128xf32, #tpu.memory_space<vmem>> -> memref<1x1x32x128xf32, #tpu.memory_space<vmem>>
        %gather3A_809 = tpu.memref_squeeze %gather3A_808 : memref<1x1x32x128xf32, #tpu.memory_space<vmem>> -> memref<32x128xf32, #tpu.memory_space<vmem>>
        %gather3A_810 = tpu.vector_load_idx %gather3A_809[%iota3A, %broadcast_in_dim3A_803] : memref<32x128xf32, #tpu.memory_space<vmem>>[vector<16xi32>, vector<16xi32>], vector<16xf32>,
        %gather3A_811 = arith.constant 0 : i32
        %gather3A_812 = arith.constant 4 : i32
        %gather3A_813 = arith.constant 0 : i32
        %gather3A_814 = arith.constant 0 : i32
        %gather3A_815 = tpu.memref_slice %arg6[%gather3A_811, %gather3A_812, %gather3A_813, %gather3A_814] : memref<2x8x32x128xf32, #tpu.memory_space<vmem>> -> memref<1x1x32x128xf32, #tpu.memory_space<vmem>>
        %gather3A_816 = tpu.memref_squeeze %gather3A_815 : memref<1x1x32x128xf32, #tpu.memory_space<vmem>> -> memref<32x128xf32, #tpu.memory_space<vmem>>
        %gather3A_817 = tpu.vector_load_idx %gather3A_816[%add3A_5, %broadcast_in_dim3A_803] : memref<32x128xf32, #tpu.memory_space<vmem>>[vector<16xi32>, vector<16xi32>], vector<16xf32>,
        %mul3A_818 = arith.constant 32 : i32
        %mul3A_819 = arith.muli %add3A_743, %mul3A_818 : i32
        %multiple_of3A_820 = tpu.assume_multiple %mul3A_819, 32 : i32
        %swap3A_821 = arith.index_cast %multiple_of3A_820 : i32 to index
        %swap3A_822 = tpu.vector_load %arg7[%swap3A_821] {strides = array<i32>} : memref<16384xf32, #tpu.memory_space<vmem>>, vector<16xf32>,
        tpu.vector_store %arg7[%swap3A_821], %gather3A_810 {strides = array<i32>} : memref<16384xf32, #tpu.memory_space<vmem>>, vector<16xf32>,
        %add3A_823 = arith.constant 16 : i32
        %add3A_824 = arith.addi %multiple_of3A_820, %add3A_823 : i32
        %swap3A_825 = arith.index_cast %add3A_824 : i32 to index
        %swap3A_826 = tpu.vector_load %arg7[%swap3A_825] {strides = array<i32>} : memref<16384xf32, #tpu.memory_space<vmem>>, vector<16xf32>,
        tpu.vector_store %arg7[%swap3A_825], %gather3A_817 {strides = array<i32>} : memref<16384xf32, #tpu.memory_space<vmem>>, vector<16xf32>,
        %mul3A_827 = arith.constant 8 : i32
        %mul3A_828 = arith.muli %scan3A_346, %mul3A_827 : i32
        %add3A_829 = arith.constant 5 : i32
        %add3A_830 = arith.addi %mul3A_828, %add3A_829 : i32
        %slice3A_831 = vector.extract_strided_slice %get3A_395 {offsets = [5], sizes = [1], strides = [1]} : vector<16xi32> to vector<1xi32>
        %squeeze3A_832 = vector.extract %slice3A_831[0] : i32 from vector<1xi32>
        %jit3A_833 = arith.constant 128 : i32
        %div3A_834 = arith.divsi %squeeze3A_832, %jit3A_833 : i32
        %sign3A_835 = arith.constant 0 : i32
        %sign3A_836 = arith.cmpi sgt, %squeeze3A_832, %sign3A_835 : i32
        %sign3A_837 = arith.extui %sign3A_836 : i1 to i32
        %sign3A_838 = arith.constant 0 : i32
        %sign3A_839 = arith.cmpi slt, %squeeze3A_832, %sign3A_838 : i32
        %sign3A_840 = arith.extui %sign3A_839 : i1 to i32
        %sign3A_841 = arith.subi %sign3A_837, %sign3A_840 : i32
        %sign3A_842 = arith.constant 0 : i32
        %sign3A_843 = arith.cmpi sgt, %jit3A_833, %sign3A_842 : i32
        %sign3A_844 = arith.extui %sign3A_843 : i1 to i32
        %sign3A_845 = arith.constant 0 : i32
        %sign3A_846 = arith.cmpi slt, %jit3A_833, %sign3A_845 : i32
        %sign3A_847 = arith.extui %sign3A_846 : i1 to i32
        %sign3A_848 = arith.subi %sign3A_844, %sign3A_847 : i32
        %ne3A_849 = arith.cmpi ne, %sign3A_841, %sign3A_848 : i32
        %rem3A_850 = arith.remsi %squeeze3A_832, %jit3A_833 : i32
        %ne3A_851 = arith.constant 0 : i32
        %ne3A_852 = arith.cmpi ne, %rem3A_850, %ne3A_851 : i32
        %and3A_853 = arith.andi %ne3A_849, %ne3A_852 : i1
        %sub3A_854 = arith.constant 1 : i32
        %sub3A_855 = arith.subi %div3A_834, %sub3A_854 : i32
        %select_n3A_856 = arith.select %and3A_853, %sub3A_855, %div3A_834 : i32
        %mul3A_857 = arith.constant 128 : i32
        %mul3A_858 = arith.muli %select_n3A_856, %mul3A_857 : i32
        %multiple_of3A_859 = tpu.assume_multiple %mul3A_858, 128 : i32
        %dma_wait3A_860 = arith.constant 0 : i32
        %dma_wait3A_861 = arith.constant 5 : i32
        %dma_wait3A_862 = arith.constant 0 : i32
        %dma_wait3A_863 = arith.constant 0 : i32
        %dma_wait3A_864 = tpu.memref_slice %arg6[%dma_wait3A_860, %dma_wait3A_861, %dma_wait3A_862, %dma_wait3A_863] : memref<2x8x32x128xf32, #tpu.memory_space<vmem>> -> memref<1x1x32x128xf32, #tpu.memory_space<vmem>>
        %dma_wait3A_865 = tpu.memref_squeeze %dma_wait3A_864 : memref<1x1x32x128xf32, #tpu.memory_space<vmem>> -> memref<32x128xf32, #tpu.memory_space<vmem>>
        %dma_wait3A_866 = arith.constant 0 : i32
        %dma_wait3A_867 = tpu.memref_slice %arg3[%dma_wait3A_866, %multiple_of3A_859] : memref<32x1000000xf32, #tpu.memory_space<hbm>> -> memref<32x128xf32, #tpu.memory_space<hbm>>
        %dma_wait3A_868 = arith.constant 0 : i32
        %dma_wait3A_869 = arith.constant 0 : i32
        %dma_wait3A_870 = tpu.memref_slice %arg6[%dma_wait3A_860, %dma_wait3A_861, %dma_wait3A_868, %dma_wait3A_869] : memref<2x8x32x128xf32, #tpu.memory_space<vmem>> -> memref<1x1x32x128xf32, #tpu.memory_space<vmem>>
        %dma_wait3A_871 = tpu.memref_squeeze %dma_wait3A_870 : memref<1x1x32x128xf32, #tpu.memory_space<vmem>> -> memref<32x128xf32, #tpu.memory_space<vmem>>
        %dma_wait3A_872 = arith.constant 0 : i32
        %dma_wait3A_873 = tpu.memref_slice %arg3[%dma_wait3A_872, %multiple_of3A_859] : memref<32x1000000xf32, #tpu.memory_space<hbm>> -> memref<32x128xf32, #tpu.memory_space<hbm>>
        tpu.wait_dma2 semaphore(%arg8 : memref<!tpu.dma_semaphore, #tpu.memory_space<semaphore_mem>>) src(%dma_wait3A_873 : memref<32x128xf32, #tpu.memory_space<hbm>>) dst(%dma_wait3A_871 : memref<32x128xf32, #tpu.memory_space<vmem>>)
        %jit3A_874 = arith.constant 128 : i32
        %eq3A_875 = arith.constant 0 : i32
        %eq3A_876 = arith.cmpi eq, %jit3A_874, %eq3A_875 : i32
        %jit3A_877 = arith.constant 1 : i32
        %select_n3A_878 = arith.select %eq3A_876, %jit3A_877, %jit3A_874 : i32
        %rem3A_879 = arith.remsi %squeeze3A_832, %select_n3A_878 : i32
        %ne3A_880 = arith.constant 0 : i32
        %ne3A_881 = arith.cmpi ne, %rem3A_879, %ne3A_880 : i32
        %lt3A_882 = arith.constant 0 : i32
        %lt3A_883 = arith.cmpi slt, %rem3A_879, %lt3A_882 : i32
        %lt3A_884 = arith.constant 0 : i32
        %lt3A_885 = arith.cmpi slt, %select_n3A_878, %lt3A_884 : i32
        %ne3A_886 = arith.xori %lt3A_883, %lt3A_885 : i1
        %and3A_887 = arith.andi %ne3A_886, %ne3A_881 : i1
        %add3A_888 = arith.addi %rem3A_879, %select_n3A_878 : i32
        %select_n3A_889 = arith.select %and3A_887, %add3A_888, %rem3A_879 : i32
        %broadcast_in_dim3A_890 = vector.broadcast %select_n3A_889 : i32 to vector<16xi32>
        %gather3A_891 = arith.constant 0 : i32
        %gather3A_892 = arith.constant 5 : i32
        %gather3A_893 = arith.constant 0 : i32
        %gather3A_894 = arith.constant 0 : i32
        %gather3A_895 = tpu.memref_slice %arg6[%gather3A_891, %gather3A_892, %gather3A_893, %gather3A_894] : memref<2x8x32x128xf32, #tpu.memory_space<vmem>> -> memref<1x1x32x128xf32, #tpu.memory_space<vmem>>
        %gather3A_896 = tpu.memref_squeeze %gather3A_895 : memref<1x1x32x128xf32, #tpu.memory_space<vmem>> -> memref<32x128xf32, #tpu.memory_space<vmem>>
        %gather3A_897 = tpu.vector_load_idx %gather3A_896[%iota3A, %broadcast_in_dim3A_890] : memref<32x128xf32, #tpu.memory_space<vmem>>[vector<16xi32>, vector<16xi32>], vector<16xf32>,
        %gather3A_898 = arith.constant 0 : i32
        %gather3A_899 = arith.constant 5 : i32
        %gather3A_900 = arith.constant 0 : i32
        %gather3A_901 = arith.constant 0 : i32
        %gather3A_902 = tpu.memref_slice %arg6[%gather3A_898, %gather3A_899, %gather3A_900, %gather3A_901] : memref<2x8x32x128xf32, #tpu.memory_space<vmem>> -> memref<1x1x32x128xf32, #tpu.memory_space<vmem>>
        %gather3A_903 = tpu.memref_squeeze %gather3A_902 : memref<1x1x32x128xf32, #tpu.memory_space<vmem>> -> memref<32x128xf32, #tpu.memory_space<vmem>>
        %gather3A_904 = tpu.vector_load_idx %gather3A_903[%add3A_5, %broadcast_in_dim3A_890] : memref<32x128xf32, #tpu.memory_space<vmem>>[vector<16xi32>, vector<16xi32>], vector<16xf32>,
        %mul3A_905 = arith.constant 32 : i32
        %mul3A_906 = arith.muli %add3A_830, %mul3A_905 : i32
        %multiple_of3A_907 = tpu.assume_multiple %mul3A_906, 32 : i32
        %swap3A_908 = arith.index_cast %multiple_of3A_907 : i32 to index
        %swap3A_909 = tpu.vector_load %arg7[%swap3A_908] {strides = array<i32>} : memref<16384xf32, #tpu.memory_space<vmem>>, vector<16xf32>,
        tpu.vector_store %arg7[%swap3A_908], %gather3A_897 {strides = array<i32>} : memref<16384xf32, #tpu.memory_space<vmem>>, vector<16xf32>,
        %add3A_910 = arith.constant 16 : i32
        %add3A_911 = arith.addi %multiple_of3A_907, %add3A_910 : i32
        %swap3A_912 = arith.index_cast %add3A_911 : i32 to index
        %swap3A_913 = tpu.vector_load %arg7[%swap3A_912] {strides = array<i32>} : memref<16384xf32, #tpu.memory_space<vmem>>, vector<16xf32>,
        tpu.vector_store %arg7[%swap3A_912], %gather3A_904 {strides = array<i32>} : memref<16384xf32, #tpu.memory_space<vmem>>, vector<16xf32>,
        %mul3A_914 = arith.constant 8 : i32
        %mul3A_915 = arith.muli %scan3A_346, %mul3A_914 : i32
        %add3A_916 = arith.constant 6 : i32
        %add3A_917 = arith.addi %mul3A_915, %add3A_916 : i32
        %slice3A_918 = vector.extract_strided_slice %get3A_395 {offsets = [6], sizes = [1], strides = [1]} : vector<16xi32> to vector<1xi32>
        %squeeze3A_919 = vector.extract %slice3A_918[0] : i32 from vector<1xi32>
        %jit3A_920 = arith.constant 128 : i32
        %div3A_921 = arith.divsi %squeeze3A_919, %jit3A_920 : i32
        %sign3A_922 = arith.constant 0 : i32
        %sign3A_923 = arith.cmpi sgt, %squeeze3A_919, %sign3A_922 : i32
        %sign3A_924 = arith.extui %sign3A_923 : i1 to i32
        %sign3A_925 = arith.constant 0 : i32
        %sign3A_926 = arith.cmpi slt, %squeeze3A_919, %sign3A_925 : i32
        %sign3A_927 = arith.extui %sign3A_926 : i1 to i32
        %sign3A_928 = arith.subi %sign3A_924, %sign3A_927 : i32
        %sign3A_929 = arith.constant 0 : i32
        %sign3A_930 = arith.cmpi sgt, %jit3A_920, %sign3A_929 : i32
        %sign3A_931 = arith.extui %sign3A_930 : i1 to i32
        %sign3A_932 = arith.constant 0 : i32
        %sign3A_933 = arith.cmpi slt, %jit3A_920, %sign3A_932 : i32
        %sign3A_934 = arith.extui %sign3A_933 : i1 to i32
        %sign3A_935 = arith.subi %sign3A_931, %sign3A_934 : i32
        %ne3A_936 = arith.cmpi ne, %sign3A_928, %sign3A_935 : i32
        %rem3A_937 = arith.remsi %squeeze3A_919, %jit3A_920 : i32
        %ne3A_938 = arith.constant 0 : i32
        %ne3A_939 = arith.cmpi ne, %rem3A_937, %ne3A_938 : i32
        %and3A_940 = arith.andi %ne3A_936, %ne3A_939 : i1
        %sub3A_941 = arith.constant 1 : i32
        %sub3A_942 = arith.subi %div3A_921, %sub3A_941 : i32
        %select_n3A_943 = arith.select %and3A_940, %sub3A_942, %div3A_921 : i32
        %mul3A_944 = arith.constant 128 : i32
        %mul3A_945 = arith.muli %select_n3A_943, %mul3A_944 : i32
        %multiple_of3A_946 = tpu.assume_multiple %mul3A_945, 128 : i32
        %dma_wait3A_947 = arith.constant 0 : i32
        %dma_wait3A_948 = arith.constant 6 : i32
        %dma_wait3A_949 = arith.constant 0 : i32
        %dma_wait3A_950 = arith.constant 0 : i32
        %dma_wait3A_951 = tpu.memref_slice %arg6[%dma_wait3A_947, %dma_wait3A_948, %dma_wait3A_949, %dma_wait3A_950] : memref<2x8x32x128xf32, #tpu.memory_space<vmem>> -> memref<1x1x32x128xf32, #tpu.memory_space<vmem>>
        %dma_wait3A_952 = tpu.memref_squeeze %dma_wait3A_951 : memref<1x1x32x128xf32, #tpu.memory_space<vmem>> -> memref<32x128xf32, #tpu.memory_space<vmem>>
        %dma_wait3A_953 = arith.constant 0 : i32
        %dma_wait3A_954 = tpu.memref_slice %arg3[%dma_wait3A_953, %multiple_of3A_946] : memref<32x1000000xf32, #tpu.memory_space<hbm>> -> memref<32x128xf32, #tpu.memory_space<hbm>>
        %dma_wait3A_955 = arith.constant 0 : i32
        %dma_wait3A_956 = arith.constant 0 : i32
        %dma_wait3A_957 = tpu.memref_slice %arg6[%dma_wait3A_947, %dma_wait3A_948, %dma_wait3A_955, %dma_wait3A_956] : memref<2x8x32x128xf32, #tpu.memory_space<vmem>> -> memref<1x1x32x128xf32, #tpu.memory_space<vmem>>
        %dma_wait3A_958 = tpu.memref_squeeze %dma_wait3A_957 : memref<1x1x32x128xf32, #tpu.memory_space<vmem>> -> memref<32x128xf32, #tpu.memory_space<vmem>>
        %dma_wait3A_959 = arith.constant 0 : i32
        %dma_wait3A_960 = tpu.memref_slice %arg3[%dma_wait3A_959, %multiple_of3A_946] : memref<32x1000000xf32, #tpu.memory_space<hbm>> -> memref<32x128xf32, #tpu.memory_space<hbm>>
        tpu.wait_dma2 semaphore(%arg8 : memref<!tpu.dma_semaphore, #tpu.memory_space<semaphore_mem>>) src(%dma_wait3A_960 : memref<32x128xf32, #tpu.memory_space<hbm>>) dst(%dma_wait3A_958 : memref<32x128xf32, #tpu.memory_space<vmem>>)
        %jit3A_961 = arith.constant 128 : i32
        %eq3A_962 = arith.constant 0 : i32
        %eq3A_963 = arith.cmpi eq, %jit3A_961, %eq3A_962 : i32
        %jit3A_964 = arith.constant 1 : i32
        %select_n3A_965 = arith.select %eq3A_963, %jit3A_964, %jit3A_961 : i32
        %rem3A_966 = arith.remsi %squeeze3A_919, %select_n3A_965 : i32
        %ne3A_967 = arith.constant 0 : i32
        %ne3A_968 = arith.cmpi ne, %rem3A_966, %ne3A_967 : i32
        %lt3A_969 = arith.constant 0 : i32
        %lt3A_970 = arith.cmpi slt, %rem3A_966, %lt3A_969 : i32
        %lt3A_971 = arith.constant 0 : i32
        %lt3A_972 = arith.cmpi slt, %select_n3A_965, %lt3A_971 : i32
        %ne3A_973 = arith.xori %lt3A_970, %lt3A_972 : i1
        %and3A_974 = arith.andi %ne3A_973, %ne3A_968 : i1
        %add3A_975 = arith.addi %rem3A_966, %select_n3A_965 : i32
        %select_n3A_976 = arith.select %and3A_974, %add3A_975, %rem3A_966 : i32
        %broadcast_in_dim3A_977 = vector.broadcast %select_n3A_976 : i32 to vector<16xi32>
        %gather3A_978 = arith.constant 0 : i32
        %gather3A_979 = arith.constant 6 : i32
        %gather3A_980 = arith.constant 0 : i32
        %gather3A_981 = arith.constant 0 : i32
        %gather3A_982 = tpu.memref_slice %arg6[%gather3A_978, %gather3A_979, %gather3A_980, %gather3A_981] : memref<2x8x32x128xf32, #tpu.memory_space<vmem>> -> memref<1x1x32x128xf32, #tpu.memory_space<vmem>>
        %gather3A_983 = tpu.memref_squeeze %gather3A_982 : memref<1x1x32x128xf32, #tpu.memory_space<vmem>> -> memref<32x128xf32, #tpu.memory_space<vmem>>
        %gather3A_984 = tpu.vector_load_idx %gather3A_983[%iota3A, %broadcast_in_dim3A_977] : memref<32x128xf32, #tpu.memory_space<vmem>>[vector<16xi32>, vector<16xi32>], vector<16xf32>,
        %gather3A_985 = arith.constant 0 : i32
        %gather3A_986 = arith.constant 6 : i32
        %gather3A_987 = arith.constant 0 : i32
        %gather3A_988 = arith.constant 0 : i32
        %gather3A_989 = tpu.memref_slice %arg6[%gather3A_985, %gather3A_986, %gather3A_987, %gather3A_988] : memref<2x8x32x128xf32, #tpu.memory_space<vmem>> -> memref<1x1x32x128xf32, #tpu.memory_space<vmem>>
        %gather3A_990 = tpu.memref_squeeze %gather3A_989 : memref<1x1x32x128xf32, #tpu.memory_space<vmem>> -> memref<32x128xf32, #tpu.memory_space<vmem>>
        %gather3A_991 = tpu.vector_load_idx %gather3A_990[%add3A_5, %broadcast_in_dim3A_977] : memref<32x128xf32, #tpu.memory_space<vmem>>[vector<16xi32>, vector<16xi32>], vector<16xf32>,
        %mul3A_992 = arith.constant 32 : i32
        %mul3A_993 = arith.muli %add3A_917, %mul3A_992 : i32
        %multiple_of3A_994 = tpu.assume_multiple %mul3A_993, 32 : i32
        %swap3A_995 = arith.index_cast %multiple_of3A_994 : i32 to index
        %swap3A_996 = tpu.vector_load %arg7[%swap3A_995] {strides = array<i32>} : memref<16384xf32, #tpu.memory_space<vmem>>, vector<16xf32>,
        tpu.vector_store %arg7[%swap3A_995], %gather3A_984 {strides = array<i32>} : memref<16384xf32, #tpu.memory_space<vmem>>, vector<16xf32>,
        %add3A_997 = arith.constant 16 : i32
        %add3A_998 = arith.addi %multiple_of3A_994, %add3A_997 : i32
        %swap3A_999 = arith.index_cast %add3A_998 : i32 to index
        %swap3A_1000 = tpu.vector_load %arg7[%swap3A_999] {strides = array<i32>} : memref<16384xf32, #tpu.memory_space<vmem>>, vector<16xf32>,
        tpu.vector_store %arg7[%swap3A_999], %gather3A_991 {strides = array<i32>} : memref<16384xf32, #tpu.memory_space<vmem>>, vector<16xf32>,
        %mul3A_1001 = arith.constant 8 : i32
        %mul3A_1002 = arith.muli %scan3A_346, %mul3A_1001 : i32
        %add3A_1003 = arith.constant 7 : i32
        %add3A_1004 = arith.addi %mul3A_1002, %add3A_1003 : i32
        %slice3A_1005 = vector.extract_strided_slice %get3A_395 {offsets = [7], sizes = [1], strides = [1]} : vector<16xi32> to vector<1xi32>
        %squeeze3A_1006 = vector.extract %slice3A_1005[0] : i32 from vector<1xi32>
        %jit3A_1007 = arith.constant 128 : i32
        %div3A_1008 = arith.divsi %squeeze3A_1006, %jit3A_1007 : i32
        %sign3A_1009 = arith.constant 0 : i32
        %sign3A_1010 = arith.cmpi sgt, %squeeze3A_1006, %sign3A_1009 : i32
        %sign3A_1011 = arith.extui %sign3A_1010 : i1 to i32
        %sign3A_1012 = arith.constant 0 : i32
        %sign3A_1013 = arith.cmpi slt, %squeeze3A_1006, %sign3A_1012 : i32
        %sign3A_1014 = arith.extui %sign3A_1013 : i1 to i32
        %sign3A_1015 = arith.subi %sign3A_1011, %sign3A_1014 : i32
        %sign3A_1016 = arith.constant 0 : i32
        %sign3A_1017 = arith.cmpi sgt, %jit3A_1007, %sign3A_1016 : i32
        %sign3A_1018 = arith.extui %sign3A_1017 : i1 to i32
        %sign3A_1019 = arith.constant 0 : i32
        %sign3A_1020 = arith.cmpi slt, %jit3A_1007, %sign3A_1019 : i32
        %sign3A_1021 = arith.extui %sign3A_1020 : i1 to i32
        %sign3A_1022 = arith.subi %sign3A_1018, %sign3A_1021 : i32
        %ne3A_1023 = arith.cmpi ne, %sign3A_1015, %sign3A_1022 : i32
        %rem3A_1024 = arith.remsi %squeeze3A_1006, %jit3A_1007 : i32
        %ne3A_1025 = arith.constant 0 : i32
        %ne3A_1026 = arith.cmpi ne, %rem3A_1024, %ne3A_1025 : i32
        %and3A_1027 = arith.andi %ne3A_1023, %ne3A_1026 : i1
        %sub3A_1028 = arith.constant 1 : i32
        %sub3A_1029 = arith.subi %div3A_1008, %sub3A_1028 : i32
        %select_n3A_1030 = arith.select %and3A_1027, %sub3A_1029, %div3A_1008 : i32
        %mul3A_1031 = arith.constant 128 : i32
        %mul3A_1032 = arith.muli %select_n3A_1030, %mul3A_1031 : i32
        %multiple_of3A_1033 = tpu.assume_multiple %mul3A_1032, 128 : i32
        %dma_wait3A_1034 = arith.constant 0 : i32
        %dma_wait3A_1035 = arith.constant 7 : i32
        %dma_wait3A_1036 = arith.constant 0 : i32
        %dma_wait3A_1037 = arith.constant 0 : i32
        %dma_wait3A_1038 = tpu.memref_slice %arg6[%dma_wait3A_1034, %dma_wait3A_1035, %dma_wait3A_1036, %dma_wait3A_1037] : memref<2x8x32x128xf32, #tpu.memory_space<vmem>> -> memref<1x1x32x128xf32, #tpu.memory_space<vmem>>
        %dma_wait3A_1039 = tpu.memref_squeeze %dma_wait3A_1038 : memref<1x1x32x128xf32, #tpu.memory_space<vmem>> -> memref<32x128xf32, #tpu.memory_space<vmem>>
        %dma_wait3A_1040 = arith.constant 0 : i32
        %dma_wait3A_1041 = tpu.memref_slice %arg3[%dma_wait3A_1040, %multiple_of3A_1033] : memref<32x1000000xf32, #tpu.memory_space<hbm>> -> memref<32x128xf32, #tpu.memory_space<hbm>>
        %dma_wait3A_1042 = arith.constant 0 : i32
        %dma_wait3A_1043 = arith.constant 0 : i32
        %dma_wait3A_1044 = tpu.memref_slice %arg6[%dma_wait3A_1034, %dma_wait3A_1035, %dma_wait3A_1042, %dma_wait3A_1043] : memref<2x8x32x128xf32, #tpu.memory_space<vmem>> -> memref<1x1x32x128xf32, #tpu.memory_space<vmem>>
        %dma_wait3A_1045 = tpu.memref_squeeze %dma_wait3A_1044 : memref<1x1x32x128xf32, #tpu.memory_space<vmem>> -> memref<32x128xf32, #tpu.memory_space<vmem>>
        %dma_wait3A_1046 = arith.constant 0 : i32
        %dma_wait3A_1047 = tpu.memref_slice %arg3[%dma_wait3A_1046, %multiple_of3A_1033] : memref<32x1000000xf32, #tpu.memory_space<hbm>> -> memref<32x128xf32, #tpu.memory_space<hbm>>
        tpu.wait_dma2 semaphore(%arg8 : memref<!tpu.dma_semaphore, #tpu.memory_space<semaphore_mem>>) src(%dma_wait3A_1047 : memref<32x128xf32, #tpu.memory_space<hbm>>) dst(%dma_wait3A_1045 : memref<32x128xf32, #tpu.memory_space<vmem>>)
        %jit3A_1048 = arith.constant 128 : i32
        %eq3A_1049 = arith.constant 0 : i32
        %eq3A_1050 = arith.cmpi eq, %jit3A_1048, %eq3A_1049 : i32
        %jit3A_1051 = arith.constant 1 : i32
        %select_n3A_1052 = arith.select %eq3A_1050, %jit3A_1051, %jit3A_1048 : i32
        %rem3A_1053 = arith.remsi %squeeze3A_1006, %select_n3A_1052 : i32
        %ne3A_1054 = arith.constant 0 : i32
        %ne3A_1055 = arith.cmpi ne, %rem3A_1053, %ne3A_1054 : i32
        %lt3A_1056 = arith.constant 0 : i32
        %lt3A_1057 = arith.cmpi slt, %rem3A_1053, %lt3A_1056 : i32
        %lt3A_1058 = arith.constant 0 : i32
        %lt3A_1059 = arith.cmpi slt, %select_n3A_1052, %lt3A_1058 : i32
        %ne3A_1060 = arith.xori %lt3A_1057, %lt3A_1059 : i1
        %and3A_1061 = arith.andi %ne3A_1060, %ne3A_1055 : i1
        %add3A_1062 = arith.addi %rem3A_1053, %select_n3A_1052 : i32
        %select_n3A_1063 = arith.select %and3A_1061, %add3A_1062, %rem3A_1053 : i32
        %broadcast_in_dim3A_1064 = vector.broadcast %select_n3A_1063 : i32 to vector<16xi32>
        %gather3A_1065 = arith.constant 0 : i32
        %gather3A_1066 = arith.constant 7 : i32
        %gather3A_1067 = arith.constant 0 : i32
        %gather3A_1068 = arith.constant 0 : i32
        %gather3A_1069 = tpu.memref_slice %arg6[%gather3A_1065, %gather3A_1066, %gather3A_1067, %gather3A_1068] : memref<2x8x32x128xf32, #tpu.memory_space<vmem>> -> memref<1x1x32x128xf32, #tpu.memory_space<vmem>>
        %gather3A_1070 = tpu.memref_squeeze %gather3A_1069 : memref<1x1x32x128xf32, #tpu.memory_space<vmem>> -> memref<32x128xf32, #tpu.memory_space<vmem>>
        %gather3A_1071 = tpu.vector_load_idx %gather3A_1070[%iota3A, %broadcast_in_dim3A_1064] : memref<32x128xf32, #tpu.memory_space<vmem>>[vector<16xi32>, vector<16xi32>], vector<16xf32>,
        %gather3A_1072 = arith.constant 0 : i32
        %gather3A_1073 = arith.constant 7 : i32
        %gather3A_1074 = arith.constant 0 : i32
        %gather3A_1075 = arith.constant 0 : i32
        %gather3A_1076 = tpu.memref_slice %arg6[%gather3A_1072, %gather3A_1073, %gather3A_1074, %gather3A_1075] : memref<2x8x32x128xf32, #tpu.memory_space<vmem>> -> memref<1x1x32x128xf32, #tpu.memory_space<vmem>>
        %gather3A_1077 = tpu.memref_squeeze %gather3A_1076 : memref<1x1x32x128xf32, #tpu.memory_space<vmem>> -> memref<32x128xf32, #tpu.memory_space<vmem>>
        %gather3A_1078 = tpu.vector_load_idx %gather3A_1077[%add3A_5, %broadcast_in_dim3A_1064] : memref<32x128xf32, #tpu.memory_space<vmem>>[vector<16xi32>, vector<16xi32>], vector<16xf32>,
        %mul3A_1079 = arith.constant 32 : i32
        %mul3A_1080 = arith.muli %add3A_1004, %mul3A_1079 : i32
        %multiple_of3A_1081 = tpu.assume_multiple %mul3A_1080, 32 : i32
        %swap3A_1082 = arith.index_cast %multiple_of3A_1081 : i32 to index
        %swap3A_1083 = tpu.vector_load %arg7[%swap3A_1082] {strides = array<i32>} : memref<16384xf32, #tpu.memory_space<vmem>>, vector<16xf32>,
        tpu.vector_store %arg7[%swap3A_1082], %gather3A_1071 {strides = array<i32>} : memref<16384xf32, #tpu.memory_space<vmem>>, vector<16xf32>,
        %add3A_1084 = arith.constant 16 : i32
        %add3A_1085 = arith.addi %multiple_of3A_1081, %add3A_1084 : i32
        %swap3A_1086 = arith.index_cast %add3A_1085 : i32 to index
        %swap3A_1087 = tpu.vector_load %arg7[%swap3A_1086] {strides = array<i32>} : memref<16384xf32, #tpu.memory_space<vmem>>, vector<16xf32>,
        tpu.vector_store %arg7[%swap3A_1086], %gather3A_1078 {strides = array<i32>} : memref<16384xf32, #tpu.memory_space<vmem>>, vector<16xf32>,
      } else {
      }
      %jit3A_364 = arith.constant 2 : i32
      %eq3A_365 = arith.constant 0 : i32
      %eq3A_366 = arith.cmpi eq, %jit3A_364, %eq3A_365 : i32
      %jit3A_367 = arith.constant 1 : i32
      %select_n3A_368 = arith.select %eq3A_366, %jit3A_367, %jit3A_364 : i32
      %rem3A_369 = arith.remsi %scan3A_346, %select_n3A_368 : i32
      %ne3A_370 = arith.constant 0 : i32
      %ne3A_371 = arith.cmpi ne, %rem3A_369, %ne3A_370 : i32
      %lt3A_372 = arith.constant 0 : i32
      %lt3A_373 = arith.cmpi slt, %rem3A_369, %lt3A_372 : i32
      %lt3A_374 = arith.constant 0 : i32
      %lt3A_375 = arith.cmpi slt, %select_n3A_368, %lt3A_374 : i32
      %ne3A_376 = arith.xori %lt3A_373, %lt3A_375 : i1
      %and3A_377 = arith.andi %ne3A_376, %ne3A_371 : i1
      %add3A_378 = arith.addi %rem3A_369, %select_n3A_368 : i32
      %select_n3A_379 = arith.select %and3A_377, %add3A_378, %rem3A_369 : i32
      %eq3A_380 = arith.constant 1 : i32
      %eq3A_381 = arith.cmpi eq, %select_n3A_379, %eq3A_380 : i32
      %convert_element_type3A_382 = arith.extui %eq3A_381 : i1 to i32
      %cond3A_383 = arith.constant 0 : i32
      %cond3A_384 = arith.cmpi ne, %convert_element_type3A_382, %cond3A_383 : i32
      scf.if %cond3A_384 {
        %add3A_385 = arith.constant 1 : i32
        %add3A_386 = arith.addi %scan3A_346, %add3A_385 : i32
        %lt3A_387 = arith.constant 64 : i32
        %lt3A_388 = arith.cmpi slt, %add3A_386, %lt3A_387 : i32
        %convert_element_type3A_389 = arith.extui %lt3A_388 : i1 to i32
        %cond3A_390 = arith.constant 0 : i32
        %cond3A_391 = arith.cmpi ne, %convert_element_type3A_389, %cond3A_390 : i32
        scf.if %cond3A_391 {
          %add3A_1088 = arith.constant 1 : i32
          %add3A_1089 = arith.addi %scan3A_346, %add3A_1088 : i32
          %mul3A_1090 = arith.constant 8 : i32
          %mul3A_1091 = arith.muli %add3A_1089, %mul3A_1090 : i32
          %get3A_1092 = arith.index_cast %mul3A_1091 : i32 to index
          %get3A_1093 = tpu.vector_load %arg5[%get3A_1092] {strides = array<i32>} : memref<528xi32, #tpu.memory_space<vmem>>, vector<16xi32>,
          %slice3A_1094 = vector.extract_strided_slice %get3A_1093 {offsets = [0], sizes = [1], strides = [1]} : vector<16xi32> to vector<1xi32>
          %squeeze3A_1095 = vector.extract %slice3A_1094[0] : i32 from vector<1xi32>
          %jit3A_1096 = arith.constant 128 : i32
          %div3A_1097 = arith.divsi %squeeze3A_1095, %jit3A_1096 : i32
          %sign3A_1098 = arith.constant 0 : i32
          %sign3A_1099 = arith.cmpi sgt, %squeeze3A_1095, %sign3A_1098 : i32
          %sign3A_1100 = arith.extui %sign3A_1099 : i1 to i32
          %sign3A_1101 = arith.constant 0 : i32
          %sign3A_1102 = arith.cmpi slt, %squeeze3A_1095, %sign3A_1101 : i32
          %sign3A_1103 = arith.extui %sign3A_1102 : i1 to i32
          %sign3A_1104 = arith.subi %sign3A_1100, %sign3A_1103 : i32
          %sign3A_1105 = arith.constant 0 : i32
          %sign3A_1106 = arith.cmpi sgt, %jit3A_1096, %sign3A_1105 : i32
          %sign3A_1107 = arith.extui %sign3A_1106 : i1 to i32
          %sign3A_1108 = arith.constant 0 : i32
          %sign3A_1109 = arith.cmpi slt, %jit3A_1096, %sign3A_1108 : i32
          %sign3A_1110 = arith.extui %sign3A_1109 : i1 to i32
          %sign3A_1111 = arith.subi %sign3A_1107, %sign3A_1110 : i32
          %ne3A_1112 = arith.cmpi ne, %sign3A_1104, %sign3A_1111 : i32
          %rem3A_1113 = arith.remsi %squeeze3A_1095, %jit3A_1096 : i32
          %ne3A_1114 = arith.constant 0 : i32
          %ne3A_1115 = arith.cmpi ne, %rem3A_1113, %ne3A_1114 : i32
          %and3A_1116 = arith.andi %ne3A_1112, %ne3A_1115 : i1
          %sub3A_1117 = arith.constant 1 : i32
          %sub3A_1118 = arith.subi %div3A_1097, %sub3A_1117 : i32
          %select_n3A_1119 = arith.select %and3A_1116, %sub3A_1118, %div3A_1097 : i32
          %mul3A_1120 = arith.constant 128 : i32
          %mul3A_1121 = arith.muli %select_n3A_1119, %mul3A_1120 : i32
          %multiple_of3A_1122 = tpu.assume_multiple %mul3A_1121, 128 : i32
          %dma_start3A_1123 = arith.constant 0 : i32
          %dma_start3A_1124 = arith.constant 0 : i32
          %dma_start3A_1125 = arith.constant 0 : i32
          %dma_start3A_1126 = arith.constant 0 : i32
          %dma_start3A_1127 = tpu.memref_slice %arg6[%dma_start3A_1123, %dma_start3A_1124, %dma_start3A_1125, %dma_start3A_1126] : memref<2x8x32x128xf32, #tpu.memory_space<vmem>> -> memref<1x1x32x128xf32, #tpu.memory_space<vmem>>
          %dma_start3A_1128 = tpu.memref_squeeze %dma_start3A_1127 : memref<1x1x32x128xf32, #tpu.memory_space<vmem>> -> memref<32x128xf32, #tpu.memory_space<vmem>>
          %dma_start3A_1129 = arith.constant 0 : i32
          %dma_start3A_1130 = tpu.memref_slice %arg3[%dma_start3A_1129, %multiple_of3A_1122] : memref<32x1000000xf32, #tpu.memory_space<hbm>> -> memref<32x128xf32, #tpu.memory_space<hbm>>
          %dma_start3A_1131 = arith.constant 0 : i32
          %dma_start3A_1132 = arith.constant 0 : i32
          %dma_start3A_1133 = tpu.memref_slice %arg6[%dma_start3A_1123, %dma_start3A_1124, %dma_start3A_1131, %dma_start3A_1132] : memref<2x8x32x128xf32, #tpu.memory_space<vmem>> -> memref<1x1x32x128xf32, #tpu.memory_space<vmem>>
          %dma_start3A_1134 = tpu.memref_squeeze %dma_start3A_1133 : memref<1x1x32x128xf32, #tpu.memory_space<vmem>> -> memref<32x128xf32, #tpu.memory_space<vmem>>
          %dma_start3A_1135 = arith.constant 0 : i32
          %dma_start3A_1136 = tpu.memref_slice %arg3[%dma_start3A_1135, %multiple_of3A_1122] : memref<32x1000000xf32, #tpu.memory_space<hbm>> -> memref<32x128xf32, #tpu.memory_space<hbm>>
          tpu.enqueue_dma source(%dma_start3A_1136 : memref<32x128xf32, #tpu.memory_space<hbm>>) target(%dma_start3A_1134 : memref<32x128xf32, #tpu.memory_space<vmem>>) target_semaphore(%arg8 : memref<!tpu.dma_semaphore, #tpu.memory_space<semaphore_mem>>)
          %slice3A_1137 = vector.extract_strided_slice %get3A_1093 {offsets = [1], sizes = [1], strides = [1]} : vector<16xi32> to vector<1xi32>
          %squeeze3A_1138 = vector.extract %slice3A_1137[0] : i32 from vector<1xi32>
          %jit3A_1139 = arith.constant 128 : i32
          %div3A_1140 = arith.divsi %squeeze3A_1138, %jit3A_1139 : i32
          %sign3A_1141 = arith.constant 0 : i32
          %sign3A_1142 = arith.cmpi sgt, %squeeze3A_1138, %sign3A_1141 : i32
          %sign3A_1143 = arith.extui %sign3A_1142 : i1 to i32
          %sign3A_1144 = arith.constant 0 : i32
          %sign3A_1145 = arith.cmpi slt, %squeeze3A_1138, %sign3A_1144 : i32
          %sign3A_1146 = arith.extui %sign3A_1145 : i1 to i32
          %sign3A_1147 = arith.subi %sign3A_1143, %sign3A_1146 : i32
          %sign3A_1148 = arith.constant 0 : i32
          %sign3A_1149 = arith.cmpi sgt, %jit3A_1139, %sign3A_1148 : i32
          %sign3A_1150 = arith.extui %sign3A_1149 : i1 to i32
          %sign3A_1151 = arith.constant 0 : i32
          %sign3A_1152 = arith.cmpi slt, %jit3A_1139, %sign3A_1151 : i32
          %sign3A_1153 = arith.extui %sign3A_1152 : i1 to i32
          %sign3A_1154 = arith.subi %sign3A_1150, %sign3A_1153 : i32
          %ne3A_1155 = arith.cmpi ne, %sign3A_1147, %sign3A_1154 : i32
          %rem3A_1156 = arith.remsi %squeeze3A_1138, %jit3A_1139 : i32
          %ne3A_1157 = arith.constant 0 : i32
          %ne3A_1158 = arith.cmpi ne, %rem3A_1156, %ne3A_1157 : i32
          %and3A_1159 = arith.andi %ne3A_1155, %ne3A_1158 : i1
          %sub3A_1160 = arith.constant 1 : i32
          %sub3A_1161 = arith.subi %div3A_1140, %sub3A_1160 : i32
          %select_n3A_1162 = arith.select %and3A_1159, %sub3A_1161, %div3A_1140 : i32
          %mul3A_1163 = arith.constant 128 : i32
          %mul3A_1164 = arith.muli %select_n3A_1162, %mul3A_1163 : i32
          %multiple_of3A_1165 = tpu.assume_multiple %mul3A_1164, 128 : i32
          %dma_start3A_1166 = arith.constant 0 : i32
          %dma_start3A_1167 = arith.constant 1 : i32
          %dma_start3A_1168 = arith.constant 0 : i32
          %dma_start3A_1169 = arith.constant 0 : i32
          %dma_start3A_1170 = tpu.memref_slice %arg6[%dma_start3A_1166, %dma_start3A_1167, %dma_start3A_1168, %dma_start3A_1169] : memref<2x8x32x128xf32, #tpu.memory_space<vmem>> -> memref<1x1x32x128xf32, #tpu.memory_space<vmem>>
          %dma_start3A_1171 = tpu.memref_squeeze %dma_start3A_1170 : memref<1x1x32x128xf32, #tpu.memory_space<vmem>> -> memref<32x128xf32, #tpu.memory_space<vmem>>
          %dma_start3A_1172 = arith.constant 0 : i32
          %dma_start3A_1173 = tpu.memref_slice %arg3[%dma_start3A_1172, %multiple_of3A_1165] : memref<32x1000000xf32, #tpu.memory_space<hbm>> -> memref<32x128xf32, #tpu.memory_space<hbm>>
          %dma_start3A_1174 = arith.constant 0 : i32
          %dma_start3A_1175 = arith.constant 0 : i32
          %dma_start3A_1176 = tpu.memref_slice %arg6[%dma_start3A_1166, %dma_start3A_1167, %dma_start3A_1174, %dma_start3A_1175] : memref<2x8x32x128xf32, #tpu.memory_space<vmem>> -> memref<1x1x32x128xf32, #tpu.memory_space<vmem>>
          %dma_start3A_1177 = tpu.memref_squeeze %dma_start3A_1176 : memref<1x1x32x128xf32, #tpu.memory_space<vmem>> -> memref<32x128xf32, #tpu.memory_space<vmem>>
          %dma_start3A_1178 = arith.constant 0 : i32
          %dma_start3A_1179 = tpu.memref_slice %arg3[%dma_start3A_1178, %multiple_of3A_1165] : memref<32x1000000xf32, #tpu.memory_space<hbm>> -> memref<32x128xf32, #tpu.memory_space<hbm>>
          tpu.enqueue_dma source(%dma_start3A_1179 : memref<32x128xf32, #tpu.memory_space<hbm>>) target(%dma_start3A_1177 : memref<32x128xf32, #tpu.memory_space<vmem>>) target_semaphore(%arg8 : memref<!tpu.dma_semaphore, #tpu.memory_space<semaphore_mem>>)
          %slice3A_1180 = vector.extract_strided_slice %get3A_1093 {offsets = [2], sizes = [1], strides = [1]} : vector<16xi32> to vector<1xi32>
          %squeeze3A_1181 = vector.extract %slice3A_1180[0] : i32 from vector<1xi32>
          %jit3A_1182 = arith.constant 128 : i32
          %div3A_1183 = arith.divsi %squeeze3A_1181, %jit3A_1182 : i32
          %sign3A_1184 = arith.constant 0 : i32
          %sign3A_1185 = arith.cmpi sgt, %squeeze3A_1181, %sign3A_1184 : i32
          %sign3A_1186 = arith.extui %sign3A_1185 : i1 to i32
          %sign3A_1187 = arith.constant 0 : i32
          %sign3A_1188 = arith.cmpi slt, %squeeze3A_1181, %sign3A_1187 : i32
          %sign3A_1189 = arith.extui %sign3A_1188 : i1 to i32
          %sign3A_1190 = arith.subi %sign3A_1186, %sign3A_1189 : i32
          %sign3A_1191 = arith.constant 0 : i32
          %sign3A_1192 = arith.cmpi sgt, %jit3A_1182, %sign3A_1191 : i32
          %sign3A_1193 = arith.extui %sign3A_1192 : i1 to i32
          %sign3A_1194 = arith.constant 0 : i32
          %sign3A_1195 = arith.cmpi slt, %jit3A_1182, %sign3A_1194 : i32
          %sign3A_1196 = arith.extui %sign3A_1195 : i1 to i32
          %sign3A_1197 = arith.subi %sign3A_1193, %sign3A_1196 : i32
          %ne3A_1198 = arith.cmpi ne, %sign3A_1190, %sign3A_1197 : i32
          %rem3A_1199 = arith.remsi %squeeze3A_1181, %jit3A_1182 : i32
          %ne3A_1200 = arith.constant 0 : i32
          %ne3A_1201 = arith.cmpi ne, %rem3A_1199, %ne3A_1200 : i32
          %and3A_1202 = arith.andi %ne3A_1198, %ne3A_1201 : i1
          %sub3A_1203 = arith.constant 1 : i32
          %sub3A_1204 = arith.subi %div3A_1183, %sub3A_1203 : i32
          %select_n3A_1205 = arith.select %and3A_1202, %sub3A_1204, %div3A_1183 : i32
          %mul3A_1206 = arith.constant 128 : i32
          %mul3A_1207 = arith.muli %select_n3A_1205, %mul3A_1206 : i32
          %multiple_of3A_1208 = tpu.assume_multiple %mul3A_1207, 128 : i32
          %dma_start3A_1209 = arith.constant 0 : i32
          %dma_start3A_1210 = arith.constant 2 : i32
          %dma_start3A_1211 = arith.constant 0 : i32
          %dma_start3A_1212 = arith.constant 0 : i32
          %dma_start3A_1213 = tpu.memref_slice %arg6[%dma_start3A_1209, %dma_start3A_1210, %dma_start3A_1211, %dma_start3A_1212] : memref<2x8x32x128xf32, #tpu.memory_space<vmem>> -> memref<1x1x32x128xf32, #tpu.memory_space<vmem>>
          %dma_start3A_1214 = tpu.memref_squeeze %dma_start3A_1213 : memref<1x1x32x128xf32, #tpu.memory_space<vmem>> -> memref<32x128xf32, #tpu.memory_space<vmem>>
          %dma_start3A_1215 = arith.constant 0 : i32
          %dma_start3A_1216 = tpu.memref_slice %arg3[%dma_start3A_1215, %multiple_of3A_1208] : memref<32x1000000xf32, #tpu.memory_space<hbm>> -> memref<32x128xf32, #tpu.memory_space<hbm>>
          %dma_start3A_1217 = arith.constant 0 : i32
          %dma_start3A_1218 = arith.constant 0 : i32
          %dma_start3A_1219 = tpu.memref_slice %arg6[%dma_start3A_1209, %dma_start3A_1210, %dma_start3A_1217, %dma_start3A_1218] : memref<2x8x32x128xf32, #tpu.memory_space<vmem>> -> memref<1x1x32x128xf32, #tpu.memory_space<vmem>>
          %dma_start3A_1220 = tpu.memref_squeeze %dma_start3A_1219 : memref<1x1x32x128xf32, #tpu.memory_space<vmem>> -> memref<32x128xf32, #tpu.memory_space<vmem>>
          %dma_start3A_1221 = arith.constant 0 : i32
          %dma_start3A_1222 = tpu.memref_slice %arg3[%dma_start3A_1221, %multiple_of3A_1208] : memref<32x1000000xf32, #tpu.memory_space<hbm>> -> memref<32x128xf32, #tpu.memory_space<hbm>>
          tpu.enqueue_dma source(%dma_start3A_1222 : memref<32x128xf32, #tpu.memory_space<hbm>>) target(%dma_start3A_1220 : memref<32x128xf32, #tpu.memory_space<vmem>>) target_semaphore(%arg8 : memref<!tpu.dma_semaphore, #tpu.memory_space<semaphore_mem>>)
          %slice3A_1223 = vector.extract_strided_slice %get3A_1093 {offsets = [3], sizes = [1], strides = [1]} : vector<16xi32> to vector<1xi32>
          %squeeze3A_1224 = vector.extract %slice3A_1223[0] : i32 from vector<1xi32>
          %jit3A_1225 = arith.constant 128 : i32
          %div3A_1226 = arith.divsi %squeeze3A_1224, %jit3A_1225 : i32
          %sign3A_1227 = arith.constant 0 : i32
          %sign3A_1228 = arith.cmpi sgt, %squeeze3A_1224, %sign3A_1227 : i32
          %sign3A_1229 = arith.extui %sign3A_1228 : i1 to i32
          %sign3A_1230 = arith.constant 0 : i32
          %sign3A_1231 = arith.cmpi slt, %squeeze3A_1224, %sign3A_1230 : i32
          %sign3A_1232 = arith.extui %sign3A_1231 : i1 to i32
          %sign3A_1233 = arith.subi %sign3A_1229, %sign3A_1232 : i32
          %sign3A_1234 = arith.constant 0 : i32
          %sign3A_1235 = arith.cmpi sgt, %jit3A_1225, %sign3A_1234 : i32
          %sign3A_1236 = arith.extui %sign3A_1235 : i1 to i32
          %sign3A_1237 = arith.constant 0 : i32
          %sign3A_1238 = arith.cmpi slt, %jit3A_1225, %sign3A_1237 : i32
          %sign3A_1239 = arith.extui %sign3A_1238 : i1 to i32
          %sign3A_1240 = arith.subi %sign3A_1236, %sign3A_1239 : i32
          %ne3A_1241 = arith.cmpi ne, %sign3A_1233, %sign3A_1240 : i32
          %rem3A_1242 = arith.remsi %squeeze3A_1224, %jit3A_1225 : i32
          %ne3A_1243 = arith.constant 0 : i32
          %ne3A_1244 = arith.cmpi ne, %rem3A_1242, %ne3A_1243 : i32
          %and3A_1245 = arith.andi %ne3A_1241, %ne3A_1244 : i1
          %sub3A_1246 = arith.constant 1 : i32
          %sub3A_1247 = arith.subi %div3A_1226, %sub3A_1246 : i32
          %select_n3A_1248 = arith.select %and3A_1245, %sub3A_1247, %div3A_1226 : i32
          %mul3A_1249 = arith.constant 128 : i32
          %mul3A_1250 = arith.muli %select_n3A_1248, %mul3A_1249 : i32
          %multiple_of3A_1251 = tpu.assume_multiple %mul3A_1250, 128 : i32
          %dma_start3A_1252 = arith.constant 0 : i32
          %dma_start3A_1253 = arith.constant 3 : i32
          %dma_start3A_1254 = arith.constant 0 : i32
          %dma_start3A_1255 = arith.constant 0 : i32
          %dma_start3A_1256 = tpu.memref_slice %arg6[%dma_start3A_1252, %dma_start3A_1253, %dma_start3A_1254, %dma_start3A_1255] : memref<2x8x32x128xf32, #tpu.memory_space<vmem>> -> memref<1x1x32x128xf32, #tpu.memory_space<vmem>>
          %dma_start3A_1257 = tpu.memref_squeeze %dma_start3A_1256 : memref<1x1x32x128xf32, #tpu.memory_space<vmem>> -> memref<32x128xf32, #tpu.memory_space<vmem>>
          %dma_start3A_1258 = arith.constant 0 : i32
          %dma_start3A_1259 = tpu.memref_slice %arg3[%dma_start3A_1258, %multiple_of3A_1251] : memref<32x1000000xf32, #tpu.memory_space<hbm>> -> memref<32x128xf32, #tpu.memory_space<hbm>>
          %dma_start3A_1260 = arith.constant 0 : i32
          %dma_start3A_1261 = arith.constant 0 : i32
          %dma_start3A_1262 = tpu.memref_slice %arg6[%dma_start3A_1252, %dma_start3A_1253, %dma_start3A_1260, %dma_start3A_1261] : memref<2x8x32x128xf32, #tpu.memory_space<vmem>> -> memref<1x1x32x128xf32, #tpu.memory_space<vmem>>
          %dma_start3A_1263 = tpu.memref_squeeze %dma_start3A_1262 : memref<1x1x32x128xf32, #tpu.memory_space<vmem>> -> memref<32x128xf32, #tpu.memory_space<vmem>>
          %dma_start3A_1264 = arith.constant 0 : i32
          %dma_start3A_1265 = tpu.memref_slice %arg3[%dma_start3A_1264, %multiple_of3A_1251] : memref<32x1000000xf32, #tpu.memory_space<hbm>> -> memref<32x128xf32, #tpu.memory_space<hbm>>
          tpu.enqueue_dma source(%dma_start3A_1265 : memref<32x128xf32, #tpu.memory_space<hbm>>) target(%dma_start3A_1263 : memref<32x128xf32, #tpu.memory_space<vmem>>) target_semaphore(%arg8 : memref<!tpu.dma_semaphore, #tpu.memory_space<semaphore_mem>>)
          %slice3A_1266 = vector.extract_strided_slice %get3A_1093 {offsets = [4], sizes = [1], strides = [1]} : vector<16xi32> to vector<1xi32>
          %squeeze3A_1267 = vector.extract %slice3A_1266[0] : i32 from vector<1xi32>
          %jit3A_1268 = arith.constant 128 : i32
          %div3A_1269 = arith.divsi %squeeze3A_1267, %jit3A_1268 : i32
          %sign3A_1270 = arith.constant 0 : i32
          %sign3A_1271 = arith.cmpi sgt, %squeeze3A_1267, %sign3A_1270 : i32
          %sign3A_1272 = arith.extui %sign3A_1271 : i1 to i32
          %sign3A_1273 = arith.constant 0 : i32
          %sign3A_1274 = arith.cmpi slt, %squeeze3A_1267, %sign3A_1273 : i32
          %sign3A_1275 = arith.extui %sign3A_1274 : i1 to i32
          %sign3A_1276 = arith.subi %sign3A_1272, %sign3A_1275 : i32
          %sign3A_1277 = arith.constant 0 : i32
          %sign3A_1278 = arith.cmpi sgt, %jit3A_1268, %sign3A_1277 : i32
          %sign3A_1279 = arith.extui %sign3A_1278 : i1 to i32
          %sign3A_1280 = arith.constant 0 : i32
          %sign3A_1281 = arith.cmpi slt, %jit3A_1268, %sign3A_1280 : i32
          %sign3A_1282 = arith.extui %sign3A_1281 : i1 to i32
          %sign3A_1283 = arith.subi %sign3A_1279, %sign3A_1282 : i32
          %ne3A_1284 = arith.cmpi ne, %sign3A_1276, %sign3A_1283 : i32
          %rem3A_1285 = arith.remsi %squeeze3A_1267, %jit3A_1268 : i32
          %ne3A_1286 = arith.constant 0 : i32
          %ne3A_1287 = arith.cmpi ne, %rem3A_1285, %ne3A_1286 : i32
          %and3A_1288 = arith.andi %ne3A_1284, %ne3A_1287 : i1
          %sub3A_1289 = arith.constant 1 : i32
          %sub3A_1290 = arith.subi %div3A_1269, %sub3A_1289 : i32
          %select_n3A_1291 = arith.select %and3A_1288, %sub3A_1290, %div3A_1269 : i32
          %mul3A_1292 = arith.constant 128 : i32
          %mul3A_1293 = arith.muli %select_n3A_1291, %mul3A_1292 : i32
          %multiple_of3A_1294 = tpu.assume_multiple %mul3A_1293, 128 : i32
          %dma_start3A_1295 = arith.constant 0 : i32
          %dma_start3A_1296 = arith.constant 4 : i32
          %dma_start3A_1297 = arith.constant 0 : i32
          %dma_start3A_1298 = arith.constant 0 : i32
          %dma_start3A_1299 = tpu.memref_slice %arg6[%dma_start3A_1295, %dma_start3A_1296, %dma_start3A_1297, %dma_start3A_1298] : memref<2x8x32x128xf32, #tpu.memory_space<vmem>> -> memref<1x1x32x128xf32, #tpu.memory_space<vmem>>
          %dma_start3A_1300 = tpu.memref_squeeze %dma_start3A_1299 : memref<1x1x32x128xf32, #tpu.memory_space<vmem>> -> memref<32x128xf32, #tpu.memory_space<vmem>>
          %dma_start3A_1301 = arith.constant 0 : i32
          %dma_start3A_1302 = tpu.memref_slice %arg3[%dma_start3A_1301, %multiple_of3A_1294] : memref<32x1000000xf32, #tpu.memory_space<hbm>> -> memref<32x128xf32, #tpu.memory_space<hbm>>
          %dma_start3A_1303 = arith.constant 0 : i32
          %dma_start3A_1304 = arith.constant 0 : i32
          %dma_start3A_1305 = tpu.memref_slice %arg6[%dma_start3A_1295, %dma_start3A_1296, %dma_start3A_1303, %dma_start3A_1304] : memref<2x8x32x128xf32, #tpu.memory_space<vmem>> -> memref<1x1x32x128xf32, #tpu.memory_space<vmem>>
          %dma_start3A_1306 = tpu.memref_squeeze %dma_start3A_1305 : memref<1x1x32x128xf32, #tpu.memory_space<vmem>> -> memref<32x128xf32, #tpu.memory_space<vmem>>
          %dma_start3A_1307 = arith.constant 0 : i32
          %dma_start3A_1308 = tpu.memref_slice %arg3[%dma_start3A_1307, %multiple_of3A_1294] : memref<32x1000000xf32, #tpu.memory_space<hbm>> -> memref<32x128xf32, #tpu.memory_space<hbm>>
          tpu.enqueue_dma source(%dma_start3A_1308 : memref<32x128xf32, #tpu.memory_space<hbm>>) target(%dma_start3A_1306 : memref<32x128xf32, #tpu.memory_space<vmem>>) target_semaphore(%arg8 : memref<!tpu.dma_semaphore, #tpu.memory_space<semaphore_mem>>)
          %slice3A_1309 = vector.extract_strided_slice %get3A_1093 {offsets = [5], sizes = [1], strides = [1]} : vector<16xi32> to vector<1xi32>
          %squeeze3A_1310 = vector.extract %slice3A_1309[0] : i32 from vector<1xi32>
          %jit3A_1311 = arith.constant 128 : i32
          %div3A_1312 = arith.divsi %squeeze3A_1310, %jit3A_1311 : i32
          %sign3A_1313 = arith.constant 0 : i32
          %sign3A_1314 = arith.cmpi sgt, %squeeze3A_1310, %sign3A_1313 : i32
          %sign3A_1315 = arith.extui %sign3A_1314 : i1 to i32
          %sign3A_1316 = arith.constant 0 : i32
          %sign3A_1317 = arith.cmpi slt, %squeeze3A_1310, %sign3A_1316 : i32
          %sign3A_1318 = arith.extui %sign3A_1317 : i1 to i32
          %sign3A_1319 = arith.subi %sign3A_1315, %sign3A_1318 : i32
          %sign3A_1320 = arith.constant 0 : i32
          %sign3A_1321 = arith.cmpi sgt, %jit3A_1311, %sign3A_1320 : i32
          %sign3A_1322 = arith.extui %sign3A_1321 : i1 to i32
          %sign3A_1323 = arith.constant 0 : i32
          %sign3A_1324 = arith.cmpi slt, %jit3A_1311, %sign3A_1323 : i32
          %sign3A_1325 = arith.extui %sign3A_1324 : i1 to i32
          %sign3A_1326 = arith.subi %sign3A_1322, %sign3A_1325 : i32
          %ne3A_1327 = arith.cmpi ne, %sign3A_1319, %sign3A_1326 : i32
          %rem3A_1328 = arith.remsi %squeeze3A_1310, %jit3A_1311 : i32
          %ne3A_1329 = arith.constant 0 : i32
          %ne3A_1330 = arith.cmpi ne, %rem3A_1328, %ne3A_1329 : i32
          %and3A_1331 = arith.andi %ne3A_1327, %ne3A_1330 : i1
          %sub3A_1332 = arith.constant 1 : i32
          %sub3A_1333 = arith.subi %div3A_1312, %sub3A_1332 : i32
          %select_n3A_1334 = arith.select %and3A_1331, %sub3A_1333, %div3A_1312 : i32
          %mul3A_1335 = arith.constant 128 : i32
          %mul3A_1336 = arith.muli %select_n3A_1334, %mul3A_1335 : i32
          %multiple_of3A_1337 = tpu.assume_multiple %mul3A_1336, 128 : i32
          %dma_start3A_1338 = arith.constant 0 : i32
          %dma_start3A_1339 = arith.constant 5 : i32
          %dma_start3A_1340 = arith.constant 0 : i32
          %dma_start3A_1341 = arith.constant 0 : i32
          %dma_start3A_1342 = tpu.memref_slice %arg6[%dma_start3A_1338, %dma_start3A_1339, %dma_start3A_1340, %dma_start3A_1341] : memref<2x8x32x128xf32, #tpu.memory_space<vmem>> -> memref<1x1x32x128xf32, #tpu.memory_space<vmem>>
          %dma_start3A_1343 = tpu.memref_squeeze %dma_start3A_1342 : memref<1x1x32x128xf32, #tpu.memory_space<vmem>> -> memref<32x128xf32, #tpu.memory_space<vmem>>
          %dma_start3A_1344 = arith.constant 0 : i32
          %dma_start3A_1345 = tpu.memref_slice %arg3[%dma_start3A_1344, %multiple_of3A_1337] : memref<32x1000000xf32, #tpu.memory_space<hbm>> -> memref<32x128xf32, #tpu.memory_space<hbm>>
          %dma_start3A_1346 = arith.constant 0 : i32
          %dma_start3A_1347 = arith.constant 0 : i32
          %dma_start3A_1348 = tpu.memref_slice %arg6[%dma_start3A_1338, %dma_start3A_1339, %dma_start3A_1346, %dma_start3A_1347] : memref<2x8x32x128xf32, #tpu.memory_space<vmem>> -> memref<1x1x32x128xf32, #tpu.memory_space<vmem>>
          %dma_start3A_1349 = tpu.memref_squeeze %dma_start3A_1348 : memref<1x1x32x128xf32, #tpu.memory_space<vmem>> -> memref<32x128xf32, #tpu.memory_space<vmem>>
          %dma_start3A_1350 = arith.constant 0 : i32
          %dma_start3A_1351 = tpu.memref_slice %arg3[%dma_start3A_1350, %multiple_of3A_1337] : memref<32x1000000xf32, #tpu.memory_space<hbm>> -> memref<32x128xf32, #tpu.memory_space<hbm>>
          tpu.enqueue_dma source(%dma_start3A_1351 : memref<32x128xf32, #tpu.memory_space<hbm>>) target(%dma_start3A_1349 : memref<32x128xf32, #tpu.memory_space<vmem>>) target_semaphore(%arg8 : memref<!tpu.dma_semaphore, #tpu.memory_space<semaphore_mem>>)
          %slice3A_1352 = vector.extract_strided_slice %get3A_1093 {offsets = [6], sizes = [1], strides = [1]} : vector<16xi32> to vector<1xi32>
          %squeeze3A_1353 = vector.extract %slice3A_1352[0] : i32 from vector<1xi32>
          %jit3A_1354 = arith.constant 128 : i32
          %div3A_1355 = arith.divsi %squeeze3A_1353, %jit3A_1354 : i32
          %sign3A_1356 = arith.constant 0 : i32
          %sign3A_1357 = arith.cmpi sgt, %squeeze3A_1353, %sign3A_1356 : i32
          %sign3A_1358 = arith.extui %sign3A_1357 : i1 to i32
          %sign3A_1359 = arith.constant 0 : i32
          %sign3A_1360 = arith.cmpi slt, %squeeze3A_1353, %sign3A_1359 : i32
          %sign3A_1361 = arith.extui %sign3A_1360 : i1 to i32
          %sign3A_1362 = arith.subi %sign3A_1358, %sign3A_1361 : i32
          %sign3A_1363 = arith.constant 0 : i32
          %sign3A_1364 = arith.cmpi sgt, %jit3A_1354, %sign3A_1363 : i32
          %sign3A_1365 = arith.extui %sign3A_1364 : i1 to i32
          %sign3A_1366 = arith.constant 0 : i32
          %sign3A_1367 = arith.cmpi slt, %jit3A_1354, %sign3A_1366 : i32
          %sign3A_1368 = arith.extui %sign3A_1367 : i1 to i32
          %sign3A_1369 = arith.subi %sign3A_1365, %sign3A_1368 : i32
          %ne3A_1370 = arith.cmpi ne, %sign3A_1362, %sign3A_1369 : i32
          %rem3A_1371 = arith.remsi %squeeze3A_1353, %jit3A_1354 : i32
          %ne3A_1372 = arith.constant 0 : i32
          %ne3A_1373 = arith.cmpi ne, %rem3A_1371, %ne3A_1372 : i32
          %and3A_1374 = arith.andi %ne3A_1370, %ne3A_1373 : i1
          %sub3A_1375 = arith.constant 1 : i32
          %sub3A_1376 = arith.subi %div3A_1355, %sub3A_1375 : i32
          %select_n3A_1377 = arith.select %and3A_1374, %sub3A_1376, %div3A_1355 : i32
          %mul3A_1378 = arith.constant 128 : i32
          %mul3A_1379 = arith.muli %select_n3A_1377, %mul3A_1378 : i32
          %multiple_of3A_1380 = tpu.assume_multiple %mul3A_1379, 128 : i32
          %dma_start3A_1381 = arith.constant 0 : i32
          %dma_start3A_1382 = arith.constant 6 : i32
          %dma_start3A_1383 = arith.constant 0 : i32
          %dma_start3A_1384 = arith.constant 0 : i32
          %dma_start3A_1385 = tpu.memref_slice %arg6[%dma_start3A_1381, %dma_start3A_1382, %dma_start3A_1383, %dma_start3A_1384] : memref<2x8x32x128xf32, #tpu.memory_space<vmem>> -> memref<1x1x32x128xf32, #tpu.memory_space<vmem>>
          %dma_start3A_1386 = tpu.memref_squeeze %dma_start3A_1385 : memref<1x1x32x128xf32, #tpu.memory_space<vmem>> -> memref<32x128xf32, #tpu.memory_space<vmem>>
          %dma_start3A_1387 = arith.constant 0 : i32
          %dma_start3A_1388 = tpu.memref_slice %arg3[%dma_start3A_1387, %multiple_of3A_1380] : memref<32x1000000xf32, #tpu.memory_space<hbm>> -> memref<32x128xf32, #tpu.memory_space<hbm>>
          %dma_start3A_1389 = arith.constant 0 : i32
          %dma_start3A_1390 = arith.constant 0 : i32
          %dma_start3A_1391 = tpu.memref_slice %arg6[%dma_start3A_1381, %dma_start3A_1382, %dma_start3A_1389, %dma_start3A_1390] : memref<2x8x32x128xf32, #tpu.memory_space<vmem>> -> memref<1x1x32x128xf32, #tpu.memory_space<vmem>>
          %dma_start3A_1392 = tpu.memref_squeeze %dma_start3A_1391 : memref<1x1x32x128xf32, #tpu.memory_space<vmem>> -> memref<32x128xf32, #tpu.memory_space<vmem>>
          %dma_start3A_1393 = arith.constant 0 : i32
          %dma_start3A_1394 = tpu.memref_slice %arg3[%dma_start3A_1393, %multiple_of3A_1380] : memref<32x1000000xf32, #tpu.memory_space<hbm>> -> memref<32x128xf32, #tpu.memory_space<hbm>>
          tpu.enqueue_dma source(%dma_start3A_1394 : memref<32x128xf32, #tpu.memory_space<hbm>>) target(%dma_start3A_1392 : memref<32x128xf32, #tpu.memory_space<vmem>>) target_semaphore(%arg8 : memref<!tpu.dma_semaphore, #tpu.memory_space<semaphore_mem>>)
          %slice3A_1395 = vector.extract_strided_slice %get3A_1093 {offsets = [7], sizes = [1], strides = [1]} : vector<16xi32> to vector<1xi32>
          %squeeze3A_1396 = vector.extract %slice3A_1395[0] : i32 from vector<1xi32>
          %jit3A_1397 = arith.constant 128 : i32
          %div3A_1398 = arith.divsi %squeeze3A_1396, %jit3A_1397 : i32
          %sign3A_1399 = arith.constant 0 : i32
          %sign3A_1400 = arith.cmpi sgt, %squeeze3A_1396, %sign3A_1399 : i32
          %sign3A_1401 = arith.extui %sign3A_1400 : i1 to i32
          %sign3A_1402 = arith.constant 0 : i32
          %sign3A_1403 = arith.cmpi slt, %squeeze3A_1396, %sign3A_1402 : i32
          %sign3A_1404 = arith.extui %sign3A_1403 : i1 to i32
          %sign3A_1405 = arith.subi %sign3A_1401, %sign3A_1404 : i32
          %sign3A_1406 = arith.constant 0 : i32
          %sign3A_1407 = arith.cmpi sgt, %jit3A_1397, %sign3A_1406 : i32
          %sign3A_1408 = arith.extui %sign3A_1407 : i1 to i32
          %sign3A_1409 = arith.constant 0 : i32
          %sign3A_1410 = arith.cmpi slt, %jit3A_1397, %sign3A_1409 : i32
          %sign3A_1411 = arith.extui %sign3A_1410 : i1 to i32
          %sign3A_1412 = arith.subi %sign3A_1408, %sign3A_1411 : i32
          %ne3A_1413 = arith.cmpi ne, %sign3A_1405, %sign3A_1412 : i32
          %rem3A_1414 = arith.remsi %squeeze3A_1396, %jit3A_1397 : i32
          %ne3A_1415 = arith.constant 0 : i32
          %ne3A_1416 = arith.cmpi ne, %rem3A_1414, %ne3A_1415 : i32
          %and3A_1417 = arith.andi %ne3A_1413, %ne3A_1416 : i1
          %sub3A_1418 = arith.constant 1 : i32
          %sub3A_1419 = arith.subi %div3A_1398, %sub3A_1418 : i32
          %select_n3A_1420 = arith.select %and3A_1417, %sub3A_1419, %div3A_1398 : i32
          %mul3A_1421 = arith.constant 128 : i32
          %mul3A_1422 = arith.muli %select_n3A_1420, %mul3A_1421 : i32
          %multiple_of3A_1423 = tpu.assume_multiple %mul3A_1422, 128 : i32
          %dma_start3A_1424 = arith.constant 0 : i32
          %dma_start3A_1425 = arith.constant 7 : i32
          %dma_start3A_1426 = arith.constant 0 : i32
          %dma_start3A_1427 = arith.constant 0 : i32
          %dma_start3A_1428 = tpu.memref_slice %arg6[%dma_start3A_1424, %dma_start3A_1425, %dma_start3A_1426, %dma_start3A_1427] : memref<2x8x32x128xf32, #tpu.memory_space<vmem>> -> memref<1x1x32x128xf32, #tpu.memory_space<vmem>>
          %dma_start3A_1429 = tpu.memref_squeeze %dma_start3A_1428 : memref<1x1x32x128xf32, #tpu.memory_space<vmem>> -> memref<32x128xf32, #tpu.memory_space<vmem>>
          %dma_start3A_1430 = arith.constant 0 : i32
          %dma_start3A_1431 = tpu.memref_slice %arg3[%dma_start3A_1430, %multiple_of3A_1423] : memref<32x1000000xf32, #tpu.memory_space<hbm>> -> memref<32x128xf32, #tpu.memory_space<hbm>>
          %dma_start3A_1432 = arith.constant 0 : i32
          %dma_start3A_1433 = arith.constant 0 : i32
          %dma_start3A_1434 = tpu.memref_slice %arg6[%dma_start3A_1424, %dma_start3A_1425, %dma_start3A_1432, %dma_start3A_1433] : memref<2x8x32x128xf32, #tpu.memory_space<vmem>> -> memref<1x1x32x128xf32, #tpu.memory_space<vmem>>
          %dma_start3A_1435 = tpu.memref_squeeze %dma_start3A_1434 : memref<1x1x32x128xf32, #tpu.memory_space<vmem>> -> memref<32x128xf32, #tpu.memory_space<vmem>>
          %dma_start3A_1436 = arith.constant 0 : i32
          %dma_start3A_1437 = tpu.memref_slice %arg3[%dma_start3A_1436, %multiple_of3A_1423] : memref<32x1000000xf32, #tpu.memory_space<hbm>> -> memref<32x128xf32, #tpu.memory_space<hbm>>
          tpu.enqueue_dma source(%dma_start3A_1437 : memref<32x128xf32, #tpu.memory_space<hbm>>) target(%dma_start3A_1435 : memref<32x128xf32, #tpu.memory_space<vmem>>) target_semaphore(%arg8 : memref<!tpu.dma_semaphore, #tpu.memory_space<semaphore_mem>>)
        } else {
        }
        %mul3A_392 = arith.constant 8 : i32
        %mul3A_393 = arith.muli %scan3A_346, %mul3A_392 : i32
        %get3A_394 = arith.index_cast %mul3A_393 : i32 to index
        %get3A_395 = tpu.vector_load %arg5[%get3A_394] {strides = array<i32>} : memref<528xi32, #tpu.memory_space<vmem>>, vector<16xi32>,
        %mul3A_396 = arith.constant 8 : i32
        %mul3A_397 = arith.muli %scan3A_346, %mul3A_396 : i32
        %add3A_398 = arith.constant 0 : i32
        %add3A_399 = arith.addi %mul3A_397, %add3A_398 : i32
        %slice3A_400 = vector.extract_strided_slice %get3A_395 {offsets = [0], sizes = [1], strides = [1]} : vector<16xi32> to vector<1xi32>
        %squeeze3A_401 = vector.extract %slice3A_400[0] : i32 from vector<1xi32>
        %jit3A_402 = arith.constant 128 : i32
        %div3A_403 = arith.divsi %squeeze3A_401, %jit3A_402 : i32
        %sign3A_404 = arith.constant 0 : i32
        %sign3A_405 = arith.cmpi sgt, %squeeze3A_401, %sign3A_404 : i32
        %sign3A_406 = arith.extui %sign3A_405 : i1 to i32
        %sign3A_407 = arith.constant 0 : i32
        %sign3A_408 = arith.cmpi slt, %squeeze3A_401, %sign3A_407 : i32
        %sign3A_409 = arith.extui %sign3A_408 : i1 to i32
        %sign3A_410 = arith.subi %sign3A_406, %sign3A_409 : i32
        %sign3A_411 = arith.constant 0 : i32
        %sign3A_412 = arith.cmpi sgt, %jit3A_402, %sign3A_411 : i32
        %sign3A_413 = arith.extui %sign3A_412 : i1 to i32
        %sign3A_414 = arith.constant 0 : i32
        %sign3A_415 = arith.cmpi slt, %jit3A_402, %sign3A_414 : i32
        %sign3A_416 = arith.extui %sign3A_415 : i1 to i32
        %sign3A_417 = arith.subi %sign3A_413, %sign3A_416 : i32
        %ne3A_418 = arith.cmpi ne, %sign3A_410, %sign3A_417 : i32
        %rem3A_419 = arith.remsi %squeeze3A_401, %jit3A_402 : i32
        %ne3A_420 = arith.constant 0 : i32
        %ne3A_421 = arith.cmpi ne, %rem3A_419, %ne3A_420 : i32
        %and3A_422 = arith.andi %ne3A_418, %ne3A_421 : i1
        %sub3A_423 = arith.constant 1 : i32
        %sub3A_424 = arith.subi %div3A_403, %sub3A_423 : i32
        %select_n3A_425 = arith.select %and3A_422, %sub3A_424, %div3A_403 : i32
        %mul3A_426 = arith.constant 128 : i32
        %mul3A_427 = arith.muli %select_n3A_425, %mul3A_426 : i32
        %multiple_of3A_428 = tpu.assume_multiple %mul3A_427, 128 : i32
        %dma_wait3A = arith.constant 1 : i32
        %dma_wait3A_429 = arith.constant 0 : i32
        %dma_wait3A_430 = arith.constant 0 : i32
        %dma_wait3A_431 = arith.constant 0 : i32
        %dma_wait3A_432 = tpu.memref_slice %arg6[%dma_wait3A, %dma_wait3A_429, %dma_wait3A_430, %dma_wait3A_431] : memref<2x8x32x128xf32, #tpu.memory_space<vmem>> -> memref<1x1x32x128xf32, #tpu.memory_space<vmem>>
        %dma_wait3A_433 = tpu.memref_squeeze %dma_wait3A_432 : memref<1x1x32x128xf32, #tpu.memory_space<vmem>> -> memref<32x128xf32, #tpu.memory_space<vmem>>
        %dma_wait3A_434 = arith.constant 0 : i32
        %dma_wait3A_435 = tpu.memref_slice %arg3[%dma_wait3A_434, %multiple_of3A_428] : memref<32x1000000xf32, #tpu.memory_space<hbm>> -> memref<32x128xf32, #tpu.memory_space<hbm>>
        %dma_wait3A_436 = arith.constant 0 : i32
        %dma_wait3A_437 = arith.constant 0 : i32
        %dma_wait3A_438 = tpu.memref_slice %arg6[%dma_wait3A, %dma_wait3A_429, %dma_wait3A_436, %dma_wait3A_437] : memref<2x8x32x128xf32, #tpu.memory_space<vmem>> -> memref<1x1x32x128xf32, #tpu.memory_space<vmem>>
        %dma_wait3A_439 = tpu.memref_squeeze %dma_wait3A_438 : memref<1x1x32x128xf32, #tpu.memory_space<vmem>> -> memref<32x128xf32, #tpu.memory_space<vmem>>
        %dma_wait3A_440 = arith.constant 0 : i32
        %dma_wait3A_441 = tpu.memref_slice %arg3[%dma_wait3A_440, %multiple_of3A_428] : memref<32x1000000xf32, #tpu.memory_space<hbm>> -> memref<32x128xf32, #tpu.memory_space<hbm>>
        tpu.wait_dma2 semaphore(%arg9 : memref<!tpu.dma_semaphore, #tpu.memory_space<semaphore_mem>>) src(%dma_wait3A_441 : memref<32x128xf32, #tpu.memory_space<hbm>>) dst(%dma_wait3A_439 : memref<32x128xf32, #tpu.memory_space<vmem>>)
        %jit3A_442 = arith.constant 128 : i32
        %eq3A_443 = arith.constant 0 : i32
        %eq3A_444 = arith.cmpi eq, %jit3A_442, %eq3A_443 : i32
        %jit3A_445 = arith.constant 1 : i32
        %select_n3A_446 = arith.select %eq3A_444, %jit3A_445, %jit3A_442 : i32
        %rem3A_447 = arith.remsi %squeeze3A_401, %select_n3A_446 : i32
        %ne3A_448 = arith.constant 0 : i32
        %ne3A_449 = arith.cmpi ne, %rem3A_447, %ne3A_448 : i32
        %lt3A_450 = arith.constant 0 : i32
        %lt3A_451 = arith.cmpi slt, %rem3A_447, %lt3A_450 : i32
        %lt3A_452 = arith.constant 0 : i32
        %lt3A_453 = arith.cmpi slt, %select_n3A_446, %lt3A_452 : i32
        %ne3A_454 = arith.xori %lt3A_451, %lt3A_453 : i1
        %and3A_455 = arith.andi %ne3A_454, %ne3A_449 : i1
        %add3A_456 = arith.addi %rem3A_447, %select_n3A_446 : i32
        %select_n3A_457 = arith.select %and3A_455, %add3A_456, %rem3A_447 : i32
        %broadcast_in_dim3A = vector.broadcast %select_n3A_457 : i32 to vector<16xi32>
        %gather3A = arith.constant 1 : i32
        %gather3A_458 = arith.constant 0 : i32
        %gather3A_459 = arith.constant 0 : i32
        %gather3A_460 = arith.constant 0 : i32
        %gather3A_461 = tpu.memref_slice %arg6[%gather3A, %gather3A_458, %gather3A_459, %gather3A_460] : memref<2x8x32x128xf32, #tpu.memory_space<vmem>> -> memref<1x1x32x128xf32, #tpu.memory_space<vmem>>
        %gather3A_462 = tpu.memref_squeeze %gather3A_461 : memref<1x1x32x128xf32, #tpu.memory_space<vmem>> -> memref<32x128xf32, #tpu.memory_space<vmem>>
        %gather3A_463 = tpu.vector_load_idx %gather3A_462[%iota3A, %broadcast_in_dim3A] : memref<32x128xf32, #tpu.memory_space<vmem>>[vector<16xi32>, vector<16xi32>], vector<16xf32>,
        %gather3A_464 = arith.constant 1 : i32
        %gather3A_465 = arith.constant 0 : i32
        %gather3A_466 = arith.constant 0 : i32
        %gather3A_467 = arith.constant 0 : i32
        %gather3A_468 = tpu.memref_slice %arg6[%gather3A_464, %gather3A_465, %gather3A_466, %gather3A_467] : memref<2x8x32x128xf32, #tpu.memory_space<vmem>> -> memref<1x1x32x128xf32, #tpu.memory_space<vmem>>
        %gather3A_469 = tpu.memref_squeeze %gather3A_468 : memref<1x1x32x128xf32, #tpu.memory_space<vmem>> -> memref<32x128xf32, #tpu.memory_space<vmem>>
        %gather3A_470 = tpu.vector_load_idx %gather3A_469[%add3A_5, %broadcast_in_dim3A] : memref<32x128xf32, #tpu.memory_space<vmem>>[vector<16xi32>, vector<16xi32>], vector<16xf32>,
        %mul3A_471 = arith.constant 32 : i32
        %mul3A_472 = arith.muli %add3A_399, %mul3A_471 : i32
        %multiple_of3A_473 = tpu.assume_multiple %mul3A_472, 32 : i32
        %swap3A = arith.index_cast %multiple_of3A_473 : i32 to index
        %swap3A_474 = tpu.vector_load %arg7[%swap3A] {strides = array<i32>} : memref<16384xf32, #tpu.memory_space<vmem>>, vector<16xf32>,
        tpu.vector_store %arg7[%swap3A], %gather3A_463 {strides = array<i32>} : memref<16384xf32, #tpu.memory_space<vmem>>, vector<16xf32>,
        %add3A_475 = arith.constant 16 : i32
        %add3A_476 = arith.addi %multiple_of3A_473, %add3A_475 : i32
        %swap3A_477 = arith.index_cast %add3A_476 : i32 to index
        %swap3A_478 = tpu.vector_load %arg7[%swap3A_477] {strides = array<i32>} : memref<16384xf32, #tpu.memory_space<vmem>>, vector<16xf32>,
        tpu.vector_store %arg7[%swap3A_477], %gather3A_470 {strides = array<i32>} : memref<16384xf32, #tpu.memory_space<vmem>>, vector<16xf32>,
        %mul3A_479 = arith.constant 8 : i32
        %mul3A_480 = arith.muli %scan3A_346, %mul3A_479 : i32
        %add3A_481 = arith.constant 1 : i32
        %add3A_482 = arith.addi %mul3A_480, %add3A_481 : i32
        %slice3A_483 = vector.extract_strided_slice %get3A_395 {offsets = [1], sizes = [1], strides = [1]} : vector<16xi32> to vector<1xi32>
        %squeeze3A_484 = vector.extract %slice3A_483[0] : i32 from vector<1xi32>
        %jit3A_485 = arith.constant 128 : i32
        %div3A_486 = arith.divsi %squeeze3A_484, %jit3A_485 : i32
        %sign3A_487 = arith.constant 0 : i32
        %sign3A_488 = arith.cmpi sgt, %squeeze3A_484, %sign3A_487 : i32
        %sign3A_489 = arith.extui %sign3A_488 : i1 to i32
        %sign3A_490 = arith.constant 0 : i32
        %sign3A_491 = arith.cmpi slt, %squeeze3A_484, %sign3A_490 : i32
        %sign3A_492 = arith.extui %sign3A_491 : i1 to i32
        %sign3A_493 = arith.subi %sign3A_489, %sign3A_492 : i32
        %sign3A_494 = arith.constant 0 : i32
        %sign3A_495 = arith.cmpi sgt, %jit3A_485, %sign3A_494 : i32
        %sign3A_496 = arith.extui %sign3A_495 : i1 to i32
        %sign3A_497 = arith.constant 0 : i32
        %sign3A_498 = arith.cmpi slt, %jit3A_485, %sign3A_497 : i32
        %sign3A_499 = arith.extui %sign3A_498 : i1 to i32
        %sign3A_500 = arith.subi %sign3A_496, %sign3A_499 : i32
        %ne3A_501 = arith.cmpi ne, %sign3A_493, %sign3A_500 : i32
        %rem3A_502 = arith.remsi %squeeze3A_484, %jit3A_485 : i32
        %ne3A_503 = arith.constant 0 : i32
        %ne3A_504 = arith.cmpi ne, %rem3A_502, %ne3A_503 : i32
        %and3A_505 = arith.andi %ne3A_501, %ne3A_504 : i1
        %sub3A_506 = arith.constant 1 : i32
        %sub3A_507 = arith.subi %div3A_486, %sub3A_506 : i32
        %select_n3A_508 = arith.select %and3A_505, %sub3A_507, %div3A_486 : i32
        %mul3A_509 = arith.constant 128 : i32
        %mul3A_510 = arith.muli %select_n3A_508, %mul3A_509 : i32
        %multiple_of3A_511 = tpu.assume_multiple %mul3A_510, 128 : i32
        %dma_wait3A_512 = arith.constant 1 : i32
        %dma_wait3A_513 = arith.constant 1 : i32
        %dma_wait3A_514 = arith.constant 0 : i32
        %dma_wait3A_515 = arith.constant 0 : i32
        %dma_wait3A_516 = tpu.memref_slice %arg6[%dma_wait3A_512, %dma_wait3A_513, %dma_wait3A_514, %dma_wait3A_515] : memref<2x8x32x128xf32, #tpu.memory_space<vmem>> -> memref<1x1x32x128xf32, #tpu.memory_space<vmem>>
        %dma_wait3A_517 = tpu.memref_squeeze %dma_wait3A_516 : memref<1x1x32x128xf32, #tpu.memory_space<vmem>> -> memref<32x128xf32, #tpu.memory_space<vmem>>
        %dma_wait3A_518 = arith.constant 0 : i32
        %dma_wait3A_519 = tpu.memref_slice %arg3[%dma_wait3A_518, %multiple_of3A_511] : memref<32x1000000xf32, #tpu.memory_space<hbm>> -> memref<32x128xf32, #tpu.memory_space<hbm>>
        %dma_wait3A_520 = arith.constant 0 : i32
        %dma_wait3A_521 = arith.constant 0 : i32
        %dma_wait3A_522 = tpu.memref_slice %arg6[%dma_wait3A_512, %dma_wait3A_513, %dma_wait3A_520, %dma_wait3A_521] : memref<2x8x32x128xf32, #tpu.memory_space<vmem>> -> memref<1x1x32x128xf32, #tpu.memory_space<vmem>>
        %dma_wait3A_523 = tpu.memref_squeeze %dma_wait3A_522 : memref<1x1x32x128xf32, #tpu.memory_space<vmem>> -> memref<32x128xf32, #tpu.memory_space<vmem>>
        %dma_wait3A_524 = arith.constant 0 : i32
        %dma_wait3A_525 = tpu.memref_slice %arg3[%dma_wait3A_524, %multiple_of3A_511] : memref<32x1000000xf32, #tpu.memory_space<hbm>> -> memref<32x128xf32, #tpu.memory_space<hbm>>
        tpu.wait_dma2 semaphore(%arg9 : memref<!tpu.dma_semaphore, #tpu.memory_space<semaphore_mem>>) src(%dma_wait3A_525 : memref<32x128xf32, #tpu.memory_space<hbm>>) dst(%dma_wait3A_523 : memref<32x128xf32, #tpu.memory_space<vmem>>)
        %jit3A_526 = arith.constant 128 : i32
        %eq3A_527 = arith.constant 0 : i32
        %eq3A_528 = arith.cmpi eq, %jit3A_526, %eq3A_527 : i32
        %jit3A_529 = arith.constant 1 : i32
        %select_n3A_530 = arith.select %eq3A_528, %jit3A_529, %jit3A_526 : i32
        %rem3A_531 = arith.remsi %squeeze3A_484, %select_n3A_530 : i32
        %ne3A_532 = arith.constant 0 : i32
        %ne3A_533 = arith.cmpi ne, %rem3A_531, %ne3A_532 : i32
        %lt3A_534 = arith.constant 0 : i32
        %lt3A_535 = arith.cmpi slt, %rem3A_531, %lt3A_534 : i32
        %lt3A_536 = arith.constant 0 : i32
        %lt3A_537 = arith.cmpi slt, %select_n3A_530, %lt3A_536 : i32
        %ne3A_538 = arith.xori %lt3A_535, %lt3A_537 : i1
        %and3A_539 = arith.andi %ne3A_538, %ne3A_533 : i1
        %add3A_540 = arith.addi %rem3A_531, %select_n3A_530 : i32
        %select_n3A_541 = arith.select %and3A_539, %add3A_540, %rem3A_531 : i32
        %broadcast_in_dim3A_542 = vector.broadcast %select_n3A_541 : i32 to vector<16xi32>
        %gather3A_543 = arith.constant 1 : i32
        %gather3A_544 = arith.constant 1 : i32
        %gather3A_545 = arith.constant 0 : i32
        %gather3A_546 = arith.constant 0 : i32
        %gather3A_547 = tpu.memref_slice %arg6[%gather3A_543, %gather3A_544, %gather3A_545, %gather3A_546] : memref<2x8x32x128xf32, #tpu.memory_space<vmem>> -> memref<1x1x32x128xf32, #tpu.memory_space<vmem>>
        %gather3A_548 = tpu.memref_squeeze %gather3A_547 : memref<1x1x32x128xf32, #tpu.memory_space<vmem>> -> memref<32x128xf32, #tpu.memory_space<vmem>>
        %gather3A_549 = tpu.vector_load_idx %gather3A_548[%iota3A, %broadcast_in_dim3A_542] : memref<32x128xf32, #tpu.memory_space<vmem>>[vector<16xi32>, vector<16xi32>], vector<16xf32>,
        %gather3A_550 = arith.constant 1 : i32
        %gather3A_551 = arith.constant 1 : i32
        %gather3A_552 = arith.constant 0 : i32
        %gather3A_553 = arith.constant 0 : i32
        %gather3A_554 = tpu.memref_slice %arg6[%gather3A_550, %gather3A_551, %gather3A_552, %gather3A_553] : memref<2x8x32x128xf32, #tpu.memory_space<vmem>> -> memref<1x1x32x128xf32, #tpu.memory_space<vmem>>
        %gather3A_555 = tpu.memref_squeeze %gather3A_554 : memref<1x1x32x128xf32, #tpu.memory_space<vmem>> -> memref<32x128xf32, #tpu.memory_space<vmem>>
        %gather3A_556 = tpu.vector_load_idx %gather3A_555[%add3A_5, %broadcast_in_dim3A_542] : memref<32x128xf32, #tpu.memory_space<vmem>>[vector<16xi32>, vector<16xi32>], vector<16xf32>,
        %mul3A_557 = arith.constant 32 : i32
        %mul3A_558 = arith.muli %add3A_482, %mul3A_557 : i32
        %multiple_of3A_559 = tpu.assume_multiple %mul3A_558, 32 : i32
        %swap3A_560 = arith.index_cast %multiple_of3A_559 : i32 to index
        %swap3A_561 = tpu.vector_load %arg7[%swap3A_560] {strides = array<i32>} : memref<16384xf32, #tpu.memory_space<vmem>>, vector<16xf32>,
        tpu.vector_store %arg7[%swap3A_560], %gather3A_549 {strides = array<i32>} : memref<16384xf32, #tpu.memory_space<vmem>>, vector<16xf32>,
        %add3A_562 = arith.constant 16 : i32
        %add3A_563 = arith.addi %multiple_of3A_559, %add3A_562 : i32
        %swap3A_564 = arith.index_cast %add3A_563 : i32 to index
        %swap3A_565 = tpu.vector_load %arg7[%swap3A_564] {strides = array<i32>} : memref<16384xf32, #tpu.memory_space<vmem>>, vector<16xf32>,
        tpu.vector_store %arg7[%swap3A_564], %gather3A_556 {strides = array<i32>} : memref<16384xf32, #tpu.memory_space<vmem>>, vector<16xf32>,
        %mul3A_566 = arith.constant 8 : i32
        %mul3A_567 = arith.muli %scan3A_346, %mul3A_566 : i32
        %add3A_568 = arith.constant 2 : i32
        %add3A_569 = arith.addi %mul3A_567, %add3A_568 : i32
        %slice3A_570 = vector.extract_strided_slice %get3A_395 {offsets = [2], sizes = [1], strides = [1]} : vector<16xi32> to vector<1xi32>
        %squeeze3A_571 = vector.extract %slice3A_570[0] : i32 from vector<1xi32>
        %jit3A_572 = arith.constant 128 : i32
        %div3A_573 = arith.divsi %squeeze3A_571, %jit3A_572 : i32
        %sign3A_574 = arith.constant 0 : i32
        %sign3A_575 = arith.cmpi sgt, %squeeze3A_571, %sign3A_574 : i32
        %sign3A_576 = arith.extui %sign3A_575 : i1 to i32
        %sign3A_577 = arith.constant 0 : i32
        %sign3A_578 = arith.cmpi slt, %squeeze3A_571, %sign3A_577 : i32
        %sign3A_579 = arith.extui %sign3A_578 : i1 to i32
        %sign3A_580 = arith.subi %sign3A_576, %sign3A_579 : i32
        %sign3A_581 = arith.constant 0 : i32
        %sign3A_582 = arith.cmpi sgt, %jit3A_572, %sign3A_581 : i32
        %sign3A_583 = arith.extui %sign3A_582 : i1 to i32
        %sign3A_584 = arith.constant 0 : i32
        %sign3A_585 = arith.cmpi slt, %jit3A_572, %sign3A_584 : i32
        %sign3A_586 = arith.extui %sign3A_585 : i1 to i32
        %sign3A_587 = arith.subi %sign3A_583, %sign3A_586 : i32
        %ne3A_588 = arith.cmpi ne, %sign3A_580, %sign3A_587 : i32
        %rem3A_589 = arith.remsi %squeeze3A_571, %jit3A_572 : i32
        %ne3A_590 = arith.constant 0 : i32
        %ne3A_591 = arith.cmpi ne, %rem3A_589, %ne3A_590 : i32
        %and3A_592 = arith.andi %ne3A_588, %ne3A_591 : i1
        %sub3A_593 = arith.constant 1 : i32
        %sub3A_594 = arith.subi %div3A_573, %sub3A_593 : i32
        %select_n3A_595 = arith.select %and3A_592, %sub3A_594, %div3A_573 : i32
        %mul3A_596 = arith.constant 128 : i32
        %mul3A_597 = arith.muli %select_n3A_595, %mul3A_596 : i32
        %multiple_of3A_598 = tpu.assume_multiple %mul3A_597, 128 : i32
        %dma_wait3A_599 = arith.constant 1 : i32
        %dma_wait3A_600 = arith.constant 2 : i32
        %dma_wait3A_601 = arith.constant 0 : i32
        %dma_wait3A_602 = arith.constant 0 : i32
        %dma_wait3A_603 = tpu.memref_slice %arg6[%dma_wait3A_599, %dma_wait3A_600, %dma_wait3A_601, %dma_wait3A_602] : memref<2x8x32x128xf32, #tpu.memory_space<vmem>> -> memref<1x1x32x128xf32, #tpu.memory_space<vmem>>
        %dma_wait3A_604 = tpu.memref_squeeze %dma_wait3A_603 : memref<1x1x32x128xf32, #tpu.memory_space<vmem>> -> memref<32x128xf32, #tpu.memory_space<vmem>>
        %dma_wait3A_605 = arith.constant 0 : i32
        %dma_wait3A_606 = tpu.memref_slice %arg3[%dma_wait3A_605, %multiple_of3A_598] : memref<32x1000000xf32, #tpu.memory_space<hbm>> -> memref<32x128xf32, #tpu.memory_space<hbm>>
        %dma_wait3A_607 = arith.constant 0 : i32
        %dma_wait3A_608 = arith.constant 0 : i32
        %dma_wait3A_609 = tpu.memref_slice %arg6[%dma_wait3A_599, %dma_wait3A_600, %dma_wait3A_607, %dma_wait3A_608] : memref<2x8x32x128xf32, #tpu.memory_space<vmem>> -> memref<1x1x32x128xf32, #tpu.memory_space<vmem>>
        %dma_wait3A_610 = tpu.memref_squeeze %dma_wait3A_609 : memref<1x1x32x128xf32, #tpu.memory_space<vmem>> -> memref<32x128xf32, #tpu.memory_space<vmem>>
        %dma_wait3A_611 = arith.constant 0 : i32
        %dma_wait3A_612 = tpu.memref_slice %arg3[%dma_wait3A_611, %multiple_of3A_598] : memref<32x1000000xf32, #tpu.memory_space<hbm>> -> memref<32x128xf32, #tpu.memory_space<hbm>>
        tpu.wait_dma2 semaphore(%arg9 : memref<!tpu.dma_semaphore, #tpu.memory_space<semaphore_mem>>) src(%dma_wait3A_612 : memref<32x128xf32, #tpu.memory_space<hbm>>) dst(%dma_wait3A_610 : memref<32x128xf32, #tpu.memory_space<vmem>>)
        %jit3A_613 = arith.constant 128 : i32
        %eq3A_614 = arith.constant 0 : i32
        %eq3A_615 = arith.cmpi eq, %jit3A_613, %eq3A_614 : i32
        %jit3A_616 = arith.constant 1 : i32
        %select_n3A_617 = arith.select %eq3A_615, %jit3A_616, %jit3A_613 : i32
        %rem3A_618 = arith.remsi %squeeze3A_571, %select_n3A_617 : i32
        %ne3A_619 = arith.constant 0 : i32
        %ne3A_620 = arith.cmpi ne, %rem3A_618, %ne3A_619 : i32
        %lt3A_621 = arith.constant 0 : i32
        %lt3A_622 = arith.cmpi slt, %rem3A_618, %lt3A_621 : i32
        %lt3A_623 = arith.constant 0 : i32
        %lt3A_624 = arith.cmpi slt, %select_n3A_617, %lt3A_623 : i32
        %ne3A_625 = arith.xori %lt3A_622, %lt3A_624 : i1
        %and3A_626 = arith.andi %ne3A_625, %ne3A_620 : i1
        %add3A_627 = arith.addi %rem3A_618, %select_n3A_617 : i32
        %select_n3A_628 = arith.select %and3A_626, %add3A_627, %rem3A_618 : i32
        %broadcast_in_dim3A_629 = vector.broadcast %select_n3A_628 : i32 to vector<16xi32>
        %gather3A_630 = arith.constant 1 : i32
        %gather3A_631 = arith.constant 2 : i32
        %gather3A_632 = arith.constant 0 : i32
        %gather3A_633 = arith.constant 0 : i32
        %gather3A_634 = tpu.memref_slice %arg6[%gather3A_630, %gather3A_631, %gather3A_632, %gather3A_633] : memref<2x8x32x128xf32, #tpu.memory_space<vmem>> -> memref<1x1x32x128xf32, #tpu.memory_space<vmem>>
        %gather3A_635 = tpu.memref_squeeze %gather3A_634 : memref<1x1x32x128xf32, #tpu.memory_space<vmem>> -> memref<32x128xf32, #tpu.memory_space<vmem>>
        %gather3A_636 = tpu.vector_load_idx %gather3A_635[%iota3A, %broadcast_in_dim3A_629] : memref<32x128xf32, #tpu.memory_space<vmem>>[vector<16xi32>, vector<16xi32>], vector<16xf32>,
        %gather3A_637 = arith.constant 1 : i32
        %gather3A_638 = arith.constant 2 : i32
        %gather3A_639 = arith.constant 0 : i32
        %gather3A_640 = arith.constant 0 : i32
        %gather3A_641 = tpu.memref_slice %arg6[%gather3A_637, %gather3A_638, %gather3A_639, %gather3A_640] : memref<2x8x32x128xf32, #tpu.memory_space<vmem>> -> memref<1x1x32x128xf32, #tpu.memory_space<vmem>>
        %gather3A_642 = tpu.memref_squeeze %gather3A_641 : memref<1x1x32x128xf32, #tpu.memory_space<vmem>> -> memref<32x128xf32, #tpu.memory_space<vmem>>
        %gather3A_643 = tpu.vector_load_idx %gather3A_642[%add3A_5, %broadcast_in_dim3A_629] : memref<32x128xf32, #tpu.memory_space<vmem>>[vector<16xi32>, vector<16xi32>], vector<16xf32>,
        %mul3A_644 = arith.constant 32 : i32
        %mul3A_645 = arith.muli %add3A_569, %mul3A_644 : i32
        %multiple_of3A_646 = tpu.assume_multiple %mul3A_645, 32 : i32
        %swap3A_647 = arith.index_cast %multiple_of3A_646 : i32 to index
        %swap3A_648 = tpu.vector_load %arg7[%swap3A_647] {strides = array<i32>} : memref<16384xf32, #tpu.memory_space<vmem>>, vector<16xf32>,
        tpu.vector_store %arg7[%swap3A_647], %gather3A_636 {strides = array<i32>} : memref<16384xf32, #tpu.memory_space<vmem>>, vector<16xf32>,
        %add3A_649 = arith.constant 16 : i32
        %add3A_650 = arith.addi %multiple_of3A_646, %add3A_649 : i32
        %swap3A_651 = arith.index_cast %add3A_650 : i32 to index
        %swap3A_652 = tpu.vector_load %arg7[%swap3A_651] {strides = array<i32>} : memref<16384xf32, #tpu.memory_space<vmem>>, vector<16xf32>,
        tpu.vector_store %arg7[%swap3A_651], %gather3A_643 {strides = array<i32>} : memref<16384xf32, #tpu.memory_space<vmem>>, vector<16xf32>,
        %mul3A_653 = arith.constant 8 : i32
        %mul3A_654 = arith.muli %scan3A_346, %mul3A_653 : i32
        %add3A_655 = arith.constant 3 : i32
        %add3A_656 = arith.addi %mul3A_654, %add3A_655 : i32
        %slice3A_657 = vector.extract_strided_slice %get3A_395 {offsets = [3], sizes = [1], strides = [1]} : vector<16xi32> to vector<1xi32>
        %squeeze3A_658 = vector.extract %slice3A_657[0] : i32 from vector<1xi32>
        %jit3A_659 = arith.constant 128 : i32
        %div3A_660 = arith.divsi %squeeze3A_658, %jit3A_659 : i32
        %sign3A_661 = arith.constant 0 : i32
        %sign3A_662 = arith.cmpi sgt, %squeeze3A_658, %sign3A_661 : i32
        %sign3A_663 = arith.extui %sign3A_662 : i1 to i32
        %sign3A_664 = arith.constant 0 : i32
        %sign3A_665 = arith.cmpi slt, %squeeze3A_658, %sign3A_664 : i32
        %sign3A_666 = arith.extui %sign3A_665 : i1 to i32
        %sign3A_667 = arith.subi %sign3A_663, %sign3A_666 : i32
        %sign3A_668 = arith.constant 0 : i32
        %sign3A_669 = arith.cmpi sgt, %jit3A_659, %sign3A_668 : i32
        %sign3A_670 = arith.extui %sign3A_669 : i1 to i32
        %sign3A_671 = arith.constant 0 : i32
        %sign3A_672 = arith.cmpi slt, %jit3A_659, %sign3A_671 : i32
        %sign3A_673 = arith.extui %sign3A_672 : i1 to i32
        %sign3A_674 = arith.subi %sign3A_670, %sign3A_673 : i32
        %ne3A_675 = arith.cmpi ne, %sign3A_667, %sign3A_674 : i32
        %rem3A_676 = arith.remsi %squeeze3A_658, %jit3A_659 : i32
        %ne3A_677 = arith.constant 0 : i32
        %ne3A_678 = arith.cmpi ne, %rem3A_676, %ne3A_677 : i32
        %and3A_679 = arith.andi %ne3A_675, %ne3A_678 : i1
        %sub3A_680 = arith.constant 1 : i32
        %sub3A_681 = arith.subi %div3A_660, %sub3A_680 : i32
        %select_n3A_682 = arith.select %and3A_679, %sub3A_681, %div3A_660 : i32
        %mul3A_683 = arith.constant 128 : i32
        %mul3A_684 = arith.muli %select_n3A_682, %mul3A_683 : i32
        %multiple_of3A_685 = tpu.assume_multiple %mul3A_684, 128 : i32
        %dma_wait3A_686 = arith.constant 1 : i32
        %dma_wait3A_687 = arith.constant 3 : i32
        %dma_wait3A_688 = arith.constant 0 : i32
        %dma_wait3A_689 = arith.constant 0 : i32
        %dma_wait3A_690 = tpu.memref_slice %arg6[%dma_wait3A_686, %dma_wait3A_687, %dma_wait3A_688, %dma_wait3A_689] : memref<2x8x32x128xf32, #tpu.memory_space<vmem>> -> memref<1x1x32x128xf32, #tpu.memory_space<vmem>>
        %dma_wait3A_691 = tpu.memref_squeeze %dma_wait3A_690 : memref<1x1x32x128xf32, #tpu.memory_space<vmem>> -> memref<32x128xf32, #tpu.memory_space<vmem>>
        %dma_wait3A_692 = arith.constant 0 : i32
        %dma_wait3A_693 = tpu.memref_slice %arg3[%dma_wait3A_692, %multiple_of3A_685] : memref<32x1000000xf32, #tpu.memory_space<hbm>> -> memref<32x128xf32, #tpu.memory_space<hbm>>
        %dma_wait3A_694 = arith.constant 0 : i32
        %dma_wait3A_695 = arith.constant 0 : i32
        %dma_wait3A_696 = tpu.memref_slice %arg6[%dma_wait3A_686, %dma_wait3A_687, %dma_wait3A_694, %dma_wait3A_695] : memref<2x8x32x128xf32, #tpu.memory_space<vmem>> -> memref<1x1x32x128xf32, #tpu.memory_space<vmem>>
        %dma_wait3A_697 = tpu.memref_squeeze %dma_wait3A_696 : memref<1x1x32x128xf32, #tpu.memory_space<vmem>> -> memref<32x128xf32, #tpu.memory_space<vmem>>
        %dma_wait3A_698 = arith.constant 0 : i32
        %dma_wait3A_699 = tpu.memref_slice %arg3[%dma_wait3A_698, %multiple_of3A_685] : memref<32x1000000xf32, #tpu.memory_space<hbm>> -> memref<32x128xf32, #tpu.memory_space<hbm>>
        tpu.wait_dma2 semaphore(%arg9 : memref<!tpu.dma_semaphore, #tpu.memory_space<semaphore_mem>>) src(%dma_wait3A_699 : memref<32x128xf32, #tpu.memory_space<hbm>>) dst(%dma_wait3A_697 : memref<32x128xf32, #tpu.memory_space<vmem>>)
        %jit3A_700 = arith.constant 128 : i32
        %eq3A_701 = arith.constant 0 : i32
        %eq3A_702 = arith.cmpi eq, %jit3A_700, %eq3A_701 : i32
        %jit3A_703 = arith.constant 1 : i32
        %select_n3A_704 = arith.select %eq3A_702, %jit3A_703, %jit3A_700 : i32
        %rem3A_705 = arith.remsi %squeeze3A_658, %select_n3A_704 : i32
        %ne3A_706 = arith.constant 0 : i32
        %ne3A_707 = arith.cmpi ne, %rem3A_705, %ne3A_706 : i32
        %lt3A_708 = arith.constant 0 : i32
        %lt3A_709 = arith.cmpi slt, %rem3A_705, %lt3A_708 : i32
        %lt3A_710 = arith.constant 0 : i32
        %lt3A_711 = arith.cmpi slt, %select_n3A_704, %lt3A_710 : i32
        %ne3A_712 = arith.xori %lt3A_709, %lt3A_711 : i1
        %and3A_713 = arith.andi %ne3A_712, %ne3A_707 : i1
        %add3A_714 = arith.addi %rem3A_705, %select_n3A_704 : i32
        %select_n3A_715 = arith.select %and3A_713, %add3A_714, %rem3A_705 : i32
        %broadcast_in_dim3A_716 = vector.broadcast %select_n3A_715 : i32 to vector<16xi32>
        %gather3A_717 = arith.constant 1 : i32
        %gather3A_718 = arith.constant 3 : i32
        %gather3A_719 = arith.constant 0 : i32
        %gather3A_720 = arith.constant 0 : i32
        %gather3A_721 = tpu.memref_slice %arg6[%gather3A_717, %gather3A_718, %gather3A_719, %gather3A_720] : memref<2x8x32x128xf32, #tpu.memory_space<vmem>> -> memref<1x1x32x128xf32, #tpu.memory_space<vmem>>
        %gather3A_722 = tpu.memref_squeeze %gather3A_721 : memref<1x1x32x128xf32, #tpu.memory_space<vmem>> -> memref<32x128xf32, #tpu.memory_space<vmem>>
        %gather3A_723 = tpu.vector_load_idx %gather3A_722[%iota3A, %broadcast_in_dim3A_716] : memref<32x128xf32, #tpu.memory_space<vmem>>[vector<16xi32>, vector<16xi32>], vector<16xf32>,
        %gather3A_724 = arith.constant 1 : i32
        %gather3A_725 = arith.constant 3 : i32
        %gather3A_726 = arith.constant 0 : i32
        %gather3A_727 = arith.constant 0 : i32
        %gather3A_728 = tpu.memref_slice %arg6[%gather3A_724, %gather3A_725, %gather3A_726, %gather3A_727] : memref<2x8x32x128xf32, #tpu.memory_space<vmem>> -> memref<1x1x32x128xf32, #tpu.memory_space<vmem>>
        %gather3A_729 = tpu.memref_squeeze %gather3A_728 : memref<1x1x32x128xf32, #tpu.memory_space<vmem>> -> memref<32x128xf32, #tpu.memory_space<vmem>>
        %gather3A_730 = tpu.vector_load_idx %gather3A_729[%add3A_5, %broadcast_in_dim3A_716] : memref<32x128xf32, #tpu.memory_space<vmem>>[vector<16xi32>, vector<16xi32>], vector<16xf32>,
        %mul3A_731 = arith.constant 32 : i32
        %mul3A_732 = arith.muli %add3A_656, %mul3A_731 : i32
        %multiple_of3A_733 = tpu.assume_multiple %mul3A_732, 32 : i32
        %swap3A_734 = arith.index_cast %multiple_of3A_733 : i32 to index
        %swap3A_735 = tpu.vector_load %arg7[%swap3A_734] {strides = array<i32>} : memref<16384xf32, #tpu.memory_space<vmem>>, vector<16xf32>,
        tpu.vector_store %arg7[%swap3A_734], %gather3A_723 {strides = array<i32>} : memref<16384xf32, #tpu.memory_space<vmem>>, vector<16xf32>,
        %add3A_736 = arith.constant 16 : i32
        %add3A_737 = arith.addi %multiple_of3A_733, %add3A_736 : i32
        %swap3A_738 = arith.index_cast %add3A_737 : i32 to index
        %swap3A_739 = tpu.vector_load %arg7[%swap3A_738] {strides = array<i32>} : memref<16384xf32, #tpu.memory_space<vmem>>, vector<16xf32>,
        tpu.vector_store %arg7[%swap3A_738], %gather3A_730 {strides = array<i32>} : memref<16384xf32, #tpu.memory_space<vmem>>, vector<16xf32>,
        %mul3A_740 = arith.constant 8 : i32
        %mul3A_741 = arith.muli %scan3A_346, %mul3A_740 : i32
        %add3A_742 = arith.constant 4 : i32
        %add3A_743 = arith.addi %mul3A_741, %add3A_742 : i32
        %slice3A_744 = vector.extract_strided_slice %get3A_395 {offsets = [4], sizes = [1], strides = [1]} : vector<16xi32> to vector<1xi32>
        %squeeze3A_745 = vector.extract %slice3A_744[0] : i32 from vector<1xi32>
        %jit3A_746 = arith.constant 128 : i32
        %div3A_747 = arith.divsi %squeeze3A_745, %jit3A_746 : i32
        %sign3A_748 = arith.constant 0 : i32
        %sign3A_749 = arith.cmpi sgt, %squeeze3A_745, %sign3A_748 : i32
        %sign3A_750 = arith.extui %sign3A_749 : i1 to i32
        %sign3A_751 = arith.constant 0 : i32
        %sign3A_752 = arith.cmpi slt, %squeeze3A_745, %sign3A_751 : i32
        %sign3A_753 = arith.extui %sign3A_752 : i1 to i32
        %sign3A_754 = arith.subi %sign3A_750, %sign3A_753 : i32
        %sign3A_755 = arith.constant 0 : i32
        %sign3A_756 = arith.cmpi sgt, %jit3A_746, %sign3A_755 : i32
        %sign3A_757 = arith.extui %sign3A_756 : i1 to i32
        %sign3A_758 = arith.constant 0 : i32
        %sign3A_759 = arith.cmpi slt, %jit3A_746, %sign3A_758 : i32
        %sign3A_760 = arith.extui %sign3A_759 : i1 to i32
        %sign3A_761 = arith.subi %sign3A_757, %sign3A_760 : i32
        %ne3A_762 = arith.cmpi ne, %sign3A_754, %sign3A_761 : i32
        %rem3A_763 = arith.remsi %squeeze3A_745, %jit3A_746 : i32
        %ne3A_764 = arith.constant 0 : i32
        %ne3A_765 = arith.cmpi ne, %rem3A_763, %ne3A_764 : i32
        %and3A_766 = arith.andi %ne3A_762, %ne3A_765 : i1
        %sub3A_767 = arith.constant 1 : i32
        %sub3A_768 = arith.subi %div3A_747, %sub3A_767 : i32
        %select_n3A_769 = arith.select %and3A_766, %sub3A_768, %div3A_747 : i32
        %mul3A_770 = arith.constant 128 : i32
        %mul3A_771 = arith.muli %select_n3A_769, %mul3A_770 : i32
        %multiple_of3A_772 = tpu.assume_multiple %mul3A_771, 128 : i32
        %dma_wait3A_773 = arith.constant 1 : i32
        %dma_wait3A_774 = arith.constant 4 : i32
        %dma_wait3A_775 = arith.constant 0 : i32
        %dma_wait3A_776 = arith.constant 0 : i32
        %dma_wait3A_777 = tpu.memref_slice %arg6[%dma_wait3A_773, %dma_wait3A_774, %dma_wait3A_775, %dma_wait3A_776] : memref<2x8x32x128xf32, #tpu.memory_space<vmem>> -> memref<1x1x32x128xf32, #tpu.memory_space<vmem>>
        %dma_wait3A_778 = tpu.memref_squeeze %dma_wait3A_777 : memref<1x1x32x128xf32, #tpu.memory_space<vmem>> -> memref<32x128xf32, #tpu.memory_space<vmem>>
        %dma_wait3A_779 = arith.constant 0 : i32
        %dma_wait3A_780 = tpu.memref_slice %arg3[%dma_wait3A_779, %multiple_of3A_772] : memref<32x1000000xf32, #tpu.memory_space<hbm>> -> memref<32x128xf32, #tpu.memory_space<hbm>>
        %dma_wait3A_781 = arith.constant 0 : i32
        %dma_wait3A_782 = arith.constant 0 : i32
        %dma_wait3A_783 = tpu.memref_slice %arg6[%dma_wait3A_773, %dma_wait3A_774, %dma_wait3A_781, %dma_wait3A_782] : memref<2x8x32x128xf32, #tpu.memory_space<vmem>> -> memref<1x1x32x128xf32, #tpu.memory_space<vmem>>
        %dma_wait3A_784 = tpu.memref_squeeze %dma_wait3A_783 : memref<1x1x32x128xf32, #tpu.memory_space<vmem>> -> memref<32x128xf32, #tpu.memory_space<vmem>>
        %dma_wait3A_785 = arith.constant 0 : i32
        %dma_wait3A_786 = tpu.memref_slice %arg3[%dma_wait3A_785, %multiple_of3A_772] : memref<32x1000000xf32, #tpu.memory_space<hbm>> -> memref<32x128xf32, #tpu.memory_space<hbm>>
        tpu.wait_dma2 semaphore(%arg9 : memref<!tpu.dma_semaphore, #tpu.memory_space<semaphore_mem>>) src(%dma_wait3A_786 : memref<32x128xf32, #tpu.memory_space<hbm>>) dst(%dma_wait3A_784 : memref<32x128xf32, #tpu.memory_space<vmem>>)
        %jit3A_787 = arith.constant 128 : i32
        %eq3A_788 = arith.constant 0 : i32
        %eq3A_789 = arith.cmpi eq, %jit3A_787, %eq3A_788 : i32
        %jit3A_790 = arith.constant 1 : i32
        %select_n3A_791 = arith.select %eq3A_789, %jit3A_790, %jit3A_787 : i32
        %rem3A_792 = arith.remsi %squeeze3A_745, %select_n3A_791 : i32
        %ne3A_793 = arith.constant 0 : i32
        %ne3A_794 = arith.cmpi ne, %rem3A_792, %ne3A_793 : i32
        %lt3A_795 = arith.constant 0 : i32
        %lt3A_796 = arith.cmpi slt, %rem3A_792, %lt3A_795 : i32
        %lt3A_797 = arith.constant 0 : i32
        %lt3A_798 = arith.cmpi slt, %select_n3A_791, %lt3A_797 : i32
        %ne3A_799 = arith.xori %lt3A_796, %lt3A_798 : i1
        %and3A_800 = arith.andi %ne3A_799, %ne3A_794 : i1
        %add3A_801 = arith.addi %rem3A_792, %select_n3A_791 : i32
        %select_n3A_802 = arith.select %and3A_800, %add3A_801, %rem3A_792 : i32
        %broadcast_in_dim3A_803 = vector.broadcast %select_n3A_802 : i32 to vector<16xi32>
        %gather3A_804 = arith.constant 1 : i32
        %gather3A_805 = arith.constant 4 : i32
        %gather3A_806 = arith.constant 0 : i32
        %gather3A_807 = arith.constant 0 : i32
        %gather3A_808 = tpu.memref_slice %arg6[%gather3A_804, %gather3A_805, %gather3A_806, %gather3A_807] : memref<2x8x32x128xf32, #tpu.memory_space<vmem>> -> memref<1x1x32x128xf32, #tpu.memory_space<vmem>>
        %gather3A_809 = tpu.memref_squeeze %gather3A_808 : memref<1x1x32x128xf32, #tpu.memory_space<vmem>> -> memref<32x128xf32, #tpu.memory_space<vmem>>
        %gather3A_810 = tpu.vector_load_idx %gather3A_809[%iota3A, %broadcast_in_dim3A_803] : memref<32x128xf32, #tpu.memory_space<vmem>>[vector<16xi32>, vector<16xi32>], vector<16xf32>,
        %gather3A_811 = arith.constant 1 : i32
        %gather3A_812 = arith.constant 4 : i32
        %gather3A_813 = arith.constant 0 : i32
        %gather3A_814 = arith.constant 0 : i32
        %gather3A_815 = tpu.memref_slice %arg6[%gather3A_811, %gather3A_812, %gather3A_813, %gather3A_814] : memref<2x8x32x128xf32, #tpu.memory_space<vmem>> -> memref<1x1x32x128xf32, #tpu.memory_space<vmem>>
        %gather3A_816 = tpu.memref_squeeze %gather3A_815 : memref<1x1x32x128xf32, #tpu.memory_space<vmem>> -> memref<32x128xf32, #tpu.memory_space<vmem>>
        %gather3A_817 = tpu.vector_load_idx %gather3A_816[%add3A_5, %broadcast_in_dim3A_803] : memref<32x128xf32, #tpu.memory_space<vmem>>[vector<16xi32>, vector<16xi32>], vector<16xf32>,
        %mul3A_818 = arith.constant 32 : i32
        %mul3A_819 = arith.muli %add3A_743, %mul3A_818 : i32
        %multiple_of3A_820 = tpu.assume_multiple %mul3A_819, 32 : i32
        %swap3A_821 = arith.index_cast %multiple_of3A_820 : i32 to index
        %swap3A_822 = tpu.vector_load %arg7[%swap3A_821] {strides = array<i32>} : memref<16384xf32, #tpu.memory_space<vmem>>, vector<16xf32>,
        tpu.vector_store %arg7[%swap3A_821], %gather3A_810 {strides = array<i32>} : memref<16384xf32, #tpu.memory_space<vmem>>, vector<16xf32>,
        %add3A_823 = arith.constant 16 : i32
        %add3A_824 = arith.addi %multiple_of3A_820, %add3A_823 : i32
        %swap3A_825 = arith.index_cast %add3A_824 : i32 to index
        %swap3A_826 = tpu.vector_load %arg7[%swap3A_825] {strides = array<i32>} : memref<16384xf32, #tpu.memory_space<vmem>>, vector<16xf32>,
        tpu.vector_store %arg7[%swap3A_825], %gather3A_817 {strides = array<i32>} : memref<16384xf32, #tpu.memory_space<vmem>>, vector<16xf32>,
        %mul3A_827 = arith.constant 8 : i32
        %mul3A_828 = arith.muli %scan3A_346, %mul3A_827 : i32
        %add3A_829 = arith.constant 5 : i32
        %add3A_830 = arith.addi %mul3A_828, %add3A_829 : i32
        %slice3A_831 = vector.extract_strided_slice %get3A_395 {offsets = [5], sizes = [1], strides = [1]} : vector<16xi32> to vector<1xi32>
        %squeeze3A_832 = vector.extract %slice3A_831[0] : i32 from vector<1xi32>
        %jit3A_833 = arith.constant 128 : i32
        %div3A_834 = arith.divsi %squeeze3A_832, %jit3A_833 : i32
        %sign3A_835 = arith.constant 0 : i32
        %sign3A_836 = arith.cmpi sgt, %squeeze3A_832, %sign3A_835 : i32
        %sign3A_837 = arith.extui %sign3A_836 : i1 to i32
        %sign3A_838 = arith.constant 0 : i32
        %sign3A_839 = arith.cmpi slt, %squeeze3A_832, %sign3A_838 : i32
        %sign3A_840 = arith.extui %sign3A_839 : i1 to i32
        %sign3A_841 = arith.subi %sign3A_837, %sign3A_840 : i32
        %sign3A_842 = arith.constant 0 : i32
        %sign3A_843 = arith.cmpi sgt, %jit3A_833, %sign3A_842 : i32
        %sign3A_844 = arith.extui %sign3A_843 : i1 to i32
        %sign3A_845 = arith.constant 0 : i32
        %sign3A_846 = arith.cmpi slt, %jit3A_833, %sign3A_845 : i32
        %sign3A_847 = arith.extui %sign3A_846 : i1 to i32
        %sign3A_848 = arith.subi %sign3A_844, %sign3A_847 : i32
        %ne3A_849 = arith.cmpi ne, %sign3A_841, %sign3A_848 : i32
        %rem3A_850 = arith.remsi %squeeze3A_832, %jit3A_833 : i32
        %ne3A_851 = arith.constant 0 : i32
        %ne3A_852 = arith.cmpi ne, %rem3A_850, %ne3A_851 : i32
        %and3A_853 = arith.andi %ne3A_849, %ne3A_852 : i1
        %sub3A_854 = arith.constant 1 : i32
        %sub3A_855 = arith.subi %div3A_834, %sub3A_854 : i32
        %select_n3A_856 = arith.select %and3A_853, %sub3A_855, %div3A_834 : i32
        %mul3A_857 = arith.constant 128 : i32
        %mul3A_858 = arith.muli %select_n3A_856, %mul3A_857 : i32
        %multiple_of3A_859 = tpu.assume_multiple %mul3A_858, 128 : i32
        %dma_wait3A_860 = arith.constant 1 : i32
        %dma_wait3A_861 = arith.constant 5 : i32
        %dma_wait3A_862 = arith.constant 0 : i32
        %dma_wait3A_863 = arith.constant 0 : i32
        %dma_wait3A_864 = tpu.memref_slice %arg6[%dma_wait3A_860, %dma_wait3A_861, %dma_wait3A_862, %dma_wait3A_863] : memref<2x8x32x128xf32, #tpu.memory_space<vmem>> -> memref<1x1x32x128xf32, #tpu.memory_space<vmem>>
        %dma_wait3A_865 = tpu.memref_squeeze %dma_wait3A_864 : memref<1x1x32x128xf32, #tpu.memory_space<vmem>> -> memref<32x128xf32, #tpu.memory_space<vmem>>
        %dma_wait3A_866 = arith.constant 0 : i32
        %dma_wait3A_867 = tpu.memref_slice %arg3[%dma_wait3A_866, %multiple_of3A_859] : memref<32x1000000xf32, #tpu.memory_space<hbm>> -> memref<32x128xf32, #tpu.memory_space<hbm>>
        %dma_wait3A_868 = arith.constant 0 : i32
        %dma_wait3A_869 = arith.constant 0 : i32
        %dma_wait3A_870 = tpu.memref_slice %arg6[%dma_wait3A_860, %dma_wait3A_861, %dma_wait3A_868, %dma_wait3A_869] : memref<2x8x32x128xf32, #tpu.memory_space<vmem>> -> memref<1x1x32x128xf32, #tpu.memory_space<vmem>>
        %dma_wait3A_871 = tpu.memref_squeeze %dma_wait3A_870 : memref<1x1x32x128xf32, #tpu.memory_space<vmem>> -> memref<32x128xf32, #tpu.memory_space<vmem>>
        %dma_wait3A_872 = arith.constant 0 : i32
        %dma_wait3A_873 = tpu.memref_slice %arg3[%dma_wait3A_872, %multiple_of3A_859] : memref<32x1000000xf32, #tpu.memory_space<hbm>> -> memref<32x128xf32, #tpu.memory_space<hbm>>
        tpu.wait_dma2 semaphore(%arg9 : memref<!tpu.dma_semaphore, #tpu.memory_space<semaphore_mem>>) src(%dma_wait3A_873 : memref<32x128xf32, #tpu.memory_space<hbm>>) dst(%dma_wait3A_871 : memref<32x128xf32, #tpu.memory_space<vmem>>)
        %jit3A_874 = arith.constant 128 : i32
        %eq3A_875 = arith.constant 0 : i32
        %eq3A_876 = arith.cmpi eq, %jit3A_874, %eq3A_875 : i32
        %jit3A_877 = arith.constant 1 : i32
        %select_n3A_878 = arith.select %eq3A_876, %jit3A_877, %jit3A_874 : i32
        %rem3A_879 = arith.remsi %squeeze3A_832, %select_n3A_878 : i32
        %ne3A_880 = arith.constant 0 : i32
        %ne3A_881 = arith.cmpi ne, %rem3A_879, %ne3A_880 : i32
        %lt3A_882 = arith.constant 0 : i32
        %lt3A_883 = arith.cmpi slt, %rem3A_879, %lt3A_882 : i32
        %lt3A_884 = arith.constant 0 : i32
        %lt3A_885 = arith.cmpi slt, %select_n3A_878, %lt3A_884 : i32
        %ne3A_886 = arith.xori %lt3A_883, %lt3A_885 : i1
        %and3A_887 = arith.andi %ne3A_886, %ne3A_881 : i1
        %add3A_888 = arith.addi %rem3A_879, %select_n3A_878 : i32
        %select_n3A_889 = arith.select %and3A_887, %add3A_888, %rem3A_879 : i32
        %broadcast_in_dim3A_890 = vector.broadcast %select_n3A_889 : i32 to vector<16xi32>
        %gather3A_891 = arith.constant 1 : i32
        %gather3A_892 = arith.constant 5 : i32
        %gather3A_893 = arith.constant 0 : i32
        %gather3A_894 = arith.constant 0 : i32
        %gather3A_895 = tpu.memref_slice %arg6[%gather3A_891, %gather3A_892, %gather3A_893, %gather3A_894] : memref<2x8x32x128xf32, #tpu.memory_space<vmem>> -> memref<1x1x32x128xf32, #tpu.memory_space<vmem>>
        %gather3A_896 = tpu.memref_squeeze %gather3A_895 : memref<1x1x32x128xf32, #tpu.memory_space<vmem>> -> memref<32x128xf32, #tpu.memory_space<vmem>>
        %gather3A_897 = tpu.vector_load_idx %gather3A_896[%iota3A, %broadcast_in_dim3A_890] : memref<32x128xf32, #tpu.memory_space<vmem>>[vector<16xi32>, vector<16xi32>], vector<16xf32>,
        %gather3A_898 = arith.constant 1 : i32
        %gather3A_899 = arith.constant 5 : i32
        %gather3A_900 = arith.constant 0 : i32
        %gather3A_901 = arith.constant 0 : i32
        %gather3A_902 = tpu.memref_slice %arg6[%gather3A_898, %gather3A_899, %gather3A_900, %gather3A_901] : memref<2x8x32x128xf32, #tpu.memory_space<vmem>> -> memref<1x1x32x128xf32, #tpu.memory_space<vmem>>
        %gather3A_903 = tpu.memref_squeeze %gather3A_902 : memref<1x1x32x128xf32, #tpu.memory_space<vmem>> -> memref<32x128xf32, #tpu.memory_space<vmem>>
        %gather3A_904 = tpu.vector_load_idx %gather3A_903[%add3A_5, %broadcast_in_dim3A_890] : memref<32x128xf32, #tpu.memory_space<vmem>>[vector<16xi32>, vector<16xi32>], vector<16xf32>,
        %mul3A_905 = arith.constant 32 : i32
        %mul3A_906 = arith.muli %add3A_830, %mul3A_905 : i32
        %multiple_of3A_907 = tpu.assume_multiple %mul3A_906, 32 : i32
        %swap3A_908 = arith.index_cast %multiple_of3A_907 : i32 to index
        %swap3A_909 = tpu.vector_load %arg7[%swap3A_908] {strides = array<i32>} : memref<16384xf32, #tpu.memory_space<vmem>>, vector<16xf32>,
        tpu.vector_store %arg7[%swap3A_908], %gather3A_897 {strides = array<i32>} : memref<16384xf32, #tpu.memory_space<vmem>>, vector<16xf32>,
        %add3A_910 = arith.constant 16 : i32
        %add3A_911 = arith.addi %multiple_of3A_907, %add3A_910 : i32
        %swap3A_912 = arith.index_cast %add3A_911 : i32 to index
        %swap3A_913 = tpu.vector_load %arg7[%swap3A_912] {strides = array<i32>} : memref<16384xf32, #tpu.memory_space<vmem>>, vector<16xf32>,
        tpu.vector_store %arg7[%swap3A_912], %gather3A_904 {strides = array<i32>} : memref<16384xf32, #tpu.memory_space<vmem>>, vector<16xf32>,
        %mul3A_914 = arith.constant 8 : i32
        %mul3A_915 = arith.muli %scan3A_346, %mul3A_914 : i32
        %add3A_916 = arith.constant 6 : i32
        %add3A_917 = arith.addi %mul3A_915, %add3A_916 : i32
        %slice3A_918 = vector.extract_strided_slice %get3A_395 {offsets = [6], sizes = [1], strides = [1]} : vector<16xi32> to vector<1xi32>
        %squeeze3A_919 = vector.extract %slice3A_918[0] : i32 from vector<1xi32>
        %jit3A_920 = arith.constant 128 : i32
        %div3A_921 = arith.divsi %squeeze3A_919, %jit3A_920 : i32
        %sign3A_922 = arith.constant 0 : i32
        %sign3A_923 = arith.cmpi sgt, %squeeze3A_919, %sign3A_922 : i32
        %sign3A_924 = arith.extui %sign3A_923 : i1 to i32
        %sign3A_925 = arith.constant 0 : i32
        %sign3A_926 = arith.cmpi slt, %squeeze3A_919, %sign3A_925 : i32
        %sign3A_927 = arith.extui %sign3A_926 : i1 to i32
        %sign3A_928 = arith.subi %sign3A_924, %sign3A_927 : i32
        %sign3A_929 = arith.constant 0 : i32
        %sign3A_930 = arith.cmpi sgt, %jit3A_920, %sign3A_929 : i32
        %sign3A_931 = arith.extui %sign3A_930 : i1 to i32
        %sign3A_932 = arith.constant 0 : i32
        %sign3A_933 = arith.cmpi slt, %jit3A_920, %sign3A_932 : i32
        %sign3A_934 = arith.extui %sign3A_933 : i1 to i32
        %sign3A_935 = arith.subi %sign3A_931, %sign3A_934 : i32
        %ne3A_936 = arith.cmpi ne, %sign3A_928, %sign3A_935 : i32
        %rem3A_937 = arith.remsi %squeeze3A_919, %jit3A_920 : i32
        %ne3A_938 = arith.constant 0 : i32
        %ne3A_939 = arith.cmpi ne, %rem3A_937, %ne3A_938 : i32
        %and3A_940 = arith.andi %ne3A_936, %ne3A_939 : i1
        %sub3A_941 = arith.constant 1 : i32
        %sub3A_942 = arith.subi %div3A_921, %sub3A_941 : i32
        %select_n3A_943 = arith.select %and3A_940, %sub3A_942, %div3A_921 : i32
        %mul3A_944 = arith.constant 128 : i32
        %mul3A_945 = arith.muli %select_n3A_943, %mul3A_944 : i32
        %multiple_of3A_946 = tpu.assume_multiple %mul3A_945, 128 : i32
        %dma_wait3A_947 = arith.constant 1 : i32
        %dma_wait3A_948 = arith.constant 6 : i32
        %dma_wait3A_949 = arith.constant 0 : i32
        %dma_wait3A_950 = arith.constant 0 : i32
        %dma_wait3A_951 = tpu.memref_slice %arg6[%dma_wait3A_947, %dma_wait3A_948, %dma_wait3A_949, %dma_wait3A_950] : memref<2x8x32x128xf32, #tpu.memory_space<vmem>> -> memref<1x1x32x128xf32, #tpu.memory_space<vmem>>
        %dma_wait3A_952 = tpu.memref_squeeze %dma_wait3A_951 : memref<1x1x32x128xf32, #tpu.memory_space<vmem>> -> memref<32x128xf32, #tpu.memory_space<vmem>>
        %dma_wait3A_953 = arith.constant 0 : i32
        %dma_wait3A_954 = tpu.memref_slice %arg3[%dma_wait3A_953, %multiple_of3A_946] : memref<32x1000000xf32, #tpu.memory_space<hbm>> -> memref<32x128xf32, #tpu.memory_space<hbm>>
        %dma_wait3A_955 = arith.constant 0 : i32
        %dma_wait3A_956 = arith.constant 0 : i32
        %dma_wait3A_957 = tpu.memref_slice %arg6[%dma_wait3A_947, %dma_wait3A_948, %dma_wait3A_955, %dma_wait3A_956] : memref<2x8x32x128xf32, #tpu.memory_space<vmem>> -> memref<1x1x32x128xf32, #tpu.memory_space<vmem>>
        %dma_wait3A_958 = tpu.memref_squeeze %dma_wait3A_957 : memref<1x1x32x128xf32, #tpu.memory_space<vmem>> -> memref<32x128xf32, #tpu.memory_space<vmem>>
        %dma_wait3A_959 = arith.constant 0 : i32
        %dma_wait3A_960 = tpu.memref_slice %arg3[%dma_wait3A_959, %multiple_of3A_946] : memref<32x1000000xf32, #tpu.memory_space<hbm>> -> memref<32x128xf32, #tpu.memory_space<hbm>>
        tpu.wait_dma2 semaphore(%arg9 : memref<!tpu.dma_semaphore, #tpu.memory_space<semaphore_mem>>) src(%dma_wait3A_960 : memref<32x128xf32, #tpu.memory_space<hbm>>) dst(%dma_wait3A_958 : memref<32x128xf32, #tpu.memory_space<vmem>>)
        %jit3A_961 = arith.constant 128 : i32
        %eq3A_962 = arith.constant 0 : i32
        %eq3A_963 = arith.cmpi eq, %jit3A_961, %eq3A_962 : i32
        %jit3A_964 = arith.constant 1 : i32
        %select_n3A_965 = arith.select %eq3A_963, %jit3A_964, %jit3A_961 : i32
        %rem3A_966 = arith.remsi %squeeze3A_919, %select_n3A_965 : i32
        %ne3A_967 = arith.constant 0 : i32
        %ne3A_968 = arith.cmpi ne, %rem3A_966, %ne3A_967 : i32
        %lt3A_969 = arith.constant 0 : i32
        %lt3A_970 = arith.cmpi slt, %rem3A_966, %lt3A_969 : i32
        %lt3A_971 = arith.constant 0 : i32
        %lt3A_972 = arith.cmpi slt, %select_n3A_965, %lt3A_971 : i32
        %ne3A_973 = arith.xori %lt3A_970, %lt3A_972 : i1
        %and3A_974 = arith.andi %ne3A_973, %ne3A_968 : i1
        %add3A_975 = arith.addi %rem3A_966, %select_n3A_965 : i32
        %select_n3A_976 = arith.select %and3A_974, %add3A_975, %rem3A_966 : i32
        %broadcast_in_dim3A_977 = vector.broadcast %select_n3A_976 : i32 to vector<16xi32>
        %gather3A_978 = arith.constant 1 : i32
        %gather3A_979 = arith.constant 6 : i32
        %gather3A_980 = arith.constant 0 : i32
        %gather3A_981 = arith.constant 0 : i32
        %gather3A_982 = tpu.memref_slice %arg6[%gather3A_978, %gather3A_979, %gather3A_980, %gather3A_981] : memref<2x8x32x128xf32, #tpu.memory_space<vmem>> -> memref<1x1x32x128xf32, #tpu.memory_space<vmem>>
        %gather3A_983 = tpu.memref_squeeze %gather3A_982 : memref<1x1x32x128xf32, #tpu.memory_space<vmem>> -> memref<32x128xf32, #tpu.memory_space<vmem>>
        %gather3A_984 = tpu.vector_load_idx %gather3A_983[%iota3A, %broadcast_in_dim3A_977] : memref<32x128xf32, #tpu.memory_space<vmem>>[vector<16xi32>, vector<16xi32>], vector<16xf32>,
        %gather3A_985 = arith.constant 1 : i32
        %gather3A_986 = arith.constant 6 : i32
        %gather3A_987 = arith.constant 0 : i32
        %gather3A_988 = arith.constant 0 : i32
        %gather3A_989 = tpu.memref_slice %arg6[%gather3A_985, %gather3A_986, %gather3A_987, %gather3A_988] : memref<2x8x32x128xf32, #tpu.memory_space<vmem>> -> memref<1x1x32x128xf32, #tpu.memory_space<vmem>>
        %gather3A_990 = tpu.memref_squeeze %gather3A_989 : memref<1x1x32x128xf32, #tpu.memory_space<vmem>> -> memref<32x128xf32, #tpu.memory_space<vmem>>
        %gather3A_991 = tpu.vector_load_idx %gather3A_990[%add3A_5, %broadcast_in_dim3A_977] : memref<32x128xf32, #tpu.memory_space<vmem>>[vector<16xi32>, vector<16xi32>], vector<16xf32>,
        %mul3A_992 = arith.constant 32 : i32
        %mul3A_993 = arith.muli %add3A_917, %mul3A_992 : i32
        %multiple_of3A_994 = tpu.assume_multiple %mul3A_993, 32 : i32
        %swap3A_995 = arith.index_cast %multiple_of3A_994 : i32 to index
        %swap3A_996 = tpu.vector_load %arg7[%swap3A_995] {strides = array<i32>} : memref<16384xf32, #tpu.memory_space<vmem>>, vector<16xf32>,
        tpu.vector_store %arg7[%swap3A_995], %gather3A_984 {strides = array<i32>} : memref<16384xf32, #tpu.memory_space<vmem>>, vector<16xf32>,
        %add3A_997 = arith.constant 16 : i32
        %add3A_998 = arith.addi %multiple_of3A_994, %add3A_997 : i32
        %swap3A_999 = arith.index_cast %add3A_998 : i32 to index
        %swap3A_1000 = tpu.vector_load %arg7[%swap3A_999] {strides = array<i32>} : memref<16384xf32, #tpu.memory_space<vmem>>, vector<16xf32>,
        tpu.vector_store %arg7[%swap3A_999], %gather3A_991 {strides = array<i32>} : memref<16384xf32, #tpu.memory_space<vmem>>, vector<16xf32>,
        %mul3A_1001 = arith.constant 8 : i32
        %mul3A_1002 = arith.muli %scan3A_346, %mul3A_1001 : i32
        %add3A_1003 = arith.constant 7 : i32
        %add3A_1004 = arith.addi %mul3A_1002, %add3A_1003 : i32
        %slice3A_1005 = vector.extract_strided_slice %get3A_395 {offsets = [7], sizes = [1], strides = [1]} : vector<16xi32> to vector<1xi32>
        %squeeze3A_1006 = vector.extract %slice3A_1005[0] : i32 from vector<1xi32>
        %jit3A_1007 = arith.constant 128 : i32
        %div3A_1008 = arith.divsi %squeeze3A_1006, %jit3A_1007 : i32
        %sign3A_1009 = arith.constant 0 : i32
        %sign3A_1010 = arith.cmpi sgt, %squeeze3A_1006, %sign3A_1009 : i32
        %sign3A_1011 = arith.extui %sign3A_1010 : i1 to i32
        %sign3A_1012 = arith.constant 0 : i32
        %sign3A_1013 = arith.cmpi slt, %squeeze3A_1006, %sign3A_1012 : i32
        %sign3A_1014 = arith.extui %sign3A_1013 : i1 to i32
        %sign3A_1015 = arith.subi %sign3A_1011, %sign3A_1014 : i32
        %sign3A_1016 = arith.constant 0 : i32
        %sign3A_1017 = arith.cmpi sgt, %jit3A_1007, %sign3A_1016 : i32
        %sign3A_1018 = arith.extui %sign3A_1017 : i1 to i32
        %sign3A_1019 = arith.constant 0 : i32
        %sign3A_1020 = arith.cmpi slt, %jit3A_1007, %sign3A_1019 : i32
        %sign3A_1021 = arith.extui %sign3A_1020 : i1 to i32
        %sign3A_1022 = arith.subi %sign3A_1018, %sign3A_1021 : i32
        %ne3A_1023 = arith.cmpi ne, %sign3A_1015, %sign3A_1022 : i32
        %rem3A_1024 = arith.remsi %squeeze3A_1006, %jit3A_1007 : i32
        %ne3A_1025 = arith.constant 0 : i32
        %ne3A_1026 = arith.cmpi ne, %rem3A_1024, %ne3A_1025 : i32
        %and3A_1027 = arith.andi %ne3A_1023, %ne3A_1026 : i1
        %sub3A_1028 = arith.constant 1 : i32
        %sub3A_1029 = arith.subi %div3A_1008, %sub3A_1028 : i32
        %select_n3A_1030 = arith.select %and3A_1027, %sub3A_1029, %div3A_1008 : i32
        %mul3A_1031 = arith.constant 128 : i32
        %mul3A_1032 = arith.muli %select_n3A_1030, %mul3A_1031 : i32
        %multiple_of3A_1033 = tpu.assume_multiple %mul3A_1032, 128 : i32
        %dma_wait3A_1034 = arith.constant 1 : i32
        %dma_wait3A_1035 = arith.constant 7 : i32
        %dma_wait3A_1036 = arith.constant 0 : i32
        %dma_wait3A_1037 = arith.constant 0 : i32
        %dma_wait3A_1038 = tpu.memref_slice %arg6[%dma_wait3A_1034, %dma_wait3A_1035, %dma_wait3A_1036, %dma_wait3A_1037] : memref<2x8x32x128xf32, #tpu.memory_space<vmem>> -> memref<1x1x32x128xf32, #tpu.memory_space<vmem>>
        %dma_wait3A_1039 = tpu.memref_squeeze %dma_wait3A_1038 : memref<1x1x32x128xf32, #tpu.memory_space<vmem>> -> memref<32x128xf32, #tpu.memory_space<vmem>>
        %dma_wait3A_1040 = arith.constant 0 : i32
        %dma_wait3A_1041 = tpu.memref_slice %arg3[%dma_wait3A_1040, %multiple_of3A_1033] : memref<32x1000000xf32, #tpu.memory_space<hbm>> -> memref<32x128xf32, #tpu.memory_space<hbm>>
        %dma_wait3A_1042 = arith.constant 0 : i32
        %dma_wait3A_1043 = arith.constant 0 : i32
        %dma_wait3A_1044 = tpu.memref_slice %arg6[%dma_wait3A_1034, %dma_wait3A_1035, %dma_wait3A_1042, %dma_wait3A_1043] : memref<2x8x32x128xf32, #tpu.memory_space<vmem>> -> memref<1x1x32x128xf32, #tpu.memory_space<vmem>>
        %dma_wait3A_1045 = tpu.memref_squeeze %dma_wait3A_1044 : memref<1x1x32x128xf32, #tpu.memory_space<vmem>> -> memref<32x128xf32, #tpu.memory_space<vmem>>
        %dma_wait3A_1046 = arith.constant 0 : i32
        %dma_wait3A_1047 = tpu.memref_slice %arg3[%dma_wait3A_1046, %multiple_of3A_1033] : memref<32x1000000xf32, #tpu.memory_space<hbm>> -> memref<32x128xf32, #tpu.memory_space<hbm>>
        tpu.wait_dma2 semaphore(%arg9 : memref<!tpu.dma_semaphore, #tpu.memory_space<semaphore_mem>>) src(%dma_wait3A_1047 : memref<32x128xf32, #tpu.memory_space<hbm>>) dst(%dma_wait3A_1045 : memref<32x128xf32, #tpu.memory_space<vmem>>)
        %jit3A_1048 = arith.constant 128 : i32
        %eq3A_1049 = arith.constant 0 : i32
        %eq3A_1050 = arith.cmpi eq, %jit3A_1048, %eq3A_1049 : i32
        %jit3A_1051 = arith.constant 1 : i32
        %select_n3A_1052 = arith.select %eq3A_1050, %jit3A_1051, %jit3A_1048 : i32
        %rem3A_1053 = arith.remsi %squeeze3A_1006, %select_n3A_1052 : i32
        %ne3A_1054 = arith.constant 0 : i32
        %ne3A_1055 = arith.cmpi ne, %rem3A_1053, %ne3A_1054 : i32
        %lt3A_1056 = arith.constant 0 : i32
        %lt3A_1057 = arith.cmpi slt, %rem3A_1053, %lt3A_1056 : i32
        %lt3A_1058 = arith.constant 0 : i32
        %lt3A_1059 = arith.cmpi slt, %select_n3A_1052, %lt3A_1058 : i32
        %ne3A_1060 = arith.xori %lt3A_1057, %lt3A_1059 : i1
        %and3A_1061 = arith.andi %ne3A_1060, %ne3A_1055 : i1
        %add3A_1062 = arith.addi %rem3A_1053, %select_n3A_1052 : i32
        %select_n3A_1063 = arith.select %and3A_1061, %add3A_1062, %rem3A_1053 : i32
        %broadcast_in_dim3A_1064 = vector.broadcast %select_n3A_1063 : i32 to vector<16xi32>
        %gather3A_1065 = arith.constant 1 : i32
        %gather3A_1066 = arith.constant 7 : i32
        %gather3A_1067 = arith.constant 0 : i32
        %gather3A_1068 = arith.constant 0 : i32
        %gather3A_1069 = tpu.memref_slice %arg6[%gather3A_1065, %gather3A_1066, %gather3A_1067, %gather3A_1068] : memref<2x8x32x128xf32, #tpu.memory_space<vmem>> -> memref<1x1x32x128xf32, #tpu.memory_space<vmem>>
        %gather3A_1070 = tpu.memref_squeeze %gather3A_1069 : memref<1x1x32x128xf32, #tpu.memory_space<vmem>> -> memref<32x128xf32, #tpu.memory_space<vmem>>
        %gather3A_1071 = tpu.vector_load_idx %gather3A_1070[%iota3A, %broadcast_in_dim3A_1064] : memref<32x128xf32, #tpu.memory_space<vmem>>[vector<16xi32>, vector<16xi32>], vector<16xf32>,
        %gather3A_1072 = arith.constant 1 : i32
        %gather3A_1073 = arith.constant 7 : i32
        %gather3A_1074 = arith.constant 0 : i32
        %gather3A_1075 = arith.constant 0 : i32
        %gather3A_1076 = tpu.memref_slice %arg6[%gather3A_1072, %gather3A_1073, %gather3A_1074, %gather3A_1075] : memref<2x8x32x128xf32, #tpu.memory_space<vmem>> -> memref<1x1x32x128xf32, #tpu.memory_space<vmem>>
        %gather3A_1077 = tpu.memref_squeeze %gather3A_1076 : memref<1x1x32x128xf32, #tpu.memory_space<vmem>> -> memref<32x128xf32, #tpu.memory_space<vmem>>
        %gather3A_1078 = tpu.vector_load_idx %gather3A_1077[%add3A_5, %broadcast_in_dim3A_1064] : memref<32x128xf32, #tpu.memory_space<vmem>>[vector<16xi32>, vector<16xi32>], vector<16xf32>,
        %mul3A_1079 = arith.constant 32 : i32
        %mul3A_1080 = arith.muli %add3A_1004, %mul3A_1079 : i32
        %multiple_of3A_1081 = tpu.assume_multiple %mul3A_1080, 32 : i32
        %swap3A_1082 = arith.index_cast %multiple_of3A_1081 : i32 to index
        %swap3A_1083 = tpu.vector_load %arg7[%swap3A_1082] {strides = array<i32>} : memref<16384xf32, #tpu.memory_space<vmem>>, vector<16xf32>,
        tpu.vector_store %arg7[%swap3A_1082], %gather3A_1071 {strides = array<i32>} : memref<16384xf32, #tpu.memory_space<vmem>>, vector<16xf32>,
        %add3A_1084 = arith.constant 16 : i32
        %add3A_1085 = arith.addi %multiple_of3A_1081, %add3A_1084 : i32
        %swap3A_1086 = arith.index_cast %add3A_1085 : i32 to index
        %swap3A_1087 = tpu.vector_load %arg7[%swap3A_1086] {strides = array<i32>} : memref<16384xf32, #tpu.memory_space<vmem>>, vector<16xf32>,
        tpu.vector_store %arg7[%swap3A_1086], %gather3A_1078 {strides = array<i32>} : memref<16384xf32, #tpu.memory_space<vmem>>, vector<16xf32>,
      } else {
      }
    }
    %scan3A_343 = arith.constant 64 : i32
    %mul3A_344 = arith.constant 32 : i32
    %mul3A_345 = arith.muli %mul3A_2, %mul3A_344 : i32
    "tpu.region"() ({
      %run_scoped3A = tpu.sem_alloc : memref<!tpu.dma_semaphore, #tpu.memory_space<semaphore_mem>>
      %dma_start3A_346 = tpu.memref_slice %arg4[%mul3A_345] : memref<524288xf32, #tpu.memory_space<hbm>> -> memref<16384xf32, #tpu.memory_space<hbm>>
      %dma_start3A_347 = tpu.memref_slice %arg4[%mul3A_345] : memref<524288xf32, #tpu.memory_space<hbm>> -> memref<16384xf32, #tpu.memory_space<hbm>>
      tpu.enqueue_dma source(%arg7 : memref<16384xf32, #tpu.memory_space<vmem>>) target(%dma_start3A_347 : memref<16384xf32, #tpu.memory_space<hbm>>) target_semaphore(%run_scoped3A : memref<!tpu.dma_semaphore, #tpu.memory_space<semaphore_mem>>)
      %dma_wait3A = tpu.memref_slice %arg4[%mul3A_345] : memref<524288xf32, #tpu.memory_space<hbm>> -> memref<16384xf32, #tpu.memory_space<hbm>>
      %dma_wait3A_348 = tpu.memref_slice %arg4[%mul3A_345] : memref<524288xf32, #tpu.memory_space<hbm>> -> memref<16384xf32, #tpu.memory_space<hbm>>
      tpu.wait_dma2 semaphore(%run_scoped3A : memref<!tpu.dma_semaphore, #tpu.memory_space<semaphore_mem>>) src(%arg7 : memref<16384xf32, #tpu.memory_space<vmem>>) dst(%dma_wait3A_348 : memref<16384xf32, #tpu.memory_space<hbm>>)
      tpu.yield
    }) : () -> ()
    return
  }
}

</mosaic_0001>

<sc_bundles>
// kernel: kernel.3.cloned.1.call-start
scs
__scs_entry_jumppad:
0x0: {  	(pc) =	sbr.rel $0x88, $3  }
0x1: {  	(tag) =	ssettag $0x0;
	lr =	simm.s32 $0x1  }
0x2: {  	[smem:$0x3F9F] =	sst lr;
	_ =	strace $0xD0000000  }
0x3: {  	_ = 	snop  }
0x4: {  	_ = 	snop  }
0x5: {  	_ = 	snop  }
0x6: {  	_ = 	snop  }
0x7: {  	_ = 	snop  }
__scs_overlays_trampoline_lowered:
0x8: {  	[smem:$0x3FAE] =	sst s0  }
0x9: {  	[smem:$0x3FAF] =	sst s1  }
0xa: {  	[smem:$0x3FB0] =	sst s2  }
0xb: {  	[smem:$0x3FB1] =	sst s3  }
0xc: {  	[smem:$0x3FB2] =	sst s4  }
0xd: {  	[smem:$0x3FB3] =	sst s5  }
0xe: {  	[smem:$0x3FB4] =	sst s6  }
0xf: {  	[smem:$0x3FB5] =	sst s7  }
0x10: {  	[smem:$0x3FB6] =	sst s8  }
0x11: {  	[smem:$0x3FB7] =	sst s9;
	s0 =	simm.s32 @!p0 $0x0  }
0x12: {  	s1 =	sld [smem:$0x3F9D];
	s0 =	simm.s32 @p0 $0x1  }
0x13: {  	[smem:$0x3FB8] =	sst s0;
	s0 =	simm.s32 @!p1 $0x0  }
0x14: {  	s2 =	sld [smem:$0x3F9C];
	s0 =	simm.s32 @p1 $0x1  }
0x15: {  	[smem:$0x3FB9] =	sst s0;
	s0 =	simm.s32 @!p2 $0x0  }
0x16: {  	s3 =	sld [smem:$0x3FDB];
	s0 =	simm.s32 @p2 $0x1  }
0x17: {  	s4 =	simm.s32 $0x1BF5;
	[smem:$0x3FBB] =	sst s0  }
0x18: {  	s0 =	sld [smem:$0x3F9E];
	_ =	swait.ge [sflag:s4], $0x0  }
0x19: {  	s7 =	sld [smem:$0x3F9F]  }
0x1a: {  	s8 =	sadd.s32 $0xFFFFE003, lr  }
0x1b: {  	s9 =	sadd.s32 $0xFFFFFEF7, lr;
	s5 =	simm.s32 $0xFFFFFFFF;
	p2 =	slt.u32 s8, $0xFFFFF086  }
0x1c: {  	p1 =	slt.u32 s9, $0xF7A;
	s5 =	simm.s32 @!p2 $0x0  }
0x1d: {  	s5 =	simm.s32 @p1 $0x1;
	p0 =	seq.s32 s7, s2  }
0x1e: {  	s7 =	smul.u32 @!p0 $0xF7A, s2;
	p2 =	seq.s32 @!p0 s5, $0x0  }
0x1f: {  	s9 =	smul.u32 $0xF7A, s1;
	s8 =	simm.s32 @!p0 $0x1BF5;
	p2 =	por !p2, p0  }
0x20: {  	[sflag:s8] =	ssyncset.s32 @!p0 $0xFFFFF086;
	s6 =	sadd.s32 @!p0 s3, s7;
	s7 =	simm.s32 @!p0 $0x108  }
0x21: {  	s3 =	sadd.s32 s3, s9;
	s6 =	sadd.s32 @!p0 $0x88, s6;
	s7 =	simm.s32 @p2 $0x1082  }
0x22: {  	[simem:s7], [sflag:s8] =	dma.local @!p0 [hbm:s6], $0xF7A  }
0x23: {  	s9 =	sor.u32 $0xD0000000, s2;
	s6 =	simm.s32 $0x108;
	_ =	swait.ge @!p0 [sflag:s8], $0x0  }
0x24: {  	s3 =	sadd.s32 $0x88, s3;
	s6 =	simm.s32 @!p1 $0x1082;
	[sflag:s4] =	ssyncset.s32 $0xFFFFF086  }
0x25: {  	[simem:s6], [sflag:s4] =	dma.local [hbm:s3], $0xF7A  }
0x26: {  	[smem:$0x3F9F] =	sst s1;
	(tag) =	ssettag s2;
	_ =	strace s9  }
0x27: {  	s1 =	sld [smem:$0x3FAF]  }
0x28: {  	s2 =	sld [smem:$0x3FB0]  }
0x29: {  	s4 =	sld [smem:$0x3FB2]  }
0x2a: {  	p0 =	seq.s32 s5, $0x0;
	s5 =	sld [smem:$0x3FB3]  }
0x2b: {  	s6 =	sld [smem:$0x3FB4]  }
0x2c: {  	s7 =	sld [smem:$0x3FB5]  }
0x2d: {  	s3 =	simm.s32 $0x108;
	s8 =	sld [smem:$0x3FB6]  }
0x2e: {  	s3 =	simm.s32 @!p0 $0x1082;
	s9 =	sld [smem:$0x3FB7]  }
0x2f: {  	lr =	sadd.s32 s0, s3;
	s0 =	sld [smem:$0x3FAE]  }
0x30: {  	s3 =	sld [smem:$0x3FB1]  }
0x31: {  	[smem:$0x3FBA] =	sst s10  }
0x32: {  	s10 =	sld [smem:$0x3FB8];
	_ =	sdelay $0x3  }
0x33: {  	p0 =	seq.s32 s10, $0x1;
	s10 =	sld [smem:$0x3FBA];
	_ =	sdelay $0x3  }
0x34: {  	[smem:$0x3FBA] =	sst s10  }
0x35: {  	s10 =	sld [smem:$0x3FB9];
	_ =	sdelay $0x3  }
0x36: {  	p1 =	seq.s32 s10, $0x1;
	s10 =	sld [smem:$0x3FBA];
	_ =	sdelay $0x3  }
0x37: {  	[smem:$0x3FBA] =	sst s10  }
0x38: {  	s10 =	sld [smem:$0x3FBB]  }
0x39: {  	_ = 	snop;
	(pc) =	sbr.ind lr, $3  }
0x3a: {  	_ = 	snop  }
0x3b: {  	_ = 	snop  }
0x3c: {  	p2 =	seq.s32 s10, $0x1;
	s10 =	sld [smem:$0x3FBA]  }
0x3d: {  	_ =	shalt  }
0x3e: {  	_ =	shalt  }
0x3f: {  	_ =	shalt  }
0x40: {  	_ =	shalt  }
0x41: {  	_ =	shalt  }
0x42: {  	_ =	shalt  }
0x43: {  	_ =	shalt  }
0x44: {  	_ =	shalt  }
0x45: {  	_ =	shalt  }
0x46: {  	_ =	shalt  }
0x47: {  	_ =	shalt  }
0x48: {  	_ =	shalt  }
0x49: {  	_ =	shalt  }
0x4a: {  	_ =	shalt  }
0x4b: {  	_ =	shalt  }
0x4c: {  	_ =	shalt  }
0x4d: {  	_ =	shalt  }
0x4e: {  	_ =	shalt  }
0x4f: {  	_ =	shalt  }
0x50: {  	_ =	shalt  }
0x51: {  	_ =	shalt  }
0x52: {  	_ =	shalt  }
0x53: {  	_ =	shalt  }
0x54: {  	_ =	shalt  }
0x55: {  	_ =	shalt  }
0x56: {  	_ =	shalt  }
0x57: {  	_ =	shalt  }
0x58: {  	_ =	shalt  }
0x59: {  	_ =	shalt  }
0x5a: {  	_ =	shalt  }
0x5b: {  	_ =	shalt  }
0x5c: {  	_ =	shalt  }
0x5d: {  	_ =	shalt  }
0x5e: {  	_ =	shalt  }
0x5f: {  	_ =	shalt  }
0x60: {  	_ =	shalt  }
0x61: {  	_ =	shalt  }
0x62: {  	_ =	shalt  }
0x63: {  	_ =	shalt  }
0x64: {  	_ =	shalt  }
0x65: {  	_ =	shalt  }
0x66: {  	_ =	shalt  }
0x67: {  	_ =	shalt  }
0x68: {  	_ =	shalt  }
0x69: {  	_ =	shalt  }
0x6a: {  	_ =	shalt  }
0x6b: {  	_ =	shalt  }
0x6c: {  	_ =	shalt  }
0x6d: {  	_ =	shalt  }
0x6e: {  	_ =	shalt  }
0x6f: {  	_ =	shalt  }
0x70: {  	_ =	shalt  }
0x71: {  	_ =	shalt  }
0x72: {  	_ =	shalt  }
0x73: {  	_ =	shalt  }
0x74: {  	_ =	shalt  }
0x75: {  	_ =	shalt  }
0x76: {  	_ =	shalt  }
0x77: {  	_ =	shalt  }
0x78: {  	_ =	shalt  }
0x79: {  	_ =	shalt  }
0x7a: {  	_ =	shalt  }
0x7b: {  	_ =	shalt  }
0x7c: {  	_ =	shalt  }
0x7d: {  	_ =	shalt  }
0x7e: {  	_ =	shalt  }
0x7f: {  	_ =	shalt  }
0x80: {  	_ =	shalt  }
0x81: {  	_ =	shalt  }
0x82: {  	_ =	shalt  }
0x83: {  	_ =	shalt  }
0x84: {  	_ =	shalt  }
0x85: {  	_ =	shalt  }
0x86: {  	_ =	shalt  }
0x87: {  	_ =	shalt  }
.Lfunc_end0:
.L_simem_size_0:
called_computation_lowered:
.L_overlay_start_0:
0x88: {  	s2 =	sld [smem:$0x3FD9]  }
0x89: {  	s3 =	sld [smem:$0x3FFE];
	_ =	sdelay $0x1  }
0x8a: {  	s1 =	srdreg.scid  }
0x8b: {  	s0 =	sand.u32 $0x1, s1  }
0x8c: {  	s18 =	sshll.u32 s0, $0xA;
	s2 =	sadd.s32 s3, s2  }
0x8d: {  	s2 =	sadd.s32 s2, s18  }
0x8e: {  	[smem:$0x3FC6] =	sst s2  }
0x8f: {  	_ = 	snop  }
0x90: {  	s2 =	sld [smem:$0x3FC9]  }
0x91: {  	s19 =	sld [smem:$0x3FC8]  }
0x92: {  	s4 =	sld [smem:$0x3FD0];
	(tm) =	ssettm $0x1  }
0x93: {  	s5 =	sld [smem:$0x3FFB];
	_ =	sdelay $0x3  }
0x94: {  	_ =	strace s5  }
0x95: {  	s5 =	sld [smem:$0x3FFC];
	_ =	sdelay $0x3  }
0x96: {  	_ =	strace s5  }
0x97: {  	s5 =	sld [smem:$0x3FFD];
	_ =	sdelay $0x3  }
0x98: {  	_ =	strace s5  }
0x99: {  	_ =	strace $0x8FFFFFFF  }
0x9a: {  	s20 =	sld [smem:$0x3FDB];
	_ =	sdelay $0x1  }
0x9b: {  	s6 =	simm.s32 $_scs_section_size  }
0x9c: {  	s7 =	simm.s32 $_size__tile_overlayer_lowered;
	s8 =	simm.s32 $_tile_overlayer_lowered  }
0x9d: {  	s23 =	simm.s32 $0x1BFF;
	s22 =	sshll.u32 s8, $0x1;
	s5 =	sadd.s32 s6, s20  }
0x9e: {  	s9 =	simm.s32 $0x0;
	s21 =	sshll.u32 s7, $0x1;
	s7 =	sadd.s32 s22, s5  }
0x9f: {  	[timem:s9], [sflag:s23] =	dma.local [hbm:s7], s21  }
0xa0: {  	_ =	swait.ge [sflag:s23], s21  }
0xa1: {  	s6 =	ssub.s32 $0x0, s21;
	[sflag:s23] =	ssyncset.done $0x0  }
0xa2: {  	[sflag:s23] =	ssyncadd.s32 s6;
	_ =	sdelay $0x1  }
0xa3: {  	s24 =	simm.s32 $0x1B8B  }
0xa4: {  	_ =	swait.ge [sflag:s24], $0x1  }
0xa5: {  	[sflag:s24] =	ssyncset.done $0x0  }
0xa6: {  	s25 =	simm.s32 $0x1B8E;
	[sflag:s24] =	ssyncadd.s32 $0xFFFFFFFF  }
0xa7: {  	s26 =	simm.s32 $execute0_lowered;
	[smem:$0x3FD2] =	sst s25  }
0xa8: {  	s6 =	sshll.u32 s26, $0x1;
	_ =	strace $0x80000046;
	[dreg:$0x1] =	wrdreg $0xFFFFFFFF  }
0xa9: {  	s28 =	simm.s32 $_size_execute0_lowered;
	s5 =	sadd.s32 s5, s6;
	[dreg:$0x0] =	wrdreg $0x0  }
0xaa: {  	s6 =	sshll.u32 s28, $0x1;
	[dreg:$0x2] =	wrdreg s5  }
0xab: {  	[dreg:$0x3] =	wrdreg s6  }
0xac: {  	[dreg:$0x4] =	wrdreg $0xC0  }
0xad: {  	_ =	task [dreg:s9], $0x5FFFF  }
0xae: {  	[dreg:$0x1] =	wrdreg $0xFFFFFFFF  }
0xaf: {  	[dreg:$0x0] =	wrdreg $0x60  }
0xb0: {  	[dreg:$0x2] =	wrdreg s2  }
0xb1: {  	[dreg:$0x3] =	wrdreg s19  }
0xb2: {  	[dreg:$0x4] =	wrdreg s4  }
0xb3: {  	[dreg:$0x5] =	wrdreg $0x9  }
0xb4: {  	_ =	task.clear_ibuf [dreg:s9], $0x6FFFF;
	_ =	strace $0x90000046  }
0xb5: {  	s29 =	simm.s32 $0x9;
	_ =	strace $0x80000048  }
0xb6: {  	_ =	swait.ge [sflag:s29], $0x1  }
0xb7: {  	[sflag:s29] =	ssyncadd.s32 $0xFFFFFFFF  }
0xb8: {  	_ =	strace $0x90000048  }
0xb9: {  	_ =	sfence  }
0xba: {  	s30 =	sld [smem:$0x0];
	_ =	sdelay $0x2  }
0xbb: {  	s31 =	sshll.u32 s1, $0xD;
	s1 =	sshrl.u32 s1, $0x2  }
0xbc: {  	s3 =	sand.u32 $0x4000, s31;
	s1 =	sadd.s32 s1, s30  }
0xbd: {  	s0 =	sor.u32 s3, s0;
	s1 =	sshll.u32 s1, $0x11  }
0xbe: {  	s0 =	sor.u32 s1, s0  }
0xbf: {  	s0 =	sadd.s32 $0x8F2B, s0  }
0xc0: {  	[sflag:s0] =	ssyncadd.remote.s32 $0x1  }
0xc1: {  	_ =	sfence.sel $0xFFFF  }
0xc2: {  	[dreg:$0x0] =	wrdreg $0xFFFFFFFF;
	(pc) =	sbr.abs _section_cstart, $3  }
0xc3: {  	[dreg:$0x1] =	wrdreg $0xFFFFFFFF  }
0xc4: {  	_ =	task.clear_ibuf [dreg:s9], $0x2FFFF;
	_ =	strace $0x9FFFFFFF  }
0xc5: {  	(tm) =	ssettm $0x7FFFFFFF  }
tec
execute0_lowered:
.L_overlay_start_1:
0x0: {  	(tag) =	ssettag $0x1  }
0x1: {  	s0 =	rddreg [dreg:$0x0]  }
0x2: {  	s1 =	rddreg [dreg:$0x1]  }
0x3: {  	s2 =	rddreg [dreg:$0x2];
	s3 =	srdreg.scid;
	s7 =	simm.s32 $0x0  }
0x4: {  	s5 =	stileid.u32;
	s8 =	simm.s32 $0x400;
	s9 =	simm.s32 $0x7A1400  }
0x5: {  	s12 =	simm.s32 $0x2280;
	s13 =	simm.s32 $0x3280;
	s14 =	simm.s32 $0x4280  }
0x6: {  	s15 =	simm.s32 $0x5280;
	s16 =	simm.s32 $0x6280;
	s17 =	simm.s32 $0x7280  }
0x7: {  	s19 =	simm.s32 $0x8280;
	s20 =	simm.s32 $0x9280;
	s21 =	simm.s32 $0xA280  }
0x8: {  	s22 =	simm.s32 $0xB280;
	s23 =	simm.s32 $0xC280;
	s24 =	simm.s32 $0xD280  }
0x9: {  	s25 =	simm.s32 $0xE280;
	s3 =	sand.u32 $0x1, s3;
	s5 =	sshll.u32 s5, $0x1  }
0xa: {  	[smem:$0x7FF] =	sst s7;
	s4 =	ssub.s32 $0x2, s3;
	s3 =	sor.u32 s3, s5  }
.Ltmp0:
0xb: {  	_ =	strace $0x80000047;
	s5 =	sshll.u32 s3, $0x6;
	(pc) =	sbr.rel .LBB2_1-.Ltmp0, $4  }
0xc: {  	v0 =	vlaneseq.u32;
	s6 =	sshrl.u32 s4, $0x1;
	s3 =	sshll.u32 s3, $0xB;
	s0 =	sadd.s32 s0, s5  }
0xd: {  	v0 =	vmul.u32 $0x80, v0;
	s4 =	ssub.s32 s4, s6;
	s30 =	sadd.s32 s2, s3;
	[dreg:$0x4] =	wrdreg s0  }
0xe: {  	s26 =	simm.s32 $0xF280;
	[dreg:$0x5] =	wrdreg s30;
	s31 =	smax.u32 s4, $0x1  }
0xf: {  	s28 =	simm.s32 $0x0;
	v1 =	vor.u32 $0x800, v0;
	s2 =	simm.s32 $0x3;
	[dreg:$0x6] =	wrdreg s31  }
.LBB2_8:
0x10: {  	s7 =	simm.s32 $0x0;
	s0 =	rddreg [dreg:$0x5];
	s2 =	simm.s32 $0x10280  }
0x11: {  	[hbm4b:s0+s7] =	stream.linear.scatter [tilespmem:s2], [sflag:$0x3], $0x4000, $0x38;
	[tilespmem:$0x14280] =	vst v63  }
0x12: {  	s2 =	simm.s32 $0x3  }
0x13: {  	_ =	swait.ge [sflag:s2], $0x4000  }
0x14: {  	s28 =	sadd.s32 $0x1, s28;
	s31 =	rddreg [dreg:$0x6]  }
0x15: {  	p0 =	sne.s32 s28, s31  }
.Ltmp1:
0x16: {  	_ = 	snop;
	(pc) =	sbr.rel @!p0 .LBB2_9-.Ltmp1, $3  }
0x17: {  	_ =	sdelay $0x1  }
0x18: {  	[sflag:s2] =	ssyncset.done $0x0  }
0x19: {  	[sflag:s2] =	ssyncadd.s32 $0xFFFFC000  }
.LBB2_1:
0x1a: {  	s0 =	rddreg [dreg:$0x4]  }
0x1b: {  	[tilespmem:s7], [sflag:$0x3] =	stream.linear.gather [hbm4b:s0+s7], $0x200, $0x38;
	[tilespmem:$0x14280] =	vst v63  }
0x1c: {  	_ =	swait.ge [sflag:s2], $0x200  }
0x1d: {  	[sflag:s2] =	ssyncset.done $0x0  }
0x1e: {  	[sflag:s2] =	ssyncadd.s32 $0xFFFFFE00  }
0x1f: {  	v2 =	vld [tilespmem:$0x0];
	_ =	sdelay $0x4  }
0x20: {  	(v2sf) =	vpush v2, $0x0;
	_ =	sdelay $0x5  }
0x21: {  	(v2sf) =	vpush v2, $0x1;
	_ =	sdelay $0x8  }
0x22: {  	s11 =	spop (v2sf)  }
0x23: {  	(v2sf) =	vpush v2, $0x2;
	s18 =	sand.u32 $0x7F, s11  }
0x24: {  	s3 =	sshra.s32 s11, $0x1F;
	p0 =	slt.s32 s11, $0x1;
	p1 =	sne.s32 s18, $0x0  }
0x25: {  	s3 =	sshrl.u32 s3, $0x19;
	p0 =	por !p0, !p1  }
0x26: {  	s2 =	simm.s32 $0x1;
	s0 =	sadd.s32 s3, s11;
	p0 =	por !p0, !p0  }
0x27: {  	s0 =	sshrl.u32 s0, $0x7;
	s2 =	simm.s32 @!p0 $0x0  }
0x28: {  	s4 =	simm.s32 $0x280;
	s5 =	spop (v2sf);
	s0 =	ssub.s32 s0, s2  }
0x29: {  	s6 =	sand.u32 $0x7F, s5;
	s7 =	sshra.s32 s5, $0x1F;
	s0 =	sshll.u32 s0, $0x7  }
0x2a: {  	(v2sf) =	vpush v2, $0x3;
	p5 =	slt.s32 s5, $0x1;
	p6 =	sne.s32 s6, $0x0;
	s0 =	sand.u32 $0x1FFFFF80, s0  }
0x2b: {  	s10 =	sshrl.u32 s7, $0x19;
	p0 =	por !p5, !p6;
	s0 =	sadd.s32 s1, s0  }
0x2c: {  	[tilespmem:s4], [sflag:$0x1] =	stream.strided.gather [hbm4b:s0+s8], $0x1000, s9, s8, $0x38;
	[tilespmem:$0x14280] =	vst v63  }
0x2d: {  	p0 =	por !p0, !p0;
	s2 =	simm.s32 $0x1;
	s0 =	sadd.s32 s10, s5  }
0x2e: {  	s2 =	simm.s32 @!p0 $0x0;
	s0 =	sshrl.u32 s0, $0x7  }
0x2f: {  	s0 =	ssub.s32 s0, s2  }
0x30: {  	s0 =	sshll.u32 s0, $0x7  }
0x31: {  	s0 =	sand.u32 $0x1FFFFF80, s0  }
0x32: {  	s11 =	simm.s32 $0x1280;
	s0 =	sadd.s32 s1, s0;
	s18 =	spop (v2sf)  }
0x33: {  	[tilespmem:s11], [sflag:$0x1] =	stream.strided.gather [hbm4b:s0+s8], $0x1000, s9, s8, $0x38;
	[tilespmem:$0x14280] =	vst v63  }
0x34: {  	(v2sf) =	vpush v2, $0x4;
	s3 =	sand.u32 $0x7F, s18  }
0x35: {  	s4 =	sshra.s32 s18, $0x1F;
	p1 =	slt.s32 s18, $0x1;
	p2 =	sne.s32 s3, $0x0  }
0x36: {  	s5 =	sshrl.u32 s4, $0x19;
	p0 =	por !p1, !p2  }
0x37: {  	s2 =	simm.s32 $0x1;
	s0 =	sadd.s32 s5, s18;
	p0 =	por !p0, !p0  }
0x38: {  	s0 =	sshrl.u32 s0, $0x7;
	s2 =	simm.s32 @!p0 $0x0  }
0x39: {  	s6 =	spop (v2sf);
	s0 =	ssub.s32 s0, s2  }
0x3a: {  	s7 =	sand.u32 $0x7F, s6;
	s10 =	sshra.s32 s6, $0x1F;
	s0 =	sshll.u32 s0, $0x7  }
0x3b: {  	(v2sf) =	vpush v2, $0x5;
	p3 =	slt.s32 s6, $0x1;
	p4 =	sne.s32 s7, $0x0;
	s0 =	sand.u32 $0x1FFFFF80, s0  }
0x3c: {  	s11 =	sshrl.u32 s10, $0x19;
	p0 =	por !p3, !p4;
	s0 =	sadd.s32 s1, s0  }
0x3d: {  	[tilespmem:s12], [sflag:$0x1] =	stream.strided.gather [hbm4b:s0+s8], $0x1000, s9, s8, $0x38;
	[tilespmem:$0x14280] =	vst v63  }
0x3e: {  	p0 =	por !p0, !p0;
	s2 =	simm.s32 $0x1;
	s0 =	sadd.s32 s11, s6  }
0x3f: {  	s2 =	simm.s32 @!p0 $0x0;
	s0 =	sshrl.u32 s0, $0x7  }
0x40: {  	s0 =	ssub.s32 s0, s2  }
0x41: {  	s0 =	sshll.u32 s0, $0x7  }
0x42: {  	s0 =	sand.u32 $0x1FFFFF80, s0  }
0x43: {  	s0 =	sadd.s32 s1, s0;
	s18 =	spop (v2sf)  }
0x44: {  	[tilespmem:s13], [sflag:$0x1] =	stream.strided.gather [hbm4b:s0+s8], $0x1000, s9, s8, $0x38;
	[tilespmem:$0x14280] =	vst v63  }
0x45: {  	(v2sf) =	vpush v2, $0x6;
	s3 =	sand.u32 $0x7F, s18  }
0x46: {  	s4 =	sshra.s32 s18, $0x1F;
	p5 =	slt.s32 s18, $0x1;
	p6 =	sne.s32 s3, $0x0  }
0x47: {  	s5 =	sshrl.u32 s4, $0x19;
	p0 =	por !p5, !p6  }
0x48: {  	s2 =	simm.s32 $0x1;
	s0 =	sadd.s32 s5, s18;
	p0 =	por !p0, !p0  }
0x49: {  	s0 =	sshrl.u32 s0, $0x7;
	s2 =	simm.s32 @!p0 $0x0  }
0x4a: {  	s6 =	spop (v2sf);
	s0 =	ssub.s32 s0, s2  }
0x4b: {  	s7 =	sand.u32 $0x7F, s6;
	s10 =	sshra.s32 s6, $0x1F;
	s0 =	sshll.u32 s0, $0x7  }
0x4c: {  	(v2sf) =	vpush v2, $0x7;
	p1 =	slt.s32 s6, $0x1;
	p2 =	sne.s32 s7, $0x0;
	s0 =	sand.u32 $0x1FFFFF80, s0  }
0x4d: {  	s11 =	sshrl.u32 s10, $0x19;
	p0 =	por !p1, !p2;
	s0 =	sadd.s32 s1, s0  }
0x4e: {  	[tilespmem:s14], [sflag:$0x1] =	stream.strided.gather [hbm4b:s0+s8], $0x1000, s9, s8, $0x38;
	[tilespmem:$0x14280] =	vst v63  }
0x4f: {  	p0 =	por !p0, !p0;
	s2 =	simm.s32 $0x1;
	s0 =	sadd.s32 s11, s6  }
0x50: {  	s2 =	simm.s32 @!p0 $0x0;
	s0 =	sshrl.u32 s0, $0x7  }
0x51: {  	s0 =	ssub.s32 s0, s2  }
0x52: {  	s0 =	sshll.u32 s0, $0x7  }
0x53: {  	s0 =	sand.u32 $0x1FFFFF80, s0  }
0x54: {  	s18 =	spop (v2sf);
	s0 =	sadd.s32 s1, s0  }
0x55: {  	[tilespmem:s15], [sflag:$0x1] =	stream.strided.gather [hbm4b:s0+s8], $0x1000, s9, s8, $0x38;
	[tilespmem:$0x14280] =	vst v63  }
0x56: {  	s4 =	sand.u32 $0x7F, s18  }
0x57: {  	s5 =	sshra.s32 s18, $0x1F;
	p3 =	slt.s32 s18, $0x1;
	p4 =	sne.s32 s4, $0x0  }
0x58: {  	s6 =	sshrl.u32 s5, $0x19;
	p0 =	por !p3, !p4  }
0x59: {  	s2 =	simm.s32 $0x1;
	s0 =	sadd.s32 s6, s18;
	p0 =	por !p0, !p0  }
0x5a: {  	s0 =	sshrl.u32 s0, $0x7;
	s2 =	simm.s32 @!p0 $0x0  }
0x5b: {  	s7 =	spop (v2sf);
	s0 =	ssub.s32 s0, s2  }
0x5c: {  	s10 =	sand.u32 $0x7F, s7;
	s11 =	sshra.s32 s7, $0x1F;
	s0 =	sshll.u32 s0, $0x7  }
0x5d: {  	p5 =	slt.s32 s7, $0x1;
	p6 =	sne.s32 s10, $0x0;
	s0 =	sand.u32 $0x1FFFFF80, s0  }
0x5e: {  	s18 =	sshrl.u32 s11, $0x19;
	p0 =	por !p5, !p6;
	s0 =	sadd.s32 s1, s0  }
0x5f: {  	[tilespmem:s16], [sflag:$0x1] =	stream.strided.gather [hbm4b:s0+s8], $0x1000, s9, s8, $0x38;
	[tilespmem:$0x14280] =	vst v63  }
0x60: {  	p0 =	por !p0, !p0;
	s2 =	simm.s32 $0x1;
	s0 =	sadd.s32 s18, s7  }
0x61: {  	s2 =	simm.s32 @!p0 $0x0;
	s0 =	sshrl.u32 s0, $0x7  }
.Ltmp2:
0x62: {  	s0 =	ssub.s32 s0, s2;
	(pc) =	sbr.rel .LBB2_2-.Ltmp2, $4  }
0x63: {  	s0 =	sshll.u32 s0, $0x7  }
0x64: {  	s29 =	simm.s32 $0x10300;
	s0 =	sand.u32 $0x1FFFFF80, s0  }
0x65: {  	s30 =	simm.s32 $0x0;
	s31 =	simm.s32 $0x0;
	s0 =	sadd.s32 s1, s0  }
0x66: {  	[tilespmem:s17], [sflag:$0x1] =	stream.strided.gather [hbm4b:s0+s8], $0x1000, s9, s8, $0x38;
	[tilespmem:$0x14280] =	vst v63  }
.LBB2_6:
0x67: {  	s0 =	sshra.s32 s0, $0x2  }
0x68: {  	s2 =	simm.s32 $0xF280;
	s18 =	simm.s32 $0xE280;
	s4 =	simm.s32 $0xD280  }
0x69: {  	s5 =	simm.s32 $0xC280;
	s6 =	simm.s32 $0xB280;
	s7 =	simm.s32 $0xA280  }
0x6a: {  	s10 =	simm.s32 $0x9280;
	s11 =	simm.s32 $0x8280;
	s3 =	simm.s32 $0x2  }
.LBB2_7:
0x6b: {  	v2 =	vld [tilespmem:s0+$0x0];
	_ =	sdelay $0x4  }
0x6c: {  	(v2sf) =	vpush v2, $0x0;
	_ =	sdelay $0xe  }
0x6d: {  	s0 =	spop (v2sf)  }
0x6e: {  	_ =	swait.ge [sflag:s3], $0x1000  }
0x6f: {  	(v2sf) =	vpush v2, $0x1;
	_ =	sdelay $0x2  }
0x70: {  	s0 =	sand.u32 $0x7F, s0  }
0x71: {  	v3 =	vor.u32 s0, v0  }
0x72: {  	v4 =	vor.u32 s0, v1;
	_ =	sdelay $0x1  }
0x73: {  	[sflag:s3] =	ssyncset.done $0x0  }
0x74: {  	[sflag:s3] =	ssyncadd.s32 $0xFFFFF000  }
0x75: {  	v3 =	vld.idx.msk [tilespmem:v3+s11+$0x0], $0xffff  }
0x76: {  	v4 =	vld.idx.msk [tilespmem:v4+s11+$0x0], $0xffff;
	_ =	sdelay $0x3  }
0x77: {  	[tilespmem:s29+$0xFFFFFF80] =	vst v3  }
0x78: {  	[tilespmem:s29+$0xFFFFFF90] =	vst v4;
	s11 =	spop (v2sf)  }
0x79: {  	_ =	swait.ge [sflag:s3], $0x1000  }
0x7a: {  	(v2sf) =	vpush v2, $0x2;
	_ =	sdelay $0x2  }
0x7b: {  	s0 =	sand.u32 $0x7F, s11  }
0x7c: {  	v3 =	vor.u32 s0, v0  }
0x7d: {  	v59 =	vor.u32 s0, v1;
	_ =	sdelay $0x1  }
0x7e: {  	[sflag:s3] =	ssyncset.done $0x0  }
0x7f: {  	[sflag:s3] =	ssyncadd.s32 $0xFFFFF000  }
0x80: {  	v3 =	vld.idx.msk [tilespmem:v3+s10+$0x0], $0xffff  }
0x81: {  	v4 =	vld.idx.msk [tilespmem:v59+s10+$0x0], $0xffff;
	_ =	sdelay $0x3  }
0x82: {  	[tilespmem:s29+$0xFFFFFFA0] =	vst v3  }
0x83: {  	[tilespmem:s29+$0xFFFFFFB0] =	vst v4;
	s10 =	spop (v2sf)  }
0x84: {  	_ =	swait.ge [sflag:s3], $0x1000  }
0x85: {  	(v2sf) =	vpush v2, $0x3;
	_ =	sdelay $0x2  }
0x86: {  	s0 =	sand.u32 $0x7F, s10  }
0x87: {  	v3 =	vor.u32 s0, v0  }
0x88: {  	v60 =	vor.u32 s0, v1;
	_ =	sdelay $0x1  }
0x89: {  	[sflag:s3] =	ssyncset.done $0x0  }
0x8a: {  	[sflag:s3] =	ssyncadd.s32 $0xFFFFF000  }
0x8b: {  	v3 =	vld.idx.msk [tilespmem:v3+s7+$0x0], $0xffff  }
0x8c: {  	v4 =	vld.idx.msk [tilespmem:v60+s7+$0x0], $0xffff;
	_ =	sdelay $0x3  }
0x8d: {  	[tilespmem:s29+$0xFFFFFFC0] =	vst v3  }
0x8e: {  	[tilespmem:s29+$0xFFFFFFD0] =	vst v4;
	s11 =	spop (v2sf)  }
0x8f: {  	_ =	swait.ge [sflag:s3], $0x1000  }
0x90: {  	(v2sf) =	vpush v2, $0x4;
	_ =	sdelay $0x2  }
0x91: {  	s0 =	sand.u32 $0x7F, s11  }
0x92: {  	v3 =	vor.u32 s0, v0  }
0x93: {  	v61 =	vor.u32 s0, v1;
	_ =	sdelay $0x1  }
0x94: {  	[sflag:s3] =	ssyncset.done $0x0  }
0x95: {  	[sflag:s3] =	ssyncadd.s32 $0xFFFFF000  }
0x96: {  	v3 =	vld.idx.msk [tilespmem:v3+s6+$0x0], $0xffff  }
0x97: {  	v4 =	vld.idx.msk [tilespmem:v61+s6+$0x0], $0xffff;
	_ =	sdelay $0x3  }
0x98: {  	[tilespmem:s29+$0xFFFFFFE0] =	vst v3  }
0x99: {  	[tilespmem:s29+$0xFFFFFFF0] =	vst v4;
	s7 =	spop (v2sf)  }
0x9a: {  	_ =	swait.ge [sflag:s3], $0x1000  }
0x9b: {  	(v2sf) =	vpush v2, $0x5;
	_ =	sdelay $0x2  }
0x9c: {  	s0 =	sand.u32 $0x7F, s7  }
0x9d: {  	v3 =	vor.u32 s0, v0  }
0x9e: {  	v62 =	vor.u32 s0, v1;
	_ =	sdelay $0x1  }
0x9f: {  	[sflag:s3] =	ssyncset.done $0x0  }
0xa0: {  	[sflag:s3] =	ssyncadd.s32 $0xFFFFF000  }
0xa1: {  	v3 =	vld.idx.msk [tilespmem:v3+s5+$0x0], $0xffff  }
0xa2: {  	v4 =	vld.idx.msk [tilespmem:v62+s5+$0x0], $0xffff;
	_ =	sdelay $0x3  }
0xa3: {  	[tilespmem:s29+$0x0] =	vst v3  }
0xa4: {  	[tilespmem:s29+$0x10] =	vst v4;
	s10 =	spop (v2sf)  }
0xa5: {  	_ =	swait.ge [sflag:s3], $0x1000  }
0xa6: {  	(v2sf) =	vpush v2, $0x6;
	_ =	sdelay $0x2  }
0xa7: {  	s0 =	sand.u32 $0x7F, s10  }
0xa8: {  	v3 =	vor.u32 s0, v0  }
0xa9: {  	v63 =	vor.u32 s0, v1;
	_ =	sdelay $0x1  }
0xaa: {  	[sflag:s3] =	ssyncset.done $0x0  }
0xab: {  	[sflag:s3] =	ssyncadd.s32 $0xFFFFF000  }
0xac: {  	v3 =	vld.idx.msk [tilespmem:v3+s4+$0x0], $0xffff  }
0xad: {  	v4 =	vld.idx.msk [tilespmem:v63+s4+$0x0], $0xffff;
	_ =	sdelay $0x3  }
0xae: {  	[tilespmem:s29+$0x20] =	vst v3  }
0xaf: {  	[tilespmem:s29+$0x30] =	vst v4;
	s11 =	spop (v2sf)  }
0xb0: {  	_ =	swait.ge [sflag:s3], $0x1000  }
0xb1: {  	(v2sf) =	vpush v2, $0x7;
	_ =	sdelay $0x5  }
0xb2: {  	s0 =	sand.u32 $0x7F, s11  }
0xb3: {  	v2 =	vor.u32 s0, v0  }
0xb4: {  	v3 =	vor.u32 s0, v1;
	_ =	sdelay $0x1  }
0xb5: {  	[sflag:s3] =	ssyncset.done $0x0  }
0xb6: {  	[sflag:s3] =	ssyncadd.s32 $0xFFFFF000  }
0xb7: {  	v2 =	vld.idx.msk [tilespmem:v2+s18+$0x0], $0xffff  }
0xb8: {  	v3 =	vld.idx.msk [tilespmem:v3+s18+$0x0], $0xffff;
	_ =	sdelay $0x1  }
0xb9: {  	s18 =	spop (v2sf)  }
0xba: {  	s0 =	sand.u32 $0x7F, s18  }
0xbb: {  	[tilespmem:s29+$0x40] =	vst v2;
	v2 =	vor.u32 s0, v0  }
0xbc: {  	[tilespmem:s29+$0x50] =	vst v3;
	v3 =	vor.u32 s0, v1  }
0xbd: {  	_ =	swait.ge [sflag:s3], $0x1000  }
0xbe: {  	[sflag:s3] =	ssyncset.done $0x0  }
0xbf: {  	[sflag:s3] =	ssyncadd.s32 $0xFFFFF000  }
0xc0: {  	s30 =	sadd.s32 $0x20, s30;
	v2 =	vld.idx.msk [tilespmem:v2+s2+$0x0], $0xffff  }
0xc1: {  	p0 =	sne.s32 s30, $0x800;
	v3 =	vld.idx.msk [tilespmem:v3+s2+$0x0], $0xffff  }
.Ltmp3:
0xc2: {  	_ = 	snop;
	(pc) =	sbr.rel @!p0 .LBB2_8-.Ltmp3, $3  }
0xc3: {  	_ =	sdelay $0x1  }
0xc4: {  	[tilespmem:s29+$0x60] =	vst v2  }
0xc5: {  	s31 =	sadd.s32 $0x1, s31;
	[tilespmem:s29+$0x70] =	vst v3;
	s29 =	sadd.s32 $0x100, s29  }
.LBB2_2:
0xc6: {  	s0 =	sand.u32 $0x1, s31  }
0xc7: {  	p0 =	seq.s32 s0, $0x1  }
.Ltmp4:
0xc8: {  	_ = 	snop;
	(pc) =	sbr.rel @!p0 .LBB2_3-.Ltmp4, $1  }
0xc9: {  	_ =	sdelay $0x3  }
0xca: {  	p0 =	seq.s32 s30, $0x7E0  }
.Ltmp5:
0xcb: {  	_ = 	snop;
	(pc) =	sbr.rel @p0 .LBB2_6-.Ltmp5, $2  }
0xcc: {  	_ =	sdelay $0x2  }
0xcd: {  	s0 =	simm.s32 $0x7E0  }
0xce: {  	s0 =	sshra.s32 s30, $0x2  }
0xcf: {  	v2 =	vld [tilespmem:s0+$0x8];
	_ =	sdelay $0x4  }
0xd0: {  	(v2sf) =	vpush v2, $0x0;
	_ =	sdelay $0x5  }
0xd1: {  	(v2sf) =	vpush v2, $0x1;
	_ =	sdelay $0x8  }
0xd2: {  	s18 =	spop (v2sf)  }
0xd3: {  	(v2sf) =	vpush v2, $0x2;
	s2 =	sand.u32 $0x7F, s18  }
0xd4: {  	s3 =	sshra.s32 s18, $0x1F;
	p1 =	slt.s32 s18, $0x1;
	p0 =	sne.s32 s2, $0x0  }
0xd5: {  	s2 =	sshrl.u32 s3, $0x19;
	p0 =	por !p1, !p0  }
0xd6: {  	s0 =	sadd.s32 s2, s18;
	s2 =	simm.s32 $0x1;
	p0 =	por !p0, !p0  }
0xd7: {  	s0 =	sshrl.u32 s0, $0x7;
	s2 =	simm.s32 @!p0 $0x0  }
0xd8: {  	s4 =	simm.s32 $0x280;
	s5 =	spop (v2sf);
	s0 =	ssub.s32 s0, s2  }
0xd9: {  	s6 =	sand.u32 $0x7F, s5;
	s7 =	sshra.s32 s5, $0x1F;
	s0 =	sshll.u32 s0, $0x7  }
0xda: {  	(v2sf) =	vpush v2, $0x3;
	p6 =	slt.s32 s5, $0x1;
	p5 =	sne.s32 s6, $0x0;
	s0 =	sand.u32 $0x1FFFFF80, s0  }
0xdb: {  	p0 =	por !p6, !p5;
	s2 =	sshrl.u32 s7, $0x19;
	s0 =	sadd.s32 s1, s0  }
0xdc: {  	[tilespmem:s4], [sflag:$0x1] =	stream.strided.gather [hbm4b:s0+s8], $0x1000, s9, s8, $0x38;
	[tilespmem:$0x14280] =	vst v63  }
0xdd: {  	p0 =	por !p0, !p0;
	s0 =	sadd.s32 s2, s5;
	s2 =	simm.s32 $0x1  }
0xde: {  	s0 =	sshrl.u32 s0, $0x7;
	s2 =	simm.s32 @!p0 $0x0  }
0xdf: {  	s0 =	ssub.s32 s0, s2  }
0xe0: {  	s0 =	sshll.u32 s0, $0x7  }
0xe1: {  	s0 =	sand.u32 $0x1FFFFF80, s0  }
0xe2: {  	s10 =	simm.s32 $0x1280;
	s0 =	sadd.s32 s1, s0;
	s11 =	spop (v2sf)  }
0xe3: {  	[tilespmem:s10], [sflag:$0x1] =	stream.strided.gather [hbm4b:s0+s8], $0x1000, s9, s8, $0x38;
	[tilespmem:$0x14280] =	vst v63  }
0xe4: {  	(v2sf) =	vpush v2, $0x4;
	s18 =	sand.u32 $0x7F, s11  }
0xe5: {  	s3 =	sshra.s32 s11, $0x1F;
	p2 =	slt.s32 s11, $0x1;
	p1 =	sne.s32 s18, $0x0  }
0xe6: {  	s2 =	sshrl.u32 s3, $0x19;
	p0 =	por !p2, !p1  }
0xe7: {  	s0 =	sadd.s32 s2, s11;
	s2 =	simm.s32 $0x1;
	p0 =	por !p0, !p0  }
0xe8: {  	s0 =	sshrl.u32 s0, $0x7;
	s2 =	simm.s32 @!p0 $0x0  }
0xe9: {  	s4 =	spop (v2sf);
	s0 =	ssub.s32 s0, s2  }
0xea: {  	s5 =	sand.u32 $0x7F, s4;
	s6 =	sshra.s32 s4, $0x1F;
	s0 =	sshll.u32 s0, $0x7  }
0xeb: {  	(v2sf) =	vpush v2, $0x5;
	p4 =	slt.s32 s4, $0x1;
	p3 =	sne.s32 s5, $0x0;
	s0 =	sand.u32 $0x1FFFFF80, s0  }
0xec: {  	p0 =	por !p4, !p3;
	s2 =	sshrl.u32 s6, $0x19;
	s0 =	sadd.s32 s1, s0  }
0xed: {  	[tilespmem:s12], [sflag:$0x1] =	stream.strided.gather [hbm4b:s0+s8], $0x1000, s9, s8, $0x38;
	[tilespmem:$0x14280] =	vst v63  }
0xee: {  	p0 =	por !p0, !p0;
	s0 =	sadd.s32 s2, s4;
	s2 =	simm.s32 $0x1  }
0xef: {  	s0 =	sshrl.u32 s0, $0x7;
	s2 =	simm.s32 @!p0 $0x0  }
0xf0: {  	s0 =	ssub.s32 s0, s2  }
0xf1: {  	s0 =	sshll.u32 s0, $0x7  }
0xf2: {  	s0 =	sand.u32 $0x1FFFFF80, s0  }
0xf3: {  	s0 =	sadd.s32 s1, s0;
	s7 =	spop (v2sf)  }
0xf4: {  	[tilespmem:s13], [sflag:$0x1] =	stream.strided.gather [hbm4b:s0+s8], $0x1000, s9, s8, $0x38;
	[tilespmem:$0x14280] =	vst v63  }
0xf5: {  	(v2sf) =	vpush v2, $0x6;
	s10 =	sand.u32 $0x7F, s7  }
0xf6: {  	s11 =	sshra.s32 s7, $0x1F;
	p6 =	slt.s32 s7, $0x1;
	p5 =	sne.s32 s10, $0x0  }
0xf7: {  	s2 =	sshrl.u32 s11, $0x19;
	p0 =	por !p6, !p5  }
0xf8: {  	s0 =	sadd.s32 s2, s7;
	s2 =	simm.s32 $0x1;
	p0 =	por !p0, !p0  }
0xf9: {  	s0 =	sshrl.u32 s0, $0x7;
	s2 =	simm.s32 @!p0 $0x0  }
0xfa: {  	s18 =	spop (v2sf);
	s0 =	ssub.s32 s0, s2  }
0xfb: {  	s3 =	sand.u32 $0x7F, s18;
	s4 =	sshra.s32 s18, $0x1F;
	s0 =	sshll.u32 s0, $0x7  }
0xfc: {  	(v2sf) =	vpush v2, $0x7;
	p2 =	slt.s32 s18, $0x1;
	p1 =	sne.s32 s3, $0x0;
	s0 =	sand.u32 $0x1FFFFF80, s0  }
0xfd: {  	p0 =	por !p2, !p1;
	s2 =	sshrl.u32 s4, $0x19;
	s0 =	sadd.s32 s1, s0  }
0xfe: {  	[tilespmem:s14], [sflag:$0x1] =	stream.strided.gather [hbm4b:s0+s8], $0x1000, s9, s8, $0x38;
	[tilespmem:$0x14280] =	vst v63  }
0xff: {  	p0 =	por !p0, !p0;
	s0 =	sadd.s32 s2, s18;
	s2 =	simm.s32 $0x1  }
0x100: {  	s0 =	sshrl.u32 s0, $0x7;
	s2 =	simm.s32 @!p0 $0x0  }
0x101: {  	s0 =	ssub.s32 s0, s2  }
0x102: {  	s0 =	sshll.u32 s0, $0x7  }
0x103: {  	s0 =	sand.u32 $0x1FFFFF80, s0  }
0x104: {  	s5 =	spop (v2sf);
	s0 =	sadd.s32 s1, s0  }
0x105: {  	[tilespmem:s15], [sflag:$0x1] =	stream.strided.gather [hbm4b:s0+s8], $0x1000, s9, s8, $0x38;
	[tilespmem:$0x14280] =	vst v63  }
0x106: {  	s6 =	sand.u32 $0x7F, s5  }
0x107: {  	s7 =	sshra.s32 s5, $0x1F;
	p4 =	slt.s32 s5, $0x1;
	p3 =	sne.s32 s6, $0x0  }
0x108: {  	s0 =	sshrl.u32 s7, $0x19;
	p0 =	por !p4, !p3  }
0x109: {  	s2 =	simm.s32 $0x1;
	s0 =	sadd.s32 s0, s5;
	p0 =	por !p0, !p0  }
0x10a: {  	s0 =	sshrl.u32 s0, $0x7;
	s2 =	simm.s32 @!p0 $0x0  }
0x10b: {  	s10 =	spop (v2sf);
	s0 =	ssub.s32 s0, s2  }
0x10c: {  	s11 =	sand.u32 $0x7F, s10;
	s18 =	sshra.s32 s10, $0x1F;
	s0 =	sshll.u32 s0, $0x7  }
0x10d: {  	p6 =	slt.s32 s10, $0x1;
	p5 =	sne.s32 s11, $0x0;
	s0 =	sand.u32 $0x1FFFFF80, s0  }
0x10e: {  	p0 =	por !p6, !p5;
	s2 =	sshrl.u32 s18, $0x19;
	s0 =	sadd.s32 s1, s0  }
0x10f: {  	[tilespmem:s16], [sflag:$0x1] =	stream.strided.gather [hbm4b:s0+s8], $0x1000, s9, s8, $0x38;
	[tilespmem:$0x14280] =	vst v63  }
0x110: {  	p0 =	por !p0, !p0;
	s0 =	sadd.s32 s2, s10;
	s2 =	simm.s32 $0x1  }
0x111: {  	s0 =	sshrl.u32 s0, $0x7;
	s2 =	simm.s32 @!p0 $0x0  }
0x112: {  	s0 =	ssub.s32 s0, s2  }
.Ltmp6:
0x113: {  	s0 =	sshll.u32 s0, $0x7;
	(pc) =	sbr.rel .LBB2_6-.Ltmp6, $4  }
0x114: {  	s0 =	sand.u32 $0x1FFFFF80, s0  }
0x115: {  	s0 =	sadd.s32 s1, s0  }
0x116: {  	[tilespmem:s17], [sflag:$0x1] =	stream.strided.gather [hbm4b:s0+s8], $0x1000, s9, s8, $0x38;
	[tilespmem:$0x14280] =	vst v63  }
0x117: {  	s0 =	smov.u32 s30  }
.LBB2_3:
0x118: {  	s0 =	sshra.s32 s30, $0x2  }
0x119: {  	v2 =	vld [tilespmem:s0+$0x8];
	_ =	sdelay $0x4  }
0x11a: {  	(v2sf) =	vpush v2, $0x0;
	_ =	sdelay $0x5  }
0x11b: {  	(v2sf) =	vpush v2, $0x1;
	_ =	sdelay $0x8  }
0x11c: {  	s2 =	spop (v2sf)  }
0x11d: {  	(v2sf) =	vpush v2, $0x2;
	s3 =	sand.u32 $0x7F, s2  }
0x11e: {  	s4 =	sshra.s32 s2, $0x1F;
	p0 =	slt.s32 s2, $0x1;
	p1 =	sne.s32 s3, $0x0  }
0x11f: {  	s7 =	sshrl.u32 s4, $0x19;
	p0 =	por !p0, !p1  }
0x120: {  	s3 =	simm.s32 $0x1;
	s2 =	sadd.s32 s7, s2;
	p0 =	por !p0, !p0  }
0x121: {  	s2 =	sshrl.u32 s2, $0x7;
	s3 =	simm.s32 @!p0 $0x0  }
0x122: {  	s10 =	spop (v2sf);
	s2 =	ssub.s32 s2, s3  }
0x123: {  	s11 =	sand.u32 $0x7F, s10;
	s18 =	sshra.s32 s10, $0x1F;
	s2 =	sshll.u32 s2, $0x7  }
0x124: {  	(v2sf) =	vpush v2, $0x3;
	p5 =	slt.s32 s10, $0x1;
	p6 =	sne.s32 s11, $0x0;
	s2 =	sand.u32 $0x1FFFFF80, s2  }
0x125: {  	s5 =	sshrl.u32 s18, $0x19;
	p0 =	por !p5, !p6;
	s2 =	sadd.s32 s1, s2  }
0x126: {  	[tilespmem:s19], [sflag:$0x2] =	stream.strided.gather [hbm4b:s2+s8], $0x1000, s9, s8, $0x38;
	[tilespmem:$0x14280] =	vst v63  }
0x127: {  	p0 =	por !p0, !p0;
	s3 =	simm.s32 $0x1;
	s2 =	sadd.s32 s5, s10  }
0x128: {  	s3 =	simm.s32 @!p0 $0x0;
	s2 =	sshrl.u32 s2, $0x7  }
0x129: {  	s2 =	ssub.s32 s2, s3  }
0x12a: {  	s2 =	sshll.u32 s2, $0x7  }
0x12b: {  	s2 =	sand.u32 $0x1FFFFF80, s2  }
0x12c: {  	s2 =	sadd.s32 s1, s2;
	s6 =	spop (v2sf)  }
0x12d: {  	[tilespmem:s20], [sflag:$0x2] =	stream.strided.gather [hbm4b:s2+s8], $0x1000, s9, s8, $0x38;
	[tilespmem:$0x14280] =	vst v63  }
0x12e: {  	(v2sf) =	vpush v2, $0x4;
	s7 =	sand.u32 $0x7F, s6  }
0x12f: {  	s10 =	sshra.s32 s6, $0x1F;
	p1 =	slt.s32 s6, $0x1;
	p2 =	sne.s32 s7, $0x0  }
0x130: {  	s11 =	sshrl.u32 s10, $0x19;
	p0 =	por !p1, !p2  }
0x131: {  	s3 =	simm.s32 $0x1;
	s2 =	sadd.s32 s11, s6;
	p0 =	por !p0, !p0  }
0x132: {  	s2 =	sshrl.u32 s2, $0x7;
	s3 =	simm.s32 @!p0 $0x0  }
0x133: {  	s18 =	spop (v2sf);
	s2 =	ssub.s32 s2, s3  }
0x134: {  	s5 =	sand.u32 $0x7F, s18;
	p3 =	slt.s32 s18, $0x1;
	s2 =	sshll.u32 s2, $0x7  }
0x135: {  	(v2sf) =	vpush v2, $0x5;
	s6 =	sshra.s32 s18, $0x1F;
	p4 =	sne.s32 s5, $0x0;
	s2 =	sand.u32 $0x1FFFFF80, s2  }
0x136: {  	s7 =	sshrl.u32 s6, $0x19;
	p0 =	por !p3, !p4;
	s2 =	sadd.s32 s1, s2  }
0x137: {  	[tilespmem:s21], [sflag:$0x2] =	stream.strided.gather [hbm4b:s2+s8], $0x1000, s9, s8, $0x38;
	[tilespmem:$0x14280] =	vst v63  }
0x138: {  	p0 =	por !p0, !p0;
	s3 =	simm.s32 $0x1;
	s2 =	sadd.s32 s7, s18  }
0x139: {  	s3 =	simm.s32 @!p0 $0x0;
	s2 =	sshrl.u32 s2, $0x7  }
0x13a: {  	s2 =	ssub.s32 s2, s3  }
0x13b: {  	s2 =	sshll.u32 s2, $0x7  }
0x13c: {  	s2 =	sand.u32 $0x1FFFFF80, s2  }
0x13d: {  	s2 =	sadd.s32 s1, s2;
	s10 =	spop (v2sf)  }
0x13e: {  	[tilespmem:s22], [sflag:$0x2] =	stream.strided.gather [hbm4b:s2+s8], $0x1000, s9, s8, $0x38;
	[tilespmem:$0x14280] =	vst v63  }
0x13f: {  	(v2sf) =	vpush v2, $0x6;
	s11 =	sand.u32 $0x7F, s10  }
0x140: {  	s18 =	sshra.s32 s10, $0x1F;
	p5 =	slt.s32 s10, $0x1;
	p6 =	sne.s32 s11, $0x0  }
0x141: {  	s5 =	sshrl.u32 s18, $0x19;
	p0 =	por !p5, !p6  }
0x142: {  	s3 =	simm.s32 $0x1;
	s2 =	sadd.s32 s5, s10;
	p0 =	por !p0, !p0  }
0x143: {  	s2 =	sshrl.u32 s2, $0x7;
	s3 =	simm.s32 @!p0 $0x0  }
0x144: {  	s6 =	spop (v2sf);
	s2 =	ssub.s32 s2, s3  }
0x145: {  	s7 =	sand.u32 $0x7F, s6;
	p1 =	slt.s32 s6, $0x1;
	s2 =	sshll.u32 s2, $0x7  }
0x146: {  	(v2sf) =	vpush v2, $0x7;
	s10 =	sshra.s32 s6, $0x1F;
	p2 =	sne.s32 s7, $0x0;
	s2 =	sand.u32 $0x1FFFFF80, s2  }
0x147: {  	s11 =	sshrl.u32 s10, $0x19;
	p0 =	por !p1, !p2;
	s2 =	sadd.s32 s1, s2  }
0x148: {  	[tilespmem:s23], [sflag:$0x2] =	stream.strided.gather [hbm4b:s2+s8], $0x1000, s9, s8, $0x38;
	[tilespmem:$0x14280] =	vst v63  }
0x149: {  	p0 =	por !p0, !p0;
	s3 =	simm.s32 $0x1;
	s2 =	sadd.s32 s11, s6  }
0x14a: {  	s3 =	simm.s32 @!p0 $0x0;
	s2 =	sshrl.u32 s2, $0x7  }
0x14b: {  	s2 =	ssub.s32 s2, s3  }
0x14c: {  	s2 =	sshll.u32 s2, $0x7  }
0x14d: {  	s2 =	sand.u32 $0x1FFFFF80, s2  }
0x14e: {  	s18 =	spop (v2sf);
	s2 =	sadd.s32 s1, s2  }
0x14f: {  	[tilespmem:s24], [sflag:$0x2] =	stream.strided.gather [hbm4b:s2+s8], $0x1000, s9, s8, $0x38;
	[tilespmem:$0x14280] =	vst v63  }
0x150: {  	s4 =	sand.u32 $0x7F, s18  }
0x151: {  	s5 =	sshra.s32 s18, $0x1F;
	p3 =	slt.s32 s18, $0x1;
	p4 =	sne.s32 s4, $0x0  }
0x152: {  	s6 =	sshrl.u32 s5, $0x19;
	p0 =	por !p3, !p4  }
0x153: {  	s3 =	simm.s32 $0x1;
	s2 =	sadd.s32 s6, s18;
	p0 =	por !p0, !p0  }
0x154: {  	s2 =	sshrl.u32 s2, $0x7;
	s3 =	simm.s32 @!p0 $0x0  }
0x155: {  	s7 =	spop (v2sf);
	s2 =	ssub.s32 s2, s3  }
0x156: {  	s10 =	sand.u32 $0x7F, s7;
	s11 =	sshra.s32 s7, $0x1F;
	s2 =	sshll.u32 s2, $0x7  }
0x157: {  	p5 =	slt.s32 s7, $0x1;
	p6 =	sne.s32 s10, $0x0;
	s2 =	sand.u32 $0x1FFFFF80, s2  }
0x158: {  	s18 =	sshrl.u32 s11, $0x19;
	p0 =	por !p5, !p6;
	s2 =	sadd.s32 s1, s2  }
0x159: {  	[tilespmem:s25], [sflag:$0x2] =	stream.strided.gather [hbm4b:s2+s8], $0x1000, s9, s8, $0x38;
	[tilespmem:$0x14280] =	vst v63  }
0x15a: {  	p0 =	por !p0, !p0;
	s3 =	simm.s32 $0x1;
	s2 =	sadd.s32 s18, s7  }
0x15b: {  	s3 =	simm.s32 @!p0 $0x0;
	s2 =	sshrl.u32 s2, $0x7  }
0x15c: {  	s4 =	simm.s32 $0x5280;
	s2 =	ssub.s32 s2, s3  }
.Ltmp7:
0x15d: {  	s5 =	simm.s32 $0x4280;
	s2 =	sshll.u32 s2, $0x7;
	(pc) =	sbr.rel .LBB2_7-.Ltmp7, $4  }
0x15e: {  	s6 =	simm.s32 $0x3280;
	s10 =	simm.s32 $0x1280;
	s2 =	sand.u32 $0x1FFFFF80, s2  }
0x15f: {  	s11 =	simm.s32 $0x280;
	s18 =	simm.s32 $0x6280;
	s2 =	sadd.s32 s1, s2  }
0x160: {  	[tilespmem:s26], [sflag:$0x2] =	stream.strided.gather [hbm4b:s2+s8], $0x1000, s9, s8, $0x38;
	[tilespmem:$0x14280] =	vst v63  }
0x161: {  	s7 =	simm.s32 $0x2280;
	s3 =	simm.s32 $0x1;
	s2 =	simm.s32 $0x7280  }
.LBB2_9:
0x162: {  	_ =	sfence.sel $0x180000  }
0x163: {  	[bflag:$0x0] =	sbarrier.arrive $0xFFFF  }
0x164: {  	_ =	strace $0x90000047  }
0x165: {  	s0 =	stileid.u32;
	[bflag:$0x2] =	sbarrier.arrive $0xFFFF  }
0x166: {  	p0 =	sne.s32 s0, $0x0;
	s0 =	rddreg [dreg:$0x3]  }
0x167: {  	s0 =	sadd.s32 @!p0 $0x100000, s0  }
0x168: {  	[sflag:s0] =	ssyncadd.tile.s32 @!p0 $0x1;
	_ =	shalt  }
.Lfunc_end2:
_tile_overlayer_lowered:
.L_overlay_start_2:
0x169: {  	(tag) =	ssettag $0x2  }
0x16a: {  	s0 =	rddreg [dreg:$0x0];
	s2 =	stileid.u32  }
0x16b: {  	s1 =	rddreg [dreg:$0x1];
	p0 =	sne.s32 s2, $0x0  }
0x16c: {  	s3 =	rddreg [dreg:$0x2];
	[bflag:$0x3] =	sbarrier.arrive $0xFFFF;
	s2 =	simm.s32 @!p0 $0x1C03  }
0x16d: {  	[timem:s3], [sflag:s2] =	dma.local @!p0 [hbm:s0], s1  }
0x16e: {  	s0 =	simm.s32 @!p0 $0x3  }
0x16f: {  	_ =	swait.ge @!p0 [sflag:s0], s1  }
0x170: {  	s1 =	ssub.s32 @!p0 $0x0, s1;
	[sflag:s0] =	ssyncset.done @!p0 $0x0  }
0x171: {  	[sflag:s0] =	ssyncadd.s32 @!p0 s1  }
0x172: {  	[bflag:$0x3] =	sbarrier.arrive $0xFFFF  }
0x173: {  	_ =	shalt  }

</sc_bundles>
